<compile_context>
chip_gen: v7x
topology: tpu7x:2x2x1
jax: 0.10.2.dev20260603
libtpu: 0.0.44.dev20260713+nightly
codegen_flags: <defaults>
</compile_context>

<pallas_src>
import functools

import jax
import jax.numpy as jnp
from jax import lax
from jax.experimental import pallas as pl
from jax.experimental.pallas import tpu as pltpu
from jax.experimental.pallas import tpu_sc as plsc

NC = 2
NS = 16
NW = NC * NS

LB = 2048
NRING = 8


def _gz_body(b_per_w, d, v_rows, idx_hbm, tab_hbm, embT_hbm,
             idx_v, slab_v, tail_v, cols_v, sem, tsem):
  cid = lax.axis_index("c")
  sid = lax.axis_index("s")
  wid = sid * NC + cid
  base = wid * b_per_w
  n_full = (v_rows // 128) * 128

  pltpu.sync_copy(idx_hbm.at[pl.ds(base, b_per_w)], idx_v)

  lane16 = lax.iota(jnp.int32, 16)

  def idx_at(e):
    v = idx_v[pl.ds((e // 16) * 16, 16)]
    return jnp.max(jnp.where(lane16 == e % 16, v, jnp.int32(-1)))

  pltpu.async_copy(tab_hbm.at[:, pl.ds(n_full, v_rows - n_full)],
                   tail_v, tsem).wait()

  jvs = [lax.iota(jnp.int32, 16) + 16 * k for k in range(d // 16)]

  def fire(e):
    i = idx_at(e)
    c = jnp.minimum(i, n_full - 1) // 128
    pltpu.async_copy(tab_hbm.at[:, pl.ds(c * 128, 128)],
                     slab_v.at[e % NRING], sem)

  def extract(e):
    i = idx_at(e)
    l = i % 128
    ev = jnp.full((16,), e, jnp.int32)

    @pl.when(i < n_full)
    def _():
      lv = jnp.full((16,), l, jnp.int32)
      for k in range(d // 16):
        v = plsc.load_gather(slab_v.at[e % NRING], [jvs[k], lv])
        plsc.store_scatter(cols_v, [jvs[k], ev], v)

    @pl.when(i >= n_full)
    def _():
      lv = jnp.full((16,), i - n_full, jnp.int32)
      for k in range(d // 16):
        v = plsc.load_gather(tail_v, [jvs[k], lv])
        plsc.store_scatter(cols_v, [jvs[k], ev], v)

  NP = NRING - 2
  for e in range(NP):
    fire(e)

  def step(g, carry):
    for u in range(2):
      e = g * 2 + u
      pltpu.make_async_copy(tab_hbm.at[:, pl.ds(0, 128)],
                            slab_v.at[0], sem).wait()
      fire(e + NP)
      extract(e)
    return carry
  n_main = b_per_w - NP
  assert n_main % 2 == 0
  lax.fori_loop(0, n_main // 2, step, 0)

  for e in range(b_per_w - NP, b_per_w):
    pltpu.make_async_copy(tab_hbm.at[:, pl.ds(0, 128)],
                          slab_v.at[0], sem).wait()
    extract(e)

  pltpu.sync_copy(cols_v, embT_hbm.at[:, pl.ds(base, b_per_w)])


def _t1_body(ctx_ref, out_ref):
  s = pl.program_id(0)
  n = ctx_ref.shape[1]
  oh = (lax.broadcasted_iota(jnp.int32, (n, 1), 0) == s).astype(jnp.float32)
  col = jnp.dot(ctx_ref[...], oh, preferred_element_type=jnp.float32,
                precision=lax.Precision.HIGHEST)
  out_ref[...] = jnp.broadcast_to(col, out_ref.shape[1:])[None]


def _t2_body(_, embT_ref, out_ref):
  out_ref[...] = embT_ref[...][None]


def kernel(class_indices, ctx, class_embeddings):
  B = class_indices.shape[0]
  n_ctx, d = ctx.shape
  b_per_w = B // NW

  idx = class_indices.astype(jnp.int32)
  tab_t = class_embeddings.T
  v_rows = class_embeddings.shape[0]
  n_tail = v_rows - (v_rows // 128) * 128

  mesh = plsc.VectorSubcoreMesh(core_axis_name="c", subcore_axis_name="s")
  emb_t = pl.kernel(
      functools.partial(_gz_body, b_per_w, d, v_rows),
      out_type=jax.ShapeDtypeStruct((d, B), jnp.float32),
      mesh=mesh,
      compiler_params=pltpu.CompilerParams(needs_layout_passes=False),
      scratch_types=[
          pltpu.VMEM((b_per_w,), jnp.int32),
          pltpu.VMEM((NRING, d, 128), jnp.float32),
          pltpu.VMEM((d, n_tail), jnp.float32),
          pltpu.VMEM((d, b_per_w), jnp.float32),
          pltpu.SemaphoreType.DMA,
          pltpu.SemaphoreType.DMA,
      ],
  )(idx, tab_t)

  ctx_t = ctx.T
  out17 = pl.pallas_call(
      _t1_body,
      grid=(n_ctx, B // LB),
      in_specs=[pl.BlockSpec((d, n_ctx), lambda s, t: (0, 0))],
      out_specs=pl.BlockSpec((1, d, LB), lambda s, t: (s, 0, t)),
      out_shape=jax.ShapeDtypeStruct((n_ctx + 1, d, B), jnp.float32),
  )(ctx_t)

  out17 = pl.pallas_call(
      _t2_body,
      grid=(B // LB,),
      in_specs=[
          pl.BlockSpec(memory_space=pltpu.MemorySpace.HBM),
          pl.BlockSpec((d, LB), lambda t: (0, t)),
      ],
      out_specs=pl.BlockSpec((1, d, LB), lambda t: (n_ctx, 0, t)),
      out_shape=jax.ShapeDtypeStruct((n_ctx + 1, d, B), jnp.float32),
      input_output_aliases={0: 0},
  )(out17, emb_t)

  return out17.transpose(2, 0, 1)

# --- scband reference (transcript-rebuilt; emitter-appended) ---
"""Pipeline reference for scband-co-op-module-81140522156875 (READ-ONLY COPY).

The authoritative reference and input builder live on the scoring server;
editing this copy changes nothing except your own understanding.
"""

import jax, jax.numpy as jnp
import numpy as np

N_CTX = 16
CTX_DIM = 64
N_CLASSES = 1000000
BATCH = 16384

def setup_inputs(seed: int = 0) -> dict:
    key = jax.random.key(seed)
    k1, k2, k3 = jax.random.split(key, 3)
    class_indices = jax.random.randint(k1, (BATCH,), 0, N_CLASSES)
    ctx = jax.random.normal(k2, (N_CTX, CTX_DIM), dtype=jnp.float32) * 0.02
    class_embeddings = jax.random.normal(k3, (N_CLASSES, CTX_DIM), dtype=jnp.float32) * 0.02
    return {"class_indices": class_indices, "ctx": ctx, "class_embeddings": class_embeddings}

def reference(class_indices, ctx, class_embeddings):
    # embedding lookup: gather rows of the class-embedding table
    class_emb = jnp.take(class_embeddings, class_indices, axis=0)  # [B, ctx_dim]
    B = class_emb.shape[0]
    ctx_exp = jnp.broadcast_to(ctx[None, :, :], (B, ctx.shape[0], ctx.shape[1]))  # [B, n_ctx, ctx_dim]
    # class_token_position == 'end'
    prompts = jnp.concatenate([ctx_exp, class_emb[:, None, :]], axis=1)  # [B, n_ctx+1, ctx_dim]
    return prompts

if __name__ == "__main__":
    import jax
    _d = setup_inputs()
    print(jax.jit(kernel)(*tuple(_d.values())))

</pallas_src>

<mosaic_0001>
#map = affine_map<(d0, d1) -> (0)>
#map1 = affine_map<(d0, d1) -> (0, 0)>
module attributes {stable_mosaic.version = 14 : i64} {
  func.func @_gz_body(%arg0: i32, %arg1: i32, %arg2: memref<16384xi32, #tpu.memory_space<hbm>>, %arg3: memref<64x1000000xf32, #tpu.memory_space<hbm>>, %arg4: memref<64x16384xf32, #tpu.memory_space<hbm>>, %arg5: memref<512xi32, #tpu.memory_space<vmem>>, %arg6: memref<8x64x128xf32, #tpu.memory_space<vmem>>, %arg7: memref<64x64xf32, #tpu.memory_space<vmem>>, %arg8: memref<64x512xf32, #tpu.memory_space<vmem>>, %arg9: memref<!tpu.dma_semaphore, #tpu.memory_space<semaphore_mem>>, %arg10: memref<!tpu.dma_semaphore, #tpu.memory_space<semaphore_mem>>) attributes {dimension_semantics = [#tpu.dimension_semantics<core_parallel>, #tpu.dimension_semantics<subcore_parallel>], iteration_bounds = array<i64: 2, 16>, scalar_prefetch = 0 : i64, scratch_operands = 6 : i64, tpu.core_type = #tpu.core_type<sc_vector_subcore>, window_params = [{transform_indices = #map}, {transform_indices = #map1}, {transform_indices = #map1}]} {
    %mul3A = arith.constant 2 : i32
    %mul3A_0 = arith.muli %arg1, %mul3A : i32
    %add3A = arith.addi %mul3A_0, %arg0 : i32
    %mul3A_1 = arith.constant 512 : i32
    %mul3A_2 = arith.muli %add3A, %mul3A_1 : i32
    "tpu.region"() ({
      %run_scoped3A = tpu.sem_alloc : memref<!tpu.dma_semaphore, #tpu.memory_space<semaphore_mem>>
      %dma_start3A_713 = tpu.memref_slice %arg2[%mul3A_2] : memref<16384xi32, #tpu.memory_space<hbm>> -> memref<512xi32, #tpu.memory_space<hbm>>
      %dma_start3A_714 = tpu.memref_slice %arg2[%mul3A_2] : memref<16384xi32, #tpu.memory_space<hbm>> -> memref<512xi32, #tpu.memory_space<hbm>>
      tpu.enqueue_dma source(%dma_start3A_714 : memref<512xi32, #tpu.memory_space<hbm>>) target(%arg5 : memref<512xi32, #tpu.memory_space<vmem>>) target_semaphore(%run_scoped3A : memref<!tpu.dma_semaphore, #tpu.memory_space<semaphore_mem>>)
      %dma_wait3A_715 = tpu.memref_slice %arg2[%mul3A_2] : memref<16384xi32, #tpu.memory_space<hbm>> -> memref<512xi32, #tpu.memory_space<hbm>>
      %dma_wait3A_716 = tpu.memref_slice %arg2[%mul3A_2] : memref<16384xi32, #tpu.memory_space<hbm>> -> memref<512xi32, #tpu.memory_space<hbm>>
      tpu.wait_dma2 semaphore(%run_scoped3A : memref<!tpu.dma_semaphore, #tpu.memory_space<semaphore_mem>>) src(%dma_wait3A_716 : memref<512xi32, #tpu.memory_space<hbm>>) dst(%arg5 : memref<512xi32, #tpu.memory_space<vmem>>)
      tpu.yield
    }) : () -> ()
    %iota3A = tpu.iota {dimensions = array<i32: 0>} : vector<16xi32>
    %dma_start3A = arith.constant 0 : i32
    %dma_start3A_3 = arith.constant 999936 : i32
    %dma_start3A_4 = tpu.memref_slice %arg3[%dma_start3A, %dma_start3A_3] : memref<64x1000000xf32, #tpu.memory_space<hbm>> -> memref<64x64xf32, #tpu.memory_space<hbm>>
    %dma_start3A_5 = arith.constant 0 : i32
    %dma_start3A_6 = arith.constant 999936 : i32
    %dma_start3A_7 = tpu.memref_slice %arg3[%dma_start3A_5, %dma_start3A_6] : memref<64x1000000xf32, #tpu.memory_space<hbm>> -> memref<64x64xf32, #tpu.memory_space<hbm>>
    tpu.enqueue_dma source(%dma_start3A_7 : memref<64x64xf32, #tpu.memory_space<hbm>>) target(%arg7 : memref<64x64xf32, #tpu.memory_space<vmem>>) target_semaphore(%arg10 : memref<!tpu.dma_semaphore, #tpu.memory_space<semaphore_mem>>)
    %dma_wait3A = arith.constant 0 : i32
    %dma_wait3A_8 = arith.constant 999936 : i32
    %dma_wait3A_9 = tpu.memref_slice %arg3[%dma_wait3A, %dma_wait3A_8] : memref<64x1000000xf32, #tpu.memory_space<hbm>> -> memref<64x64xf32, #tpu.memory_space<hbm>>
    %dma_wait3A_10 = arith.constant 0 : i32
    %dma_wait3A_11 = arith.constant 999936 : i32
    %dma_wait3A_12 = tpu.memref_slice %arg3[%dma_wait3A_10, %dma_wait3A_11] : memref<64x1000000xf32, #tpu.memory_space<hbm>> -> memref<64x64xf32, #tpu.memory_space<hbm>>
    tpu.wait_dma2 semaphore(%arg10 : memref<!tpu.dma_semaphore, #tpu.memory_space<semaphore_mem>>) src(%dma_wait3A_12 : memref<64x64xf32, #tpu.memory_space<hbm>>) dst(%arg7 : memref<64x64xf32, #tpu.memory_space<vmem>>)
    %iota3A_13 = tpu.iota {dimensions = array<i32: 0>} : vector<16xi32>
    %add3A_14 = arith.constant 0 : i32
    %add3A_15 = vector.broadcast %add3A_14 : i32 to vector<16xi32>
    %add3A_16 = arith.addi %iota3A_13, %add3A_15 : vector<16xi32>
    %iota3A_17 = tpu.iota {dimensions = array<i32: 0>} : vector<16xi32>
    %add3A_18 = arith.constant 16 : i32
    %add3A_19 = vector.broadcast %add3A_18 : i32 to vector<16xi32>
    %add3A_20 = arith.addi %iota3A_17, %add3A_19 : vector<16xi32>
    %iota3A_21 = tpu.iota {dimensions = array<i32: 0>} : vector<16xi32>
    %add3A_22 = arith.constant 32 : i32
    %add3A_23 = vector.broadcast %add3A_22 : i32 to vector<16xi32>
    %add3A_24 = arith.addi %iota3A_21, %add3A_23 : vector<16xi32>
    %iota3A_25 = tpu.iota {dimensions = array<i32: 0>} : vector<16xi32>
    %add3A_26 = arith.constant 48 : i32
    %add3A_27 = vector.broadcast %add3A_26 : i32 to vector<16xi32>
    %add3A_28 = arith.addi %iota3A_25, %add3A_27 : vector<16xi32>
    %get3A = arith.constant 0 : index
    %get3A_29 = tpu.vector_load %arg5[%get3A] {strides = array<i32>} : memref<512xi32, #tpu.memory_space<vmem>>, vector<16xi32>,
    %eq3A = arith.constant 0 : i32
    %eq3A_30 = vector.broadcast %eq3A : i32 to vector<16xi32>
    %eq3A_31 = arith.cmpi eq, %iota3A, %eq3A_30 : vector<16xi32>
    %jit3A = arith.constant -1 : i32
    %broadcast_in_dim3A = vector.broadcast %jit3A : i32 to vector<16xi32>
    %select_n3A = arith.select %eq3A_31, %get3A_29, %broadcast_in_dim3A : vector<16xi1>, vector<16xi32>
    %reduce_max3A = arith.constant true
    %reduce_max3A_32 = vector.broadcast %reduce_max3A : i1 to vector<16xi1>
    %reduce_max3A_33 = arith.constant -2147483648 : i32
    %reduce_max3A_34 = vector.broadcast %reduce_max3A_33 : i32 to vector<16xi32>
    %reduce_max3A_35 = arith.xori %select_n3A, %reduce_max3A_34 : vector<16xi32>
    %reduce_max3A_36 = tpu.scan <max>, %reduce_max3A_35 masked %reduce_max3A_32 : vector<16xi32>, vector<16xi1> -> vector<16xi32>
    %reduce_max3A_37 = arith.xori %reduce_max3A_36, %reduce_max3A_34 : vector<16xi32>
    %reduce_max3A_38 = vector.extract %reduce_max3A_37[15] : i32 from vector<16xi32>
    %min3A = arith.constant 999935 : i32
    %min3A_39 = arith.minsi %reduce_max3A_38, %min3A : i32
    %jit3A_40 = arith.constant 128 : i32
    %div3A = arith.divsi %min3A_39, %jit3A_40 : i32
    %sign3A = arith.constant 0 : i32
    %sign3A_41 = arith.cmpi sgt, %min3A_39, %sign3A : i32
    %sign3A_42 = arith.extui %sign3A_41 : i1 to i32
    %sign3A_43 = arith.constant 0 : i32
    %sign3A_44 = arith.cmpi slt, %min3A_39, %sign3A_43 : i32
    %sign3A_45 = arith.extui %sign3A_44 : i1 to i32
    %sign3A_46 = arith.subi %sign3A_42, %sign3A_45 : i32
    %sign3A_47 = arith.constant 0 : i32
    %sign3A_48 = arith.cmpi sgt, %jit3A_40, %sign3A_47 : i32
    %sign3A_49 = arith.extui %sign3A_48 : i1 to i32
    %sign3A_50 = arith.constant 0 : i32
    %sign3A_51 = arith.cmpi slt, %jit3A_40, %sign3A_50 : i32
    %sign3A_52 = arith.extui %sign3A_51 : i1 to i32
    %sign3A_53 = arith.subi %sign3A_49, %sign3A_52 : i32
    %ne3A = arith.cmpi ne, %sign3A_46, %sign3A_53 : i32
    %rem3A = arith.remsi %min3A_39, %jit3A_40 : i32
    %ne3A_54 = arith.constant 0 : i32
    %ne3A_55 = arith.cmpi ne, %rem3A, %ne3A_54 : i32
    %and3A = arith.andi %ne3A, %ne3A_55 : i1
    %sub3A = arith.constant 1 : i32
    %sub3A_56 = arith.subi %div3A, %sub3A : i32
    %select_n3A_57 = arith.select %and3A, %sub3A_56, %div3A : i32
    %mul3A_58 = arith.constant 128 : i32
    %mul3A_59 = arith.muli %select_n3A_57, %mul3A_58 : i32
    %dma_start3A_60 = arith.constant 0 : i32
    %dma_start3A_61 = arith.constant 0 : i32
    %dma_start3A_62 = arith.constant 0 : i32
    %dma_start3A_63 = tpu.memref_slice %arg6[%dma_start3A_60, %dma_start3A_61, %dma_start3A_62] : memref<8x64x128xf32, #tpu.memory_space<vmem>> -> memref<1x64x128xf32, #tpu.memory_space<vmem>>
    %dma_start3A_64 = tpu.memref_squeeze %dma_start3A_63 : memref<1x64x128xf32, #tpu.memory_space<vmem>> -> memref<64x128xf32, #tpu.memory_space<vmem>>
    %dma_start3A_65 = arith.constant 0 : i32
    %dma_start3A_66 = tpu.memref_slice %arg3[%dma_start3A_65, %mul3A_59] : memref<64x1000000xf32, #tpu.memory_space<hbm>> -> memref<64x128xf32, #tpu.memory_space<hbm>>
    %dma_start3A_67 = arith.constant 0 : i32
    %dma_start3A_68 = arith.constant 0 : i32
    %dma_start3A_69 = tpu.memref_slice %arg6[%dma_start3A_60, %dma_start3A_67, %dma_start3A_68] : memref<8x64x128xf32, #tpu.memory_space<vmem>> -> memref<1x64x128xf32, #tpu.memory_space<vmem>>
    %dma_start3A_70 = tpu.memref_squeeze %dma_start3A_69 : memref<1x64x128xf32, #tpu.memory_space<vmem>> -> memref<64x128xf32, #tpu.memory_space<vmem>>
    %dma_start3A_71 = arith.constant 0 : i32
    %dma_start3A_72 = tpu.memref_slice %arg3[%dma_start3A_71, %mul3A_59] : memref<64x1000000xf32, #tpu.memory_space<hbm>> -> memref<64x128xf32, #tpu.memory_space<hbm>>
    tpu.enqueue_dma source(%dma_start3A_72 : memref<64x128xf32, #tpu.memory_space<hbm>>) target(%dma_start3A_70 : memref<64x128xf32, #tpu.memory_space<vmem>>) target_semaphore(%arg9 : memref<!tpu.dma_semaphore, #tpu.memory_space<semaphore_mem>>)
    %get3A_73 = arith.constant 0 : index
    %get3A_74 = tpu.vector_load %arg5[%get3A_73] {strides = array<i32>} : memref<512xi32, #tpu.memory_space<vmem>>, vector<16xi32>,
    %eq3A_75 = arith.constant 1 : i32
    %eq3A_76 = vector.broadcast %eq3A_75 : i32 to vector<16xi32>
    %eq3A_77 = arith.cmpi eq, %iota3A, %eq3A_76 : vector<16xi32>
    %jit3A_78 = arith.constant -1 : i32
    %broadcast_in_dim3A_79 = vector.broadcast %jit3A_78 : i32 to vector<16xi32>
    %select_n3A_80 = arith.select %eq3A_77, %get3A_74, %broadcast_in_dim3A_79 : vector<16xi1>, vector<16xi32>
    %reduce_max3A_81 = arith.constant true
    %reduce_max3A_82 = vector.broadcast %reduce_max3A_81 : i1 to vector<16xi1>
    %reduce_max3A_83 = arith.constant -2147483648 : i32
    %reduce_max3A_84 = vector.broadcast %reduce_max3A_83 : i32 to vector<16xi32>
    %reduce_max3A_85 = arith.xori %select_n3A_80, %reduce_max3A_84 : vector<16xi32>
    %reduce_max3A_86 = tpu.scan <max>, %reduce_max3A_85 masked %reduce_max3A_82 : vector<16xi32>, vector<16xi1> -> vector<16xi32>
    %reduce_max3A_87 = arith.xori %reduce_max3A_86, %reduce_max3A_84 : vector<16xi32>
    %reduce_max3A_88 = vector.extract %reduce_max3A_87[15] : i32 from vector<16xi32>
    %min3A_89 = arith.constant 999935 : i32
    %min3A_90 = arith.minsi %reduce_max3A_88, %min3A_89 : i32
    %jit3A_91 = arith.constant 128 : i32
    %div3A_92 = arith.divsi %min3A_90, %jit3A_91 : i32
    %sign3A_93 = arith.constant 0 : i32
    %sign3A_94 = arith.cmpi sgt, %min3A_90, %sign3A_93 : i32
    %sign3A_95 = arith.extui %sign3A_94 : i1 to i32
    %sign3A_96 = arith.constant 0 : i32
    %sign3A_97 = arith.cmpi slt, %min3A_90, %sign3A_96 : i32
    %sign3A_98 = arith.extui %sign3A_97 : i1 to i32
    %sign3A_99 = arith.subi %sign3A_95, %sign3A_98 : i32
    %sign3A_100 = arith.constant 0 : i32
    %sign3A_101 = arith.cmpi sgt, %jit3A_91, %sign3A_100 : i32
    %sign3A_102 = arith.extui %sign3A_101 : i1 to i32
    %sign3A_103 = arith.constant 0 : i32
    %sign3A_104 = arith.cmpi slt, %jit3A_91, %sign3A_103 : i32
    %sign3A_105 = arith.extui %sign3A_104 : i1 to i32
    %sign3A_106 = arith.subi %sign3A_102, %sign3A_105 : i32
    %ne3A_107 = arith.cmpi ne, %sign3A_99, %sign3A_106 : i32
    %rem3A_108 = arith.remsi %min3A_90, %jit3A_91 : i32
    %ne3A_109 = arith.constant 0 : i32
    %ne3A_110 = arith.cmpi ne, %rem3A_108, %ne3A_109 : i32
    %and3A_111 = arith.andi %ne3A_107, %ne3A_110 : i1
    %sub3A_112 = arith.constant 1 : i32
    %sub3A_113 = arith.subi %div3A_92, %sub3A_112 : i32
    %select_n3A_114 = arith.select %and3A_111, %sub3A_113, %div3A_92 : i32
    %mul3A_115 = arith.constant 128 : i32
    %mul3A_116 = arith.muli %select_n3A_114, %mul3A_115 : i32
    %dma_start3A_117 = arith.constant 1 : i32
    %dma_start3A_118 = arith.constant 0 : i32
    %dma_start3A_119 = arith.constant 0 : i32
    %dma_start3A_120 = tpu.memref_slice %arg6[%dma_start3A_117, %dma_start3A_118, %dma_start3A_119] : memref<8x64x128xf32, #tpu.memory_space<vmem>> -> memref<1x64x128xf32, #tpu.memory_space<vmem>>
    %dma_start3A_121 = tpu.memref_squeeze %dma_start3A_120 : memref<1x64x128xf32, #tpu.memory_space<vmem>> -> memref<64x128xf32, #tpu.memory_space<vmem>>
    %dma_start3A_122 = arith.constant 0 : i32
    %dma_start3A_123 = tpu.memref_slice %arg3[%dma_start3A_122, %mul3A_116] : memref<64x1000000xf32, #tpu.memory_space<hbm>> -> memref<64x128xf32, #tpu.memory_space<hbm>>
    %dma_start3A_124 = arith.constant 0 : i32
    %dma_start3A_125 = arith.constant 0 : i32
    %dma_start3A_126 = tpu.memref_slice %arg6[%dma_start3A_117, %dma_start3A_124, %dma_start3A_125] : memref<8x64x128xf32, #tpu.memory_space<vmem>> -> memref<1x64x128xf32, #tpu.memory_space<vmem>>
    %dma_start3A_127 = tpu.memref_squeeze %dma_start3A_126 : memref<1x64x128xf32, #tpu.memory_space<vmem>> -> memref<64x128xf32, #tpu.memory_space<vmem>>
    %dma_start3A_128 = arith.constant 0 : i32
    %dma_start3A_129 = tpu.memref_slice %arg3[%dma_start3A_128, %mul3A_116] : memref<64x1000000xf32, #tpu.memory_space<hbm>> -> memref<64x128xf32, #tpu.memory_space<hbm>>
    tpu.enqueue_dma source(%dma_start3A_129 : memref<64x128xf32, #tpu.memory_space<hbm>>) target(%dma_start3A_127 : memref<64x128xf32, #tpu.memory_space<vmem>>) target_semaphore(%arg9 : memref<!tpu.dma_semaphore, #tpu.memory_space<semaphore_mem>>)
    %get3A_130 = arith.constant 0 : index
    %get3A_131 = tpu.vector_load %arg5[%get3A_130] {strides = array<i32>} : memref<512xi32, #tpu.memory_space<vmem>>, vector<16xi32>,
    %eq3A_132 = arith.constant 2 : i32
    %eq3A_133 = vector.broadcast %eq3A_132 : i32 to vector<16xi32>
    %eq3A_134 = arith.cmpi eq, %iota3A, %eq3A_133 : vector<16xi32>
    %jit3A_135 = arith.constant -1 : i32
    %broadcast_in_dim3A_136 = vector.broadcast %jit3A_135 : i32 to vector<16xi32>
    %select_n3A_137 = arith.select %eq3A_134, %get3A_131, %broadcast_in_dim3A_136 : vector<16xi1>, vector<16xi32>
    %reduce_max3A_138 = arith.constant true
    %reduce_max3A_139 = vector.broadcast %reduce_max3A_138 : i1 to vector<16xi1>
    %reduce_max3A_140 = arith.constant -2147483648 : i32
    %reduce_max3A_141 = vector.broadcast %reduce_max3A_140 : i32 to vector<16xi32>
    %reduce_max3A_142 = arith.xori %select_n3A_137, %reduce_max3A_141 : vector<16xi32>
    %reduce_max3A_143 = tpu.scan <max>, %reduce_max3A_142 masked %reduce_max3A_139 : vector<16xi32>, vector<16xi1> -> vector<16xi32>
    %reduce_max3A_144 = arith.xori %reduce_max3A_143, %reduce_max3A_141 : vector<16xi32>
    %reduce_max3A_145 = vector.extract %reduce_max3A_144[15] : i32 from vector<16xi32>
    %min3A_146 = arith.constant 999935 : i32
    %min3A_147 = arith.minsi %reduce_max3A_145, %min3A_146 : i32
    %jit3A_148 = arith.constant 128 : i32
    %div3A_149 = arith.divsi %min3A_147, %jit3A_148 : i32
    %sign3A_150 = arith.constant 0 : i32
    %sign3A_151 = arith.cmpi sgt, %min3A_147, %sign3A_150 : i32
    %sign3A_152 = arith.extui %sign3A_151 : i1 to i32
    %sign3A_153 = arith.constant 0 : i32
    %sign3A_154 = arith.cmpi slt, %min3A_147, %sign3A_153 : i32
    %sign3A_155 = arith.extui %sign3A_154 : i1 to i32
    %sign3A_156 = arith.subi %sign3A_152, %sign3A_155 : i32
    %sign3A_157 = arith.constant 0 : i32
    %sign3A_158 = arith.cmpi sgt, %jit3A_148, %sign3A_157 : i32
    %sign3A_159 = arith.extui %sign3A_158 : i1 to i32
    %sign3A_160 = arith.constant 0 : i32
    %sign3A_161 = arith.cmpi slt, %jit3A_148, %sign3A_160 : i32
    %sign3A_162 = arith.extui %sign3A_161 : i1 to i32
    %sign3A_163 = arith.subi %sign3A_159, %sign3A_162 : i32
    %ne3A_164 = arith.cmpi ne, %sign3A_156, %sign3A_163 : i32
    %rem3A_165 = arith.remsi %min3A_147, %jit3A_148 : i32
    %ne3A_166 = arith.constant 0 : i32
    %ne3A_167 = arith.cmpi ne, %rem3A_165, %ne3A_166 : i32
    %and3A_168 = arith.andi %ne3A_164, %ne3A_167 : i1
    %sub3A_169 = arith.constant 1 : i32
    %sub3A_170 = arith.subi %div3A_149, %sub3A_169 : i32
    %select_n3A_171 = arith.select %and3A_168, %sub3A_170, %div3A_149 : i32
    %mul3A_172 = arith.constant 128 : i32
    %mul3A_173 = arith.muli %select_n3A_171, %mul3A_172 : i32
    %dma_start3A_174 = arith.constant 2 : i32
    %dma_start3A_175 = arith.constant 0 : i32
    %dma_start3A_176 = arith.constant 0 : i32
    %dma_start3A_177 = tpu.memref_slice %arg6[%dma_start3A_174, %dma_start3A_175, %dma_start3A_176] : memref<8x64x128xf32, #tpu.memory_space<vmem>> -> memref<1x64x128xf32, #tpu.memory_space<vmem>>
    %dma_start3A_178 = tpu.memref_squeeze %dma_start3A_177 : memref<1x64x128xf32, #tpu.memory_space<vmem>> -> memref<64x128xf32, #tpu.memory_space<vmem>>
    %dma_start3A_179 = arith.constant 0 : i32
    %dma_start3A_180 = tpu.memref_slice %arg3[%dma_start3A_179, %mul3A_173] : memref<64x1000000xf32, #tpu.memory_space<hbm>> -> memref<64x128xf32, #tpu.memory_space<hbm>>
    %dma_start3A_181 = arith.constant 0 : i32
    %dma_start3A_182 = arith.constant 0 : i32
    %dma_start3A_183 = tpu.memref_slice %arg6[%dma_start3A_174, %dma_start3A_181, %dma_start3A_182] : memref<8x64x128xf32, #tpu.memory_space<vmem>> -> memref<1x64x128xf32, #tpu.memory_space<vmem>>
    %dma_start3A_184 = tpu.memref_squeeze %dma_start3A_183 : memref<1x64x128xf32, #tpu.memory_space<vmem>> -> memref<64x128xf32, #tpu.memory_space<vmem>>
    %dma_start3A_185 = arith.constant 0 : i32
    %dma_start3A_186 = tpu.memref_slice %arg3[%dma_start3A_185, %mul3A_173] : memref<64x1000000xf32, #tpu.memory_space<hbm>> -> memref<64x128xf32, #tpu.memory_space<hbm>>
    tpu.enqueue_dma source(%dma_start3A_186 : memref<64x128xf32, #tpu.memory_space<hbm>>) target(%dma_start3A_184 : memref<64x128xf32, #tpu.memory_space<vmem>>) target_semaphore(%arg9 : memref<!tpu.dma_semaphore, #tpu.memory_space<semaphore_mem>>)
    %get3A_187 = arith.constant 0 : index
    %get3A_188 = tpu.vector_load %arg5[%get3A_187] {strides = array<i32>} : memref<512xi32, #tpu.memory_space<vmem>>, vector<16xi32>,
    %eq3A_189 = arith.constant 3 : i32
    %eq3A_190 = vector.broadcast %eq3A_189 : i32 to vector<16xi32>
    %eq3A_191 = arith.cmpi eq, %iota3A, %eq3A_190 : vector<16xi32>
    %jit3A_192 = arith.constant -1 : i32
    %broadcast_in_dim3A_193 = vector.broadcast %jit3A_192 : i32 to vector<16xi32>
    %select_n3A_194 = arith.select %eq3A_191, %get3A_188, %broadcast_in_dim3A_193 : vector<16xi1>, vector<16xi32>
    %reduce_max3A_195 = arith.constant true
    %reduce_max3A_196 = vector.broadcast %reduce_max3A_195 : i1 to vector<16xi1>
    %reduce_max3A_197 = arith.constant -2147483648 : i32
    %reduce_max3A_198 = vector.broadcast %reduce_max3A_197 : i32 to vector<16xi32>
    %reduce_max3A_199 = arith.xori %select_n3A_194, %reduce_max3A_198 : vector<16xi32>
    %reduce_max3A_200 = tpu.scan <max>, %reduce_max3A_199 masked %reduce_max3A_196 : vector<16xi32>, vector<16xi1> -> vector<16xi32>
    %reduce_max3A_201 = arith.xori %reduce_max3A_200, %reduce_max3A_198 : vector<16xi32>
    %reduce_max3A_202 = vector.extract %reduce_max3A_201[15] : i32 from vector<16xi32>
    %min3A_203 = arith.constant 999935 : i32
    %min3A_204 = arith.minsi %reduce_max3A_202, %min3A_203 : i32
    %jit3A_205 = arith.constant 128 : i32
    %div3A_206 = arith.divsi %min3A_204, %jit3A_205 : i32
    %sign3A_207 = arith.constant 0 : i32
    %sign3A_208 = arith.cmpi sgt, %min3A_204, %sign3A_207 : i32
    %sign3A_209 = arith.extui %sign3A_208 : i1 to i32
    %sign3A_210 = arith.constant 0 : i32
    %sign3A_211 = arith.cmpi slt, %min3A_204, %sign3A_210 : i32
    %sign3A_212 = arith.extui %sign3A_211 : i1 to i32
    %sign3A_213 = arith.subi %sign3A_209, %sign3A_212 : i32
    %sign3A_214 = arith.constant 0 : i32
    %sign3A_215 = arith.cmpi sgt, %jit3A_205, %sign3A_214 : i32
    %sign3A_216 = arith.extui %sign3A_215 : i1 to i32
    %sign3A_217 = arith.constant 0 : i32
    %sign3A_218 = arith.cmpi slt, %jit3A_205, %sign3A_217 : i32
    %sign3A_219 = arith.extui %sign3A_218 : i1 to i32
    %sign3A_220 = arith.subi %sign3A_216, %sign3A_219 : i32
    %ne3A_221 = arith.cmpi ne, %sign3A_213, %sign3A_220 : i32
    %rem3A_222 = arith.remsi %min3A_204, %jit3A_205 : i32
    %ne3A_223 = arith.constant 0 : i32
    %ne3A_224 = arith.cmpi ne, %rem3A_222, %ne3A_223 : i32
    %and3A_225 = arith.andi %ne3A_221, %ne3A_224 : i1
    %sub3A_226 = arith.constant 1 : i32
    %sub3A_227 = arith.subi %div3A_206, %sub3A_226 : i32
    %select_n3A_228 = arith.select %and3A_225, %sub3A_227, %div3A_206 : i32
    %mul3A_229 = arith.constant 128 : i32
    %mul3A_230 = arith.muli %select_n3A_228, %mul3A_229 : i32
    %dma_start3A_231 = arith.constant 3 : i32
    %dma_start3A_232 = arith.constant 0 : i32
    %dma_start3A_233 = arith.constant 0 : i32
    %dma_start3A_234 = tpu.memref_slice %arg6[%dma_start3A_231, %dma_start3A_232, %dma_start3A_233] : memref<8x64x128xf32, #tpu.memory_space<vmem>> -> memref<1x64x128xf32, #tpu.memory_space<vmem>>
    %dma_start3A_235 = tpu.memref_squeeze %dma_start3A_234 : memref<1x64x128xf32, #tpu.memory_space<vmem>> -> memref<64x128xf32, #tpu.memory_space<vmem>>
    %dma_start3A_236 = arith.constant 0 : i32
    %dma_start3A_237 = tpu.memref_slice %arg3[%dma_start3A_236, %mul3A_230] : memref<64x1000000xf32, #tpu.memory_space<hbm>> -> memref<64x128xf32, #tpu.memory_space<hbm>>
    %dma_start3A_238 = arith.constant 0 : i32
    %dma_start3A_239 = arith.constant 0 : i32
    %dma_start3A_240 = tpu.memref_slice %arg6[%dma_start3A_231, %dma_start3A_238, %dma_start3A_239] : memref<8x64x128xf32, #tpu.memory_space<vmem>> -> memref<1x64x128xf32, #tpu.memory_space<vmem>>
    %dma_start3A_241 = tpu.memref_squeeze %dma_start3A_240 : memref<1x64x128xf32, #tpu.memory_space<vmem>> -> memref<64x128xf32, #tpu.memory_space<vmem>>
    %dma_start3A_242 = arith.constant 0 : i32
    %dma_start3A_243 = tpu.memref_slice %arg3[%dma_start3A_242, %mul3A_230] : memref<64x1000000xf32, #tpu.memory_space<hbm>> -> memref<64x128xf32, #tpu.memory_space<hbm>>
    tpu.enqueue_dma source(%dma_start3A_243 : memref<64x128xf32, #tpu.memory_space<hbm>>) target(%dma_start3A_241 : memref<64x128xf32, #tpu.memory_space<vmem>>) target_semaphore(%arg9 : memref<!tpu.dma_semaphore, #tpu.memory_space<semaphore_mem>>)
    %get3A_244 = arith.constant 0 : index
    %get3A_245 = tpu.vector_load %arg5[%get3A_244] {strides = array<i32>} : memref<512xi32, #tpu.memory_space<vmem>>, vector<16xi32>,
    %eq3A_246 = arith.constant 4 : i32
    %eq3A_247 = vector.broadcast %eq3A_246 : i32 to vector<16xi32>
    %eq3A_248 = arith.cmpi eq, %iota3A, %eq3A_247 : vector<16xi32>
    %jit3A_249 = arith.constant -1 : i32
    %broadcast_in_dim3A_250 = vector.broadcast %jit3A_249 : i32 to vector<16xi32>
    %select_n3A_251 = arith.select %eq3A_248, %get3A_245, %broadcast_in_dim3A_250 : vector<16xi1>, vector<16xi32>
    %reduce_max3A_252 = arith.constant true
    %reduce_max3A_253 = vector.broadcast %reduce_max3A_252 : i1 to vector<16xi1>
    %reduce_max3A_254 = arith.constant -2147483648 : i32
    %reduce_max3A_255 = vector.broadcast %reduce_max3A_254 : i32 to vector<16xi32>
    %reduce_max3A_256 = arith.xori %select_n3A_251, %reduce_max3A_255 : vector<16xi32>
    %reduce_max3A_257 = tpu.scan <max>, %reduce_max3A_256 masked %reduce_max3A_253 : vector<16xi32>, vector<16xi1> -> vector<16xi32>
    %reduce_max3A_258 = arith.xori %reduce_max3A_257, %reduce_max3A_255 : vector<16xi32>
    %reduce_max3A_259 = vector.extract %reduce_max3A_258[15] : i32 from vector<16xi32>
    %min3A_260 = arith.constant 999935 : i32
    %min3A_261 = arith.minsi %reduce_max3A_259, %min3A_260 : i32
    %jit3A_262 = arith.constant 128 : i32
    %div3A_263 = arith.divsi %min3A_261, %jit3A_262 : i32
    %sign3A_264 = arith.constant 0 : i32
    %sign3A_265 = arith.cmpi sgt, %min3A_261, %sign3A_264 : i32
    %sign3A_266 = arith.extui %sign3A_265 : i1 to i32
    %sign3A_267 = arith.constant 0 : i32
    %sign3A_268 = arith.cmpi slt, %min3A_261, %sign3A_267 : i32
    %sign3A_269 = arith.extui %sign3A_268 : i1 to i32
    %sign3A_270 = arith.subi %sign3A_266, %sign3A_269 : i32
    %sign3A_271 = arith.constant 0 : i32
    %sign3A_272 = arith.cmpi sgt, %jit3A_262, %sign3A_271 : i32
    %sign3A_273 = arith.extui %sign3A_272 : i1 to i32
    %sign3A_274 = arith.constant 0 : i32
    %sign3A_275 = arith.cmpi slt, %jit3A_262, %sign3A_274 : i32
    %sign3A_276 = arith.extui %sign3A_275 : i1 to i32
    %sign3A_277 = arith.subi %sign3A_273, %sign3A_276 : i32
    %ne3A_278 = arith.cmpi ne, %sign3A_270, %sign3A_277 : i32
    %rem3A_279 = arith.remsi %min3A_261, %jit3A_262 : i32
    %ne3A_280 = arith.constant 0 : i32
    %ne3A_281 = arith.cmpi ne, %rem3A_279, %ne3A_280 : i32
    %and3A_282 = arith.andi %ne3A_278, %ne3A_281 : i1
    %sub3A_283 = arith.constant 1 : i32
    %sub3A_284 = arith.subi %div3A_263, %sub3A_283 : i32
    %select_n3A_285 = arith.select %and3A_282, %sub3A_284, %div3A_263 : i32
    %mul3A_286 = arith.constant 128 : i32
    %mul3A_287 = arith.muli %select_n3A_285, %mul3A_286 : i32
    %dma_start3A_288 = arith.constant 4 : i32
    %dma_start3A_289 = arith.constant 0 : i32
    %dma_start3A_290 = arith.constant 0 : i32
    %dma_start3A_291 = tpu.memref_slice %arg6[%dma_start3A_288, %dma_start3A_289, %dma_start3A_290] : memref<8x64x128xf32, #tpu.memory_space<vmem>> -> memref<1x64x128xf32, #tpu.memory_space<vmem>>
    %dma_start3A_292 = tpu.memref_squeeze %dma_start3A_291 : memref<1x64x128xf32, #tpu.memory_space<vmem>> -> memref<64x128xf32, #tpu.memory_space<vmem>>
    %dma_start3A_293 = arith.constant 0 : i32
    %dma_start3A_294 = tpu.memref_slice %arg3[%dma_start3A_293, %mul3A_287] : memref<64x1000000xf32, #tpu.memory_space<hbm>> -> memref<64x128xf32, #tpu.memory_space<hbm>>
    %dma_start3A_295 = arith.constant 0 : i32
    %dma_start3A_296 = arith.constant 0 : i32
    %dma_start3A_297 = tpu.memref_slice %arg6[%dma_start3A_288, %dma_start3A_295, %dma_start3A_296] : memref<8x64x128xf32, #tpu.memory_space<vmem>> -> memref<1x64x128xf32, #tpu.memory_space<vmem>>
    %dma_start3A_298 = tpu.memref_squeeze %dma_start3A_297 : memref<1x64x128xf32, #tpu.memory_space<vmem>> -> memref<64x128xf32, #tpu.memory_space<vmem>>
    %dma_start3A_299 = arith.constant 0 : i32
    %dma_start3A_300 = tpu.memref_slice %arg3[%dma_start3A_299, %mul3A_287] : memref<64x1000000xf32, #tpu.memory_space<hbm>> -> memref<64x128xf32, #tpu.memory_space<hbm>>
    tpu.enqueue_dma source(%dma_start3A_300 : memref<64x128xf32, #tpu.memory_space<hbm>>) target(%dma_start3A_298 : memref<64x128xf32, #tpu.memory_space<vmem>>) target_semaphore(%arg9 : memref<!tpu.dma_semaphore, #tpu.memory_space<semaphore_mem>>)
    %get3A_301 = arith.constant 0 : index
    %get3A_302 = tpu.vector_load %arg5[%get3A_301] {strides = array<i32>} : memref<512xi32, #tpu.memory_space<vmem>>, vector<16xi32>,
    %eq3A_303 = arith.constant 5 : i32
    %eq3A_304 = vector.broadcast %eq3A_303 : i32 to vector<16xi32>
    %eq3A_305 = arith.cmpi eq, %iota3A, %eq3A_304 : vector<16xi32>
    %jit3A_306 = arith.constant -1 : i32
    %broadcast_in_dim3A_307 = vector.broadcast %jit3A_306 : i32 to vector<16xi32>
    %select_n3A_308 = arith.select %eq3A_305, %get3A_302, %broadcast_in_dim3A_307 : vector<16xi1>, vector<16xi32>
    %reduce_max3A_309 = arith.constant true
    %reduce_max3A_310 = vector.broadcast %reduce_max3A_309 : i1 to vector<16xi1>
    %reduce_max3A_311 = arith.constant -2147483648 : i32
    %reduce_max3A_312 = vector.broadcast %reduce_max3A_311 : i32 to vector<16xi32>
    %reduce_max3A_313 = arith.xori %select_n3A_308, %reduce_max3A_312 : vector<16xi32>
    %reduce_max3A_314 = tpu.scan <max>, %reduce_max3A_313 masked %reduce_max3A_310 : vector<16xi32>, vector<16xi1> -> vector<16xi32>
    %reduce_max3A_315 = arith.xori %reduce_max3A_314, %reduce_max3A_312 : vector<16xi32>
    %reduce_max3A_316 = vector.extract %reduce_max3A_315[15] : i32 from vector<16xi32>
    %min3A_317 = arith.constant 999935 : i32
    %min3A_318 = arith.minsi %reduce_max3A_316, %min3A_317 : i32
    %jit3A_319 = arith.constant 128 : i32
    %div3A_320 = arith.divsi %min3A_318, %jit3A_319 : i32
    %sign3A_321 = arith.constant 0 : i32
    %sign3A_322 = arith.cmpi sgt, %min3A_318, %sign3A_321 : i32
    %sign3A_323 = arith.extui %sign3A_322 : i1 to i32
    %sign3A_324 = arith.constant 0 : i32
    %sign3A_325 = arith.cmpi slt, %min3A_318, %sign3A_324 : i32
    %sign3A_326 = arith.extui %sign3A_325 : i1 to i32
    %sign3A_327 = arith.subi %sign3A_323, %sign3A_326 : i32
    %sign3A_328 = arith.constant 0 : i32
    %sign3A_329 = arith.cmpi sgt, %jit3A_319, %sign3A_328 : i32
    %sign3A_330 = arith.extui %sign3A_329 : i1 to i32
    %sign3A_331 = arith.constant 0 : i32
    %sign3A_332 = arith.cmpi slt, %jit3A_319, %sign3A_331 : i32
    %sign3A_333 = arith.extui %sign3A_332 : i1 to i32
    %sign3A_334 = arith.subi %sign3A_330, %sign3A_333 : i32
    %ne3A_335 = arith.cmpi ne, %sign3A_327, %sign3A_334 : i32
    %rem3A_336 = arith.remsi %min3A_318, %jit3A_319 : i32
    %ne3A_337 = arith.constant 0 : i32
    %ne3A_338 = arith.cmpi ne, %rem3A_336, %ne3A_337 : i32
    %and3A_339 = arith.andi %ne3A_335, %ne3A_338 : i1
    %sub3A_340 = arith.constant 1 : i32
    %sub3A_341 = arith.subi %div3A_320, %sub3A_340 : i32
    %select_n3A_342 = arith.select %and3A_339, %sub3A_341, %div3A_320 : i32
    %mul3A_343 = arith.constant 128 : i32
    %mul3A_344 = arith.muli %select_n3A_342, %mul3A_343 : i32
    %dma_start3A_345 = arith.constant 5 : i32
    %dma_start3A_346 = arith.constant 0 : i32
    %dma_start3A_347 = arith.constant 0 : i32
    %dma_start3A_348 = tpu.memref_slice %arg6[%dma_start3A_345, %dma_start3A_346, %dma_start3A_347] : memref<8x64x128xf32, #tpu.memory_space<vmem>> -> memref<1x64x128xf32, #tpu.memory_space<vmem>>
    %dma_start3A_349 = tpu.memref_squeeze %dma_start3A_348 : memref<1x64x128xf32, #tpu.memory_space<vmem>> -> memref<64x128xf32, #tpu.memory_space<vmem>>
    %dma_start3A_350 = arith.constant 0 : i32
    %dma_start3A_351 = tpu.memref_slice %arg3[%dma_start3A_350, %mul3A_344] : memref<64x1000000xf32, #tpu.memory_space<hbm>> -> memref<64x128xf32, #tpu.memory_space<hbm>>
    %dma_start3A_352 = arith.constant 0 : i32
    %dma_start3A_353 = arith.constant 0 : i32
    %dma_start3A_354 = tpu.memref_slice %arg6[%dma_start3A_345, %dma_start3A_352, %dma_start3A_353] : memref<8x64x128xf32, #tpu.memory_space<vmem>> -> memref<1x64x128xf32, #tpu.memory_space<vmem>>
    %dma_start3A_355 = tpu.memref_squeeze %dma_start3A_354 : memref<1x64x128xf32, #tpu.memory_space<vmem>> -> memref<64x128xf32, #tpu.memory_space<vmem>>
    %dma_start3A_356 = arith.constant 0 : i32
    %dma_start3A_357 = tpu.memref_slice %arg3[%dma_start3A_356, %mul3A_344] : memref<64x1000000xf32, #tpu.memory_space<hbm>> -> memref<64x128xf32, #tpu.memory_space<hbm>>
    tpu.enqueue_dma source(%dma_start3A_357 : memref<64x128xf32, #tpu.memory_space<hbm>>) target(%dma_start3A_355 : memref<64x128xf32, #tpu.memory_space<vmem>>) target_semaphore(%arg9 : memref<!tpu.dma_semaphore, #tpu.memory_space<semaphore_mem>>)
    %scan3A = arith.constant 0 : i32
    %scan3A_358 = arith.constant 0 : i32
    %scan3A_359 = arith.constant 253 : i32
    %scan3A_360 = arith.addi %scan3A_358, %scan3A_359 : i32
    %scan3A_361 = arith.constant 1 : i32
    scf.for %scan3A_713 = %scan3A_358 to %scan3A_360 step %scan3A_361  : i32 {
      %mul3A_714 = arith.constant 2 : i32
      %mul3A_715 = arith.muli %scan3A_713, %mul3A_714 : i32
      %add3A_716 = arith.constant 0 : i32
      %add3A_717 = arith.addi %mul3A_715, %add3A_716 : i32
      %dma_wait3A_718 = arith.constant 0 : i32
      %dma_wait3A_719 = arith.constant 0 : i32
      %dma_wait3A_720 = arith.constant 0 : i32
      %dma_wait3A_721 = tpu.memref_slice %arg6[%dma_wait3A_718, %dma_wait3A_719, %dma_wait3A_720] : memref<8x64x128xf32, #tpu.memory_space<vmem>> -> memref<1x64x128xf32, #tpu.memory_space<vmem>>
      %dma_wait3A_722 = tpu.memref_squeeze %dma_wait3A_721 : memref<1x64x128xf32, #tpu.memory_space<vmem>> -> memref<64x128xf32, #tpu.memory_space<vmem>>
      %dma_wait3A_723 = arith.constant 0 : i32
      %dma_wait3A_724 = arith.constant 0 : i32
      %dma_wait3A_725 = tpu.memref_slice %arg3[%dma_wait3A_723, %dma_wait3A_724] : memref<64x1000000xf32, #tpu.memory_space<hbm>> -> memref<64x128xf32, #tpu.memory_space<hbm>>
      %dma_wait3A_726 = arith.constant 0 : i32
      %dma_wait3A_727 = arith.constant 0 : i32
      %dma_wait3A_728 = tpu.memref_slice %arg6[%dma_wait3A_718, %dma_wait3A_726, %dma_wait3A_727] : memref<8x64x128xf32, #tpu.memory_space<vmem>> -> memref<1x64x128xf32, #tpu.memory_space<vmem>>
      %dma_wait3A_729 = tpu.memref_squeeze %dma_wait3A_728 : memref<1x64x128xf32, #tpu.memory_space<vmem>> -> memref<64x128xf32, #tpu.memory_space<vmem>>
      %dma_wait3A_730 = arith.constant 0 : i32
      %dma_wait3A_731 = arith.constant 0 : i32
      %dma_wait3A_732 = tpu.memref_slice %arg3[%dma_wait3A_730, %dma_wait3A_731] : memref<64x1000000xf32, #tpu.memory_space<hbm>> -> memref<64x128xf32, #tpu.memory_space<hbm>>
      tpu.wait_dma2 semaphore(%arg9 : memref<!tpu.dma_semaphore, #tpu.memory_space<semaphore_mem>>) src(%dma_wait3A_732 : memref<64x128xf32, #tpu.memory_space<hbm>>) dst(%dma_wait3A_729 : memref<64x128xf32, #tpu.memory_space<vmem>>)
      %add3A_733 = arith.constant 6 : i32
      %add3A_734 = arith.addi %add3A_717, %add3A_733 : i32
      %jit3A_735 = arith.constant 16 : i32
      %div3A_736 = arith.divsi %add3A_734, %jit3A_735 : i32
      %sign3A_737 = arith.constant 0 : i32
      %sign3A_738 = arith.cmpi sgt, %add3A_734, %sign3A_737 : i32
      %sign3A_739 = arith.extui %sign3A_738 : i1 to i32
      %sign3A_740 = arith.constant 0 : i32
      %sign3A_741 = arith.cmpi slt, %add3A_734, %sign3A_740 : i32
      %sign3A_742 = arith.extui %sign3A_741 : i1 to i32
      %sign3A_743 = arith.subi %sign3A_739, %sign3A_742 : i32
      %sign3A_744 = arith.constant 0 : i32
      %sign3A_745 = arith.cmpi sgt, %jit3A_735, %sign3A_744 : i32
      %sign3A_746 = arith.extui %sign3A_745 : i1 to i32
      %sign3A_747 = arith.constant 0 : i32
      %sign3A_748 = arith.cmpi slt, %jit3A_735, %sign3A_747 : i32
      %sign3A_749 = arith.extui %sign3A_748 : i1 to i32
      %sign3A_750 = arith.subi %sign3A_746, %sign3A_749 : i32
      %ne3A_751 = arith.cmpi ne, %sign3A_743, %sign3A_750 : i32
      %rem3A_752 = arith.remsi %add3A_734, %jit3A_735 : i32
      %ne3A_753 = arith.constant 0 : i32
      %ne3A_754 = arith.cmpi ne, %rem3A_752, %ne3A_753 : i32
      %and3A_755 = arith.andi %ne3A_751, %ne3A_754 : i1
      %sub3A_756 = arith.constant 1 : i32
      %sub3A_757 = arith.subi %div3A_736, %sub3A_756 : i32
      %select_n3A_758 = arith.select %and3A_755, %sub3A_757, %div3A_736 : i32
      %mul3A_759 = arith.constant 16 : i32
      %mul3A_760 = arith.muli %select_n3A_758, %mul3A_759 : i32
      %get3A_761 = arith.index_cast %mul3A_760 : i32 to index
      %get3A_762 = tpu.vector_load %arg5[%get3A_761] {strides = array<i32>} : memref<512xi32, #tpu.memory_space<vmem>>, vector<16xi32>,
      %jit3A_763 = arith.constant 16 : i32
      %eq3A_764 = arith.constant 0 : i32
      %eq3A_765 = arith.cmpi eq, %jit3A_763, %eq3A_764 : i32
      %jit3A_766 = arith.constant 1 : i32
      %select_n3A_767 = arith.select %eq3A_765, %jit3A_766, %jit3A_763 : i32
      %rem3A_768 = arith.remsi %add3A_734, %select_n3A_767 : i32
      %ne3A_769 = arith.constant 0 : i32
      %ne3A_770 = arith.cmpi ne, %rem3A_768, %ne3A_769 : i32
      %lt3A_771 = arith.constant 0 : i32
      %lt3A_772 = arith.cmpi slt, %rem3A_768, %lt3A_771 : i32
      %lt3A_773 = arith.constant 0 : i32
      %lt3A_774 = arith.cmpi slt, %select_n3A_767, %lt3A_773 : i32
      %ne3A_775 = arith.xori %lt3A_772, %lt3A_774 : i1
      %and3A_776 = arith.andi %ne3A_775, %ne3A_770 : i1
      %add3A_777 = arith.addi %rem3A_768, %select_n3A_767 : i32
      %select_n3A_778 = arith.select %and3A_776, %add3A_777, %rem3A_768 : i32
      %eq3A_779 = vector.broadcast %select_n3A_778 : i32 to vector<16xi32>
      %eq3A_780 = arith.cmpi eq, %iota3A, %eq3A_779 : vector<16xi32>
      %jit3A_781 = arith.constant -1 : i32
      %broadcast_in_dim3A_782 = vector.broadcast %jit3A_781 : i32 to vector<16xi32>
      %select_n3A_783 = arith.select %eq3A_780, %get3A_762, %broadcast_in_dim3A_782 : vector<16xi1>, vector<16xi32>
      %reduce_max3A_784 = arith.constant true
      %reduce_max3A_785 = vector.broadcast %reduce_max3A_784 : i1 to vector<16xi1>
      %reduce_max3A_786 = arith.constant -2147483648 : i32
      %reduce_max3A_787 = vector.broadcast %reduce_max3A_786 : i32 to vector<16xi32>
      %reduce_max3A_788 = arith.xori %select_n3A_783, %reduce_max3A_787 : vector<16xi32>
      %reduce_max3A_789 = tpu.scan <max>, %reduce_max3A_788 masked %reduce_max3A_785 : vector<16xi32>, vector<16xi1> -> vector<16xi32>
      %reduce_max3A_790 = arith.xori %reduce_max3A_789, %reduce_max3A_787 : vector<16xi32>
      %reduce_max3A_791 = vector.extract %reduce_max3A_790[15] : i32 from vector<16xi32>
      %min3A_792 = arith.constant 999935 : i32
      %min3A_793 = arith.minsi %reduce_max3A_791, %min3A_792 : i32
      %jit3A_794 = arith.constant 128 : i32
      %div3A_795 = arith.divsi %min3A_793, %jit3A_794 : i32
      %sign3A_796 = arith.constant 0 : i32
      %sign3A_797 = arith.cmpi sgt, %min3A_793, %sign3A_796 : i32
      %sign3A_798 = arith.extui %sign3A_797 : i1 to i32
      %sign3A_799 = arith.constant 0 : i32
      %sign3A_800 = arith.cmpi slt, %min3A_793, %sign3A_799 : i32
      %sign3A_801 = arith.extui %sign3A_800 : i1 to i32
      %sign3A_802 = arith.subi %sign3A_798, %sign3A_801 : i32
      %sign3A_803 = arith.constant 0 : i32
      %sign3A_804 = arith.cmpi sgt, %jit3A_794, %sign3A_803 : i32
      %sign3A_805 = arith.extui %sign3A_804 : i1 to i32
      %sign3A_806 = arith.constant 0 : i32
      %sign3A_807 = arith.cmpi slt, %jit3A_794, %sign3A_806 : i32
      %sign3A_808 = arith.extui %sign3A_807 : i1 to i32
      %sign3A_809 = arith.subi %sign3A_805, %sign3A_808 : i32
      %ne3A_810 = arith.cmpi ne, %sign3A_802, %sign3A_809 : i32
      %rem3A_811 = arith.remsi %min3A_793, %jit3A_794 : i32
      %ne3A_812 = arith.constant 0 : i32
      %ne3A_813 = arith.cmpi ne, %rem3A_811, %ne3A_812 : i32
      %and3A_814 = arith.andi %ne3A_810, %ne3A_813 : i1
      %sub3A_815 = arith.constant 1 : i32
      %sub3A_816 = arith.subi %div3A_795, %sub3A_815 : i32
      %select_n3A_817 = arith.select %and3A_814, %sub3A_816, %div3A_795 : i32
      %mul3A_818 = arith.constant 128 : i32
      %mul3A_819 = arith.muli %select_n3A_817, %mul3A_818 : i32
      %jit3A_820 = arith.constant 8 : i32
      %eq3A_821 = arith.constant 0 : i32
      %eq3A_822 = arith.cmpi eq, %jit3A_820, %eq3A_821 : i32
      %jit3A_823 = arith.constant 1 : i32
      %select_n3A_824 = arith.select %eq3A_822, %jit3A_823, %jit3A_820 : i32
      %rem3A_825 = arith.remsi %add3A_734, %select_n3A_824 : i32
      %ne3A_826 = arith.constant 0 : i32
      %ne3A_827 = arith.cmpi ne, %rem3A_825, %ne3A_826 : i32
      %lt3A_828 = arith.constant 0 : i32
      %lt3A_829 = arith.cmpi slt, %rem3A_825, %lt3A_828 : i32
      %lt3A_830 = arith.constant 0 : i32
      %lt3A_831 = arith.cmpi slt, %select_n3A_824, %lt3A_830 : i32
      %ne3A_832 = arith.xori %lt3A_829, %lt3A_831 : i1
      %and3A_833 = arith.andi %ne3A_832, %ne3A_827 : i1
      %add3A_834 = arith.addi %rem3A_825, %select_n3A_824 : i32
      %select_n3A_835 = arith.select %and3A_833, %add3A_834, %rem3A_825 : i32
      %dma_start3A_836 = arith.constant 0 : i32
      %dma_start3A_837 = arith.constant 0 : i32
      %dma_start3A_838 = tpu.memref_slice %arg6[%select_n3A_835, %dma_start3A_836, %dma_start3A_837] : memref<8x64x128xf32, #tpu.memory_space<vmem>> -> memref<1x64x128xf32, #tpu.memory_space<vmem>>
      %dma_start3A_839 = tpu.memref_squeeze %dma_start3A_838 : memref<1x64x128xf32, #tpu.memory_space<vmem>> -> memref<64x128xf32, #tpu.memory_space<vmem>>
      %dma_start3A_840 = arith.constant 0 : i32
      %dma_start3A_841 = tpu.memref_slice %arg3[%dma_start3A_840, %mul3A_819] : memref<64x1000000xf32, #tpu.memory_space<hbm>> -> memref<64x128xf32, #tpu.memory_space<hbm>>
      %dma_start3A_842 = arith.constant 0 : i32
      %dma_start3A_843 = arith.constant 0 : i32
      %dma_start3A_844 = tpu.memref_slice %arg6[%select_n3A_835, %dma_start3A_842, %dma_start3A_843] : memref<8x64x128xf32, #tpu.memory_space<vmem>> -> memref<1x64x128xf32, #tpu.memory_space<vmem>>
      %dma_start3A_845 = tpu.memref_squeeze %dma_start3A_844 : memref<1x64x128xf32, #tpu.memory_space<vmem>> -> memref<64x128xf32, #tpu.memory_space<vmem>>
      %dma_start3A_846 = arith.constant 0 : i32
      %dma_start3A_847 = tpu.memref_slice %arg3[%dma_start3A_846, %mul3A_819] : memref<64x1000000xf32, #tpu.memory_space<hbm>> -> memref<64x128xf32, #tpu.memory_space<hbm>>
      tpu.enqueue_dma source(%dma_start3A_847 : memref<64x128xf32, #tpu.memory_space<hbm>>) target(%dma_start3A_845 : memref<64x128xf32, #tpu.memory_space<vmem>>) target_semaphore(%arg9 : memref<!tpu.dma_semaphore, #tpu.memory_space<semaphore_mem>>)
      %jit3A_848 = arith.constant 16 : i32
      %div3A_849 = arith.divsi %add3A_717, %jit3A_848 : i32
      %sign3A_850 = arith.constant 0 : i32
      %sign3A_851 = arith.cmpi sgt, %add3A_717, %sign3A_850 : i32
      %sign3A_852 = arith.extui %sign3A_851 : i1 to i32
      %sign3A_853 = arith.constant 0 : i32
      %sign3A_854 = arith.cmpi slt, %add3A_717, %sign3A_853 : i32
      %sign3A_855 = arith.extui %sign3A_854 : i1 to i32
      %sign3A_856 = arith.subi %sign3A_852, %sign3A_855 : i32
      %sign3A_857 = arith.constant 0 : i32
      %sign3A_858 = arith.cmpi sgt, %jit3A_848, %sign3A_857 : i32
      %sign3A_859 = arith.extui %sign3A_858 : i1 to i32
      %sign3A_860 = arith.constant 0 : i32
      %sign3A_861 = arith.cmpi slt, %jit3A_848, %sign3A_860 : i32
      %sign3A_862 = arith.extui %sign3A_861 : i1 to i32
      %sign3A_863 = arith.subi %sign3A_859, %sign3A_862 : i32
      %ne3A_864 = arith.cmpi ne, %sign3A_856, %sign3A_863 : i32
      %rem3A_865 = arith.remsi %add3A_717, %jit3A_848 : i32
      %ne3A_866 = arith.constant 0 : i32
      %ne3A_867 = arith.cmpi ne, %rem3A_865, %ne3A_866 : i32
      %and3A_868 = arith.andi %ne3A_864, %ne3A_867 : i1
      %sub3A_869 = arith.constant 1 : i32
      %sub3A_870 = arith.subi %div3A_849, %sub3A_869 : i32
      %select_n3A_871 = arith.select %and3A_868, %sub3A_870, %div3A_849 : i32
      %mul3A_872 = arith.constant 16 : i32
      %mul3A_873 = arith.muli %select_n3A_871, %mul3A_872 : i32
      %get3A_874 = arith.index_cast %mul3A_873 : i32 to index
      %get3A_875 = tpu.vector_load %arg5[%get3A_874] {strides = array<i32>} : memref<512xi32, #tpu.memory_space<vmem>>, vector<16xi32>,
      %jit3A_876 = arith.constant 16 : i32
      %eq3A_877 = arith.constant 0 : i32
      %eq3A_878 = arith.cmpi eq, %jit3A_876, %eq3A_877 : i32
      %jit3A_879 = arith.constant 1 : i32
      %select_n3A_880 = arith.select %eq3A_878, %jit3A_879, %jit3A_876 : i32
      %rem3A_881 = arith.remsi %add3A_717, %select_n3A_880 : i32
      %ne3A_882 = arith.constant 0 : i32
      %ne3A_883 = arith.cmpi ne, %rem3A_881, %ne3A_882 : i32
      %lt3A_884 = arith.constant 0 : i32
      %lt3A_885 = arith.cmpi slt, %rem3A_881, %lt3A_884 : i32
      %lt3A_886 = arith.constant 0 : i32
      %lt3A_887 = arith.cmpi slt, %select_n3A_880, %lt3A_886 : i32
      %ne3A_888 = arith.xori %lt3A_885, %lt3A_887 : i1
      %and3A_889 = arith.andi %ne3A_888, %ne3A_883 : i1
      %add3A_890 = arith.addi %rem3A_881, %select_n3A_880 : i32
      %select_n3A_891 = arith.select %and3A_889, %add3A_890, %rem3A_881 : i32
      %eq3A_892 = vector.broadcast %select_n3A_891 : i32 to vector<16xi32>
      %eq3A_893 = arith.cmpi eq, %iota3A, %eq3A_892 : vector<16xi32>
      %jit3A_894 = arith.constant -1 : i32
      %broadcast_in_dim3A_895 = vector.broadcast %jit3A_894 : i32 to vector<16xi32>
      %select_n3A_896 = arith.select %eq3A_893, %get3A_875, %broadcast_in_dim3A_895 : vector<16xi1>, vector<16xi32>
      %reduce_max3A_897 = arith.constant true
      %reduce_max3A_898 = vector.broadcast %reduce_max3A_897 : i1 to vector<16xi1>
      %reduce_max3A_899 = arith.constant -2147483648 : i32
      %reduce_max3A_900 = vector.broadcast %reduce_max3A_899 : i32 to vector<16xi32>
      %reduce_max3A_901 = arith.xori %select_n3A_896, %reduce_max3A_900 : vector<16xi32>
      %reduce_max3A_902 = tpu.scan <max>, %reduce_max3A_901 masked %reduce_max3A_898 : vector<16xi32>, vector<16xi1> -> vector<16xi32>
      %reduce_max3A_903 = arith.xori %reduce_max3A_902, %reduce_max3A_900 : vector<16xi32>
      %reduce_max3A_904 = vector.extract %reduce_max3A_903[15] : i32 from vector<16xi32>
      %jit3A_905 = arith.constant 128 : i32
      %eq3A_906 = arith.constant 0 : i32
      %eq3A_907 = arith.cmpi eq, %jit3A_905, %eq3A_906 : i32
      %jit3A_908 = arith.constant 1 : i32
      %select_n3A_909 = arith.select %eq3A_907, %jit3A_908, %jit3A_905 : i32
      %rem3A_910 = arith.remsi %reduce_max3A_904, %select_n3A_909 : i32
      %ne3A_911 = arith.constant 0 : i32
      %ne3A_912 = arith.cmpi ne, %rem3A_910, %ne3A_911 : i32
      %lt3A_913 = arith.constant 0 : i32
      %lt3A_914 = arith.cmpi slt, %rem3A_910, %lt3A_913 : i32
      %lt3A_915 = arith.constant 0 : i32
      %lt3A_916 = arith.cmpi slt, %select_n3A_909, %lt3A_915 : i32
      %ne3A_917 = arith.xori %lt3A_914, %lt3A_916 : i1
      %and3A_918 = arith.andi %ne3A_917, %ne3A_912 : i1
      %add3A_919 = arith.addi %rem3A_910, %select_n3A_909 : i32
      %select_n3A_920 = arith.select %and3A_918, %add3A_919, %rem3A_910 : i32
      %broadcast_in_dim3A_921 = vector.broadcast %add3A_717 : i32 to vector<16xi32>
      %lt3A_922 = arith.constant 999936 : i32
      %lt3A_923 = arith.cmpi slt, %reduce_max3A_904, %lt3A_922 : i32
      %convert_element_type3A_924 = arith.extui %lt3A_923 : i1 to i32
      %cond3A_925 = arith.constant 0 : i32
      %cond3A_926 = arith.cmpi ne, %convert_element_type3A_924, %cond3A_925 : i32
      scf.if %cond3A_926 {
        %broadcast_in_dim3A_1150 = vector.broadcast %select_n3A_920 : i32 to vector<16xi32>
        %jit3A_1151 = arith.constant 8 : i32
        %eq3A_1152 = arith.constant 0 : i32
        %eq3A_1153 = arith.cmpi eq, %jit3A_1151, %eq3A_1152 : i32
        %jit3A_1154 = arith.constant 1 : i32
        %select_n3A_1155 = arith.select %eq3A_1153, %jit3A_1154, %jit3A_1151 : i32
        %rem3A_1156 = arith.remsi %add3A_717, %select_n3A_1155 : i32
        %ne3A_1157 = arith.constant 0 : i32
        %ne3A_1158 = arith.cmpi ne, %rem3A_1156, %ne3A_1157 : i32
        %lt3A_1159 = arith.constant 0 : i32
        %lt3A_1160 = arith.cmpi slt, %rem3A_1156, %lt3A_1159 : i32
        %lt3A_1161 = arith.constant 0 : i32
        %lt3A_1162 = arith.cmpi slt, %select_n3A_1155, %lt3A_1161 : i32
        %ne3A_1163 = arith.xori %lt3A_1160, %lt3A_1162 : i1
        %and3A_1164 = arith.andi %ne3A_1163, %ne3A_1158 : i1
        %add3A_1165 = arith.addi %rem3A_1156, %select_n3A_1155 : i32
        %select_n3A_1166 = arith.select %and3A_1164, %add3A_1165, %rem3A_1156 : i32
        %gather3A = arith.constant 0 : i32
        %gather3A_1167 = arith.constant 0 : i32
        %gather3A_1168 = tpu.memref_slice %arg6[%select_n3A_1166, %gather3A, %gather3A_1167] : memref<8x64x128xf32, #tpu.memory_space<vmem>> -> memref<1x64x128xf32, #tpu.memory_space<vmem>>
        %gather3A_1169 = tpu.memref_squeeze %gather3A_1168 : memref<1x64x128xf32, #tpu.memory_space<vmem>> -> memref<64x128xf32, #tpu.memory_space<vmem>>
        %gather3A_1170 = tpu.vector_load_idx %gather3A_1169[%add3A_16, %broadcast_in_dim3A_1150] : memref<64x128xf32, #tpu.memory_space<vmem>>[vector<16xi32>, vector<16xi32>], vector<16xf32>,
        tpu.vector_store_idx %arg8[%add3A_16, %broadcast_in_dim3A_921], %gather3A_1170 : memref<64x512xf32, #tpu.memory_space<vmem>>[vector<16xi32>, vector<16xi32>], vector<16xf32>,
        %jit3A_1171 = arith.constant 8 : i32
        %eq3A_1172 = arith.constant 0 : i32
        %eq3A_1173 = arith.cmpi eq, %jit3A_1171, %eq3A_1172 : i32
        %jit3A_1174 = arith.constant 1 : i32
        %select_n3A_1175 = arith.select %eq3A_1173, %jit3A_1174, %jit3A_1171 : i32
        %rem3A_1176 = arith.remsi %add3A_717, %select_n3A_1175 : i32
        %ne3A_1177 = arith.constant 0 : i32
        %ne3A_1178 = arith.cmpi ne, %rem3A_1176, %ne3A_1177 : i32
        %lt3A_1179 = arith.constant 0 : i32
        %lt3A_1180 = arith.cmpi slt, %rem3A_1176, %lt3A_1179 : i32
        %lt3A_1181 = arith.constant 0 : i32
        %lt3A_1182 = arith.cmpi slt, %select_n3A_1175, %lt3A_1181 : i32
        %ne3A_1183 = arith.xori %lt3A_1180, %lt3A_1182 : i1
        %and3A_1184 = arith.andi %ne3A_1183, %ne3A_1178 : i1
        %add3A_1185 = arith.addi %rem3A_1176, %select_n3A_1175 : i32
        %select_n3A_1186 = arith.select %and3A_1184, %add3A_1185, %rem3A_1176 : i32
        %gather3A_1187 = arith.constant 0 : i32
        %gather3A_1188 = arith.constant 0 : i32
        %gather3A_1189 = tpu.memref_slice %arg6[%select_n3A_1186, %gather3A_1187, %gather3A_1188] : memref<8x64x128xf32, #tpu.memory_space<vmem>> -> memref<1x64x128xf32, #tpu.memory_space<vmem>>
        %gather3A_1190 = tpu.memref_squeeze %gather3A_1189 : memref<1x64x128xf32, #tpu.memory_space<vmem>> -> memref<64x128xf32, #tpu.memory_space<vmem>>
        %gather3A_1191 = tpu.vector_load_idx %gather3A_1190[%add3A_20, %broadcast_in_dim3A_1150] : memref<64x128xf32, #tpu.memory_space<vmem>>[vector<16xi32>, vector<16xi32>], vector<16xf32>,
        tpu.vector_store_idx %arg8[%add3A_20, %broadcast_in_dim3A_921], %gather3A_1191 : memref<64x512xf32, #tpu.memory_space<vmem>>[vector<16xi32>, vector<16xi32>], vector<16xf32>,
        %jit3A_1192 = arith.constant 8 : i32
        %eq3A_1193 = arith.constant 0 : i32
        %eq3A_1194 = arith.cmpi eq, %jit3A_1192, %eq3A_1193 : i32
        %jit3A_1195 = arith.constant 1 : i32
        %select_n3A_1196 = arith.select %eq3A_1194, %jit3A_1195, %jit3A_1192 : i32
        %rem3A_1197 = arith.remsi %add3A_717, %select_n3A_1196 : i32
        %ne3A_1198 = arith.constant 0 : i32
        %ne3A_1199 = arith.cmpi ne, %rem3A_1197, %ne3A_1198 : i32
        %lt3A_1200 = arith.constant 0 : i32
        %lt3A_1201 = arith.cmpi slt, %rem3A_1197, %lt3A_1200 : i32
        %lt3A_1202 = arith.constant 0 : i32
        %lt3A_1203 = arith.cmpi slt, %select_n3A_1196, %lt3A_1202 : i32
        %ne3A_1204 = arith.xori %lt3A_1201, %lt3A_1203 : i1
        %and3A_1205 = arith.andi %ne3A_1204, %ne3A_1199 : i1
        %add3A_1206 = arith.addi %rem3A_1197, %select_n3A_1196 : i32
        %select_n3A_1207 = arith.select %and3A_1205, %add3A_1206, %rem3A_1197 : i32
        %gather3A_1208 = arith.constant 0 : i32
        %gather3A_1209 = arith.constant 0 : i32
        %gather3A_1210 = tpu.memref_slice %arg6[%select_n3A_1207, %gather3A_1208, %gather3A_1209] : memref<8x64x128xf32, #tpu.memory_space<vmem>> -> memref<1x64x128xf32, #tpu.memory_space<vmem>>
        %gather3A_1211 = tpu.memref_squeeze %gather3A_1210 : memref<1x64x128xf32, #tpu.memory_space<vmem>> -> memref<64x128xf32, #tpu.memory_space<vmem>>
        %gather3A_1212 = tpu.vector_load_idx %gather3A_1211[%add3A_24, %broadcast_in_dim3A_1150] : memref<64x128xf32, #tpu.memory_space<vmem>>[vector<16xi32>, vector<16xi32>], vector<16xf32>,
        tpu.vector_store_idx %arg8[%add3A_24, %broadcast_in_dim3A_921], %gather3A_1212 : memref<64x512xf32, #tpu.memory_space<vmem>>[vector<16xi32>, vector<16xi32>], vector<16xf32>,
        %jit3A_1213 = arith.constant 8 : i32
        %eq3A_1214 = arith.constant 0 : i32
        %eq3A_1215 = arith.cmpi eq, %jit3A_1213, %eq3A_1214 : i32
        %jit3A_1216 = arith.constant 1 : i32
        %select_n3A_1217 = arith.select %eq3A_1215, %jit3A_1216, %jit3A_1213 : i32
        %rem3A_1218 = arith.remsi %add3A_717, %select_n3A_1217 : i32
        %ne3A_1219 = arith.constant 0 : i32
        %ne3A_1220 = arith.cmpi ne, %rem3A_1218, %ne3A_1219 : i32
        %lt3A_1221 = arith.constant 0 : i32
        %lt3A_1222 = arith.cmpi slt, %rem3A_1218, %lt3A_1221 : i32
        %lt3A_1223 = arith.constant 0 : i32
        %lt3A_1224 = arith.cmpi slt, %select_n3A_1217, %lt3A_1223 : i32
        %ne3A_1225 = arith.xori %lt3A_1222, %lt3A_1224 : i1
        %and3A_1226 = arith.andi %ne3A_1225, %ne3A_1220 : i1
        %add3A_1227 = arith.addi %rem3A_1218, %select_n3A_1217 : i32
        %select_n3A_1228 = arith.select %and3A_1226, %add3A_1227, %rem3A_1218 : i32
        %gather3A_1229 = arith.constant 0 : i32
        %gather3A_1230 = arith.constant 0 : i32
        %gather3A_1231 = tpu.memref_slice %arg6[%select_n3A_1228, %gather3A_1229, %gather3A_1230] : memref<8x64x128xf32, #tpu.memory_space<vmem>> -> memref<1x64x128xf32, #tpu.memory_space<vmem>>
        %gather3A_1232 = tpu.memref_squeeze %gather3A_1231 : memref<1x64x128xf32, #tpu.memory_space<vmem>> -> memref<64x128xf32, #tpu.memory_space<vmem>>
        %gather3A_1233 = tpu.vector_load_idx %gather3A_1232[%add3A_28, %broadcast_in_dim3A_1150] : memref<64x128xf32, #tpu.memory_space<vmem>>[vector<16xi32>, vector<16xi32>], vector<16xf32>,
        tpu.vector_store_idx %arg8[%add3A_28, %broadcast_in_dim3A_921], %gather3A_1233 : memref<64x512xf32, #tpu.memory_space<vmem>>[vector<16xi32>, vector<16xi32>], vector<16xf32>,
      } else {
      }
      %ge3A_927 = arith.constant 999936 : i32
      %ge3A_928 = arith.cmpi sge, %reduce_max3A_904, %ge3A_927 : i32
      %convert_element_type3A_929 = arith.extui %ge3A_928 : i1 to i32
      %cond3A_930 = arith.constant 0 : i32
      %cond3A_931 = arith.cmpi ne, %convert_element_type3A_929, %cond3A_930 : i32
      scf.if %cond3A_931 {
        %sub3A_1150 = arith.constant 999936 : i32
        %sub3A_1151 = arith.subi %reduce_max3A_904, %sub3A_1150 : i32
        %broadcast_in_dim3A_1152 = vector.broadcast %sub3A_1151 : i32 to vector<16xi32>
        %gather3A = tpu.vector_load_idx %arg7[%add3A_16, %broadcast_in_dim3A_1152] : memref<64x64xf32, #tpu.memory_space<vmem>>[vector<16xi32>, vector<16xi32>], vector<16xf32>,
        tpu.vector_store_idx %arg8[%add3A_16, %broadcast_in_dim3A_921], %gather3A : memref<64x512xf32, #tpu.memory_space<vmem>>[vector<16xi32>, vector<16xi32>], vector<16xf32>,
        %gather3A_1153 = tpu.vector_load_idx %arg7[%add3A_20, %broadcast_in_dim3A_1152] : memref<64x64xf32, #tpu.memory_space<vmem>>[vector<16xi32>, vector<16xi32>], vector<16xf32>,
        tpu.vector_store_idx %arg8[%add3A_20, %broadcast_in_dim3A_921], %gather3A_1153 : memref<64x512xf32, #tpu.memory_space<vmem>>[vector<16xi32>, vector<16xi32>], vector<16xf32>,
        %gather3A_1154 = tpu.vector_load_idx %arg7[%add3A_24, %broadcast_in_dim3A_1152] : memref<64x64xf32, #tpu.memory_space<vmem>>[vector<16xi32>, vector<16xi32>], vector<16xf32>,
        tpu.vector_store_idx %arg8[%add3A_24, %broadcast_in_dim3A_921], %gather3A_1154 : memref<64x512xf32, #tpu.memory_space<vmem>>[vector<16xi32>, vector<16xi32>], vector<16xf32>,
        %gather3A_1155 = tpu.vector_load_idx %arg7[%add3A_28, %broadcast_in_dim3A_1152] : memref<64x64xf32, #tpu.memory_space<vmem>>[vector<16xi32>, vector<16xi32>], vector<16xf32>,
        tpu.vector_store_idx %arg8[%add3A_28, %broadcast_in_dim3A_921], %gather3A_1155 : memref<64x512xf32, #tpu.memory_space<vmem>>[vector<16xi32>, vector<16xi32>], vector<16xf32>,
      } else {
      }
      %mul3A_932 = arith.constant 2 : i32
      %mul3A_933 = arith.muli %scan3A_713, %mul3A_932 : i32
      %add3A_934 = arith.constant 1 : i32
      %add3A_935 = arith.addi %mul3A_933, %add3A_934 : i32
      %dma_wait3A_936 = arith.constant 0 : i32
      %dma_wait3A_937 = arith.constant 0 : i32
      %dma_wait3A_938 = arith.constant 0 : i32
      %dma_wait3A_939 = tpu.memref_slice %arg6[%dma_wait3A_936, %dma_wait3A_937, %dma_wait3A_938] : memref<8x64x128xf32, #tpu.memory_space<vmem>> -> memref<1x64x128xf32, #tpu.memory_space<vmem>>
      %dma_wait3A_940 = tpu.memref_squeeze %dma_wait3A_939 : memref<1x64x128xf32, #tpu.memory_space<vmem>> -> memref<64x128xf32, #tpu.memory_space<vmem>>
      %dma_wait3A_941 = arith.constant 0 : i32
      %dma_wait3A_942 = arith.constant 0 : i32
      %dma_wait3A_943 = tpu.memref_slice %arg3[%dma_wait3A_941, %dma_wait3A_942] : memref<64x1000000xf32, #tpu.memory_space<hbm>> -> memref<64x128xf32, #tpu.memory_space<hbm>>
      %dma_wait3A_944 = arith.constant 0 : i32
      %dma_wait3A_945 = arith.constant 0 : i32
      %dma_wait3A_946 = tpu.memref_slice %arg6[%dma_wait3A_936, %dma_wait3A_944, %dma_wait3A_945] : memref<8x64x128xf32, #tpu.memory_space<vmem>> -> memref<1x64x128xf32, #tpu.memory_space<vmem>>
      %dma_wait3A_947 = tpu.memref_squeeze %dma_wait3A_946 : memref<1x64x128xf32, #tpu.memory_space<vmem>> -> memref<64x128xf32, #tpu.memory_space<vmem>>
      %dma_wait3A_948 = arith.constant 0 : i32
      %dma_wait3A_949 = arith.constant 0 : i32
      %dma_wait3A_950 = tpu.memref_slice %arg3[%dma_wait3A_948, %dma_wait3A_949] : memref<64x1000000xf32, #tpu.memory_space<hbm>> -> memref<64x128xf32, #tpu.memory_space<hbm>>
      tpu.wait_dma2 semaphore(%arg9 : memref<!tpu.dma_semaphore, #tpu.memory_space<semaphore_mem>>) src(%dma_wait3A_950 : memref<64x128xf32, #tpu.memory_space<hbm>>) dst(%dma_wait3A_947 : memref<64x128xf32, #tpu.memory_space<vmem>>)
      %add3A_951 = arith.constant 6 : i32
      %add3A_952 = arith.addi %add3A_935, %add3A_951 : i32
      %jit3A_953 = arith.constant 16 : i32
      %div3A_954 = arith.divsi %add3A_952, %jit3A_953 : i32
      %sign3A_955 = arith.constant 0 : i32
      %sign3A_956 = arith.cmpi sgt, %add3A_952, %sign3A_955 : i32
      %sign3A_957 = arith.extui %sign3A_956 : i1 to i32
      %sign3A_958 = arith.constant 0 : i32
      %sign3A_959 = arith.cmpi slt, %add3A_952, %sign3A_958 : i32
      %sign3A_960 = arith.extui %sign3A_959 : i1 to i32
      %sign3A_961 = arith.subi %sign3A_957, %sign3A_960 : i32
      %sign3A_962 = arith.constant 0 : i32
      %sign3A_963 = arith.cmpi sgt, %jit3A_953, %sign3A_962 : i32
      %sign3A_964 = arith.extui %sign3A_963 : i1 to i32
      %sign3A_965 = arith.constant 0 : i32
      %sign3A_966 = arith.cmpi slt, %jit3A_953, %sign3A_965 : i32
      %sign3A_967 = arith.extui %sign3A_966 : i1 to i32
      %sign3A_968 = arith.subi %sign3A_964, %sign3A_967 : i32
      %ne3A_969 = arith.cmpi ne, %sign3A_961, %sign3A_968 : i32
      %rem3A_970 = arith.remsi %add3A_952, %jit3A_953 : i32
      %ne3A_971 = arith.constant 0 : i32
      %ne3A_972 = arith.cmpi ne, %rem3A_970, %ne3A_971 : i32
      %and3A_973 = arith.andi %ne3A_969, %ne3A_972 : i1
      %sub3A_974 = arith.constant 1 : i32
      %sub3A_975 = arith.subi %div3A_954, %sub3A_974 : i32
      %select_n3A_976 = arith.select %and3A_973, %sub3A_975, %div3A_954 : i32
      %mul3A_977 = arith.constant 16 : i32
      %mul3A_978 = arith.muli %select_n3A_976, %mul3A_977 : i32
      %get3A_979 = arith.index_cast %mul3A_978 : i32 to index
      %get3A_980 = tpu.vector_load %arg5[%get3A_979] {strides = array<i32>} : memref<512xi32, #tpu.memory_space<vmem>>, vector<16xi32>,
      %jit3A_981 = arith.constant 16 : i32
      %eq3A_982 = arith.constant 0 : i32
      %eq3A_983 = arith.cmpi eq, %jit3A_981, %eq3A_982 : i32
      %jit3A_984 = arith.constant 1 : i32
      %select_n3A_985 = arith.select %eq3A_983, %jit3A_984, %jit3A_981 : i32
      %rem3A_986 = arith.remsi %add3A_952, %select_n3A_985 : i32
      %ne3A_987 = arith.constant 0 : i32
      %ne3A_988 = arith.cmpi ne, %rem3A_986, %ne3A_987 : i32
      %lt3A_989 = arith.constant 0 : i32
      %lt3A_990 = arith.cmpi slt, %rem3A_986, %lt3A_989 : i32
      %lt3A_991 = arith.constant 0 : i32
      %lt3A_992 = arith.cmpi slt, %select_n3A_985, %lt3A_991 : i32
      %ne3A_993 = arith.xori %lt3A_990, %lt3A_992 : i1
      %and3A_994 = arith.andi %ne3A_993, %ne3A_988 : i1
      %add3A_995 = arith.addi %rem3A_986, %select_n3A_985 : i32
      %select_n3A_996 = arith.select %and3A_994, %add3A_995, %rem3A_986 : i32
      %eq3A_997 = vector.broadcast %select_n3A_996 : i32 to vector<16xi32>
      %eq3A_998 = arith.cmpi eq, %iota3A, %eq3A_997 : vector<16xi32>
      %jit3A_999 = arith.constant -1 : i32
      %broadcast_in_dim3A_1000 = vector.broadcast %jit3A_999 : i32 to vector<16xi32>
      %select_n3A_1001 = arith.select %eq3A_998, %get3A_980, %broadcast_in_dim3A_1000 : vector<16xi1>, vector<16xi32>
      %reduce_max3A_1002 = arith.constant true
      %reduce_max3A_1003 = vector.broadcast %reduce_max3A_1002 : i1 to vector<16xi1>
      %reduce_max3A_1004 = arith.constant -2147483648 : i32
      %reduce_max3A_1005 = vector.broadcast %reduce_max3A_1004 : i32 to vector<16xi32>
      %reduce_max3A_1006 = arith.xori %select_n3A_1001, %reduce_max3A_1005 : vector<16xi32>
      %reduce_max3A_1007 = tpu.scan <max>, %reduce_max3A_1006 masked %reduce_max3A_1003 : vector<16xi32>, vector<16xi1> -> vector<16xi32>
      %reduce_max3A_1008 = arith.xori %reduce_max3A_1007, %reduce_max3A_1005 : vector<16xi32>
      %reduce_max3A_1009 = vector.extract %reduce_max3A_1008[15] : i32 from vector<16xi32>
      %min3A_1010 = arith.constant 999935 : i32
      %min3A_1011 = arith.minsi %reduce_max3A_1009, %min3A_1010 : i32
      %jit3A_1012 = arith.constant 128 : i32
      %div3A_1013 = arith.divsi %min3A_1011, %jit3A_1012 : i32
      %sign3A_1014 = arith.constant 0 : i32
      %sign3A_1015 = arith.cmpi sgt, %min3A_1011, %sign3A_1014 : i32
      %sign3A_1016 = arith.extui %sign3A_1015 : i1 to i32
      %sign3A_1017 = arith.constant 0 : i32
      %sign3A_1018 = arith.cmpi slt, %min3A_1011, %sign3A_1017 : i32
      %sign3A_1019 = arith.extui %sign3A_1018 : i1 to i32
      %sign3A_1020 = arith.subi %sign3A_1016, %sign3A_1019 : i32
      %sign3A_1021 = arith.constant 0 : i32
      %sign3A_1022 = arith.cmpi sgt, %jit3A_1012, %sign3A_1021 : i32
      %sign3A_1023 = arith.extui %sign3A_1022 : i1 to i32
      %sign3A_1024 = arith.constant 0 : i32
      %sign3A_1025 = arith.cmpi slt, %jit3A_1012, %sign3A_1024 : i32
      %sign3A_1026 = arith.extui %sign3A_1025 : i1 to i32
      %sign3A_1027 = arith.subi %sign3A_1023, %sign3A_1026 : i32
      %ne3A_1028 = arith.cmpi ne, %sign3A_1020, %sign3A_1027 : i32
      %rem3A_1029 = arith.remsi %min3A_1011, %jit3A_1012 : i32
      %ne3A_1030 = arith.constant 0 : i32
      %ne3A_1031 = arith.cmpi ne, %rem3A_1029, %ne3A_1030 : i32
      %and3A_1032 = arith.andi %ne3A_1028, %ne3A_1031 : i1
      %sub3A_1033 = arith.constant 1 : i32
      %sub3A_1034 = arith.subi %div3A_1013, %sub3A_1033 : i32
      %select_n3A_1035 = arith.select %and3A_1032, %sub3A_1034, %div3A_1013 : i32
      %mul3A_1036 = arith.constant 128 : i32
      %mul3A_1037 = arith.muli %select_n3A_1035, %mul3A_1036 : i32
      %jit3A_1038 = arith.constant 8 : i32
      %eq3A_1039 = arith.constant 0 : i32
      %eq3A_1040 = arith.cmpi eq, %jit3A_1038, %eq3A_1039 : i32
      %jit3A_1041 = arith.constant 1 : i32
      %select_n3A_1042 = arith.select %eq3A_1040, %jit3A_1041, %jit3A_1038 : i32
      %rem3A_1043 = arith.remsi %add3A_952, %select_n3A_1042 : i32
      %ne3A_1044 = arith.constant 0 : i32
      %ne3A_1045 = arith.cmpi ne, %rem3A_1043, %ne3A_1044 : i32
      %lt3A_1046 = arith.constant 0 : i32
      %lt3A_1047 = arith.cmpi slt, %rem3A_1043, %lt3A_1046 : i32
      %lt3A_1048 = arith.constant 0 : i32
      %lt3A_1049 = arith.cmpi slt, %select_n3A_1042, %lt3A_1048 : i32
      %ne3A_1050 = arith.xori %lt3A_1047, %lt3A_1049 : i1
      %and3A_1051 = arith.andi %ne3A_1050, %ne3A_1045 : i1
      %add3A_1052 = arith.addi %rem3A_1043, %select_n3A_1042 : i32
      %select_n3A_1053 = arith.select %and3A_1051, %add3A_1052, %rem3A_1043 : i32
      %dma_start3A_1054 = arith.constant 0 : i32
      %dma_start3A_1055 = arith.constant 0 : i32
      %dma_start3A_1056 = tpu.memref_slice %arg6[%select_n3A_1053, %dma_start3A_1054, %dma_start3A_1055] : memref<8x64x128xf32, #tpu.memory_space<vmem>> -> memref<1x64x128xf32, #tpu.memory_space<vmem>>
      %dma_start3A_1057 = tpu.memref_squeeze %dma_start3A_1056 : memref<1x64x128xf32, #tpu.memory_space<vmem>> -> memref<64x128xf32, #tpu.memory_space<vmem>>
      %dma_start3A_1058 = arith.constant 0 : i32
      %dma_start3A_1059 = tpu.memref_slice %arg3[%dma_start3A_1058, %mul3A_1037] : memref<64x1000000xf32, #tpu.memory_space<hbm>> -> memref<64x128xf32, #tpu.memory_space<hbm>>
      %dma_start3A_1060 = arith.constant 0 : i32
      %dma_start3A_1061 = arith.constant 0 : i32
      %dma_start3A_1062 = tpu.memref_slice %arg6[%select_n3A_1053, %dma_start3A_1060, %dma_start3A_1061] : memref<8x64x128xf32, #tpu.memory_space<vmem>> -> memref<1x64x128xf32, #tpu.memory_space<vmem>>
      %dma_start3A_1063 = tpu.memref_squeeze %dma_start3A_1062 : memref<1x64x128xf32, #tpu.memory_space<vmem>> -> memref<64x128xf32, #tpu.memory_space<vmem>>
      %dma_start3A_1064 = arith.constant 0 : i32
      %dma_start3A_1065 = tpu.memref_slice %arg3[%dma_start3A_1064, %mul3A_1037] : memref<64x1000000xf32, #tpu.memory_space<hbm>> -> memref<64x128xf32, #tpu.memory_space<hbm>>
      tpu.enqueue_dma source(%dma_start3A_1065 : memref<64x128xf32, #tpu.memory_space<hbm>>) target(%dma_start3A_1063 : memref<64x128xf32, #tpu.memory_space<vmem>>) target_semaphore(%arg9 : memref<!tpu.dma_semaphore, #tpu.memory_space<semaphore_mem>>)
      %jit3A_1066 = arith.constant 16 : i32
      %div3A_1067 = arith.divsi %add3A_935, %jit3A_1066 : i32
      %sign3A_1068 = arith.constant 0 : i32
      %sign3A_1069 = arith.cmpi sgt, %add3A_935, %sign3A_1068 : i32
      %sign3A_1070 = arith.extui %sign3A_1069 : i1 to i32
      %sign3A_1071 = arith.constant 0 : i32
      %sign3A_1072 = arith.cmpi slt, %add3A_935, %sign3A_1071 : i32
      %sign3A_1073 = arith.extui %sign3A_1072 : i1 to i32
      %sign3A_1074 = arith.subi %sign3A_1070, %sign3A_1073 : i32
      %sign3A_1075 = arith.constant 0 : i32
      %sign3A_1076 = arith.cmpi sgt, %jit3A_1066, %sign3A_1075 : i32
      %sign3A_1077 = arith.extui %sign3A_1076 : i1 to i32
      %sign3A_1078 = arith.constant 0 : i32
      %sign3A_1079 = arith.cmpi slt, %jit3A_1066, %sign3A_1078 : i32
      %sign3A_1080 = arith.extui %sign3A_1079 : i1 to i32
      %sign3A_1081 = arith.subi %sign3A_1077, %sign3A_1080 : i32
      %ne3A_1082 = arith.cmpi ne, %sign3A_1074, %sign3A_1081 : i32
      %rem3A_1083 = arith.remsi %add3A_935, %jit3A_1066 : i32
      %ne3A_1084 = arith.constant 0 : i32
      %ne3A_1085 = arith.cmpi ne, %rem3A_1083, %ne3A_1084 : i32
      %and3A_1086 = arith.andi %ne3A_1082, %ne3A_1085 : i1
      %sub3A_1087 = arith.constant 1 : i32
      %sub3A_1088 = arith.subi %div3A_1067, %sub3A_1087 : i32
      %select_n3A_1089 = arith.select %and3A_1086, %sub3A_1088, %div3A_1067 : i32
      %mul3A_1090 = arith.constant 16 : i32
      %mul3A_1091 = arith.muli %select_n3A_1089, %mul3A_1090 : i32
      %get3A_1092 = arith.index_cast %mul3A_1091 : i32 to index
      %get3A_1093 = tpu.vector_load %arg5[%get3A_1092] {strides = array<i32>} : memref<512xi32, #tpu.memory_space<vmem>>, vector<16xi32>,
      %jit3A_1094 = arith.constant 16 : i32
      %eq3A_1095 = arith.constant 0 : i32
      %eq3A_1096 = arith.cmpi eq, %jit3A_1094, %eq3A_1095 : i32
      %jit3A_1097 = arith.constant 1 : i32
      %select_n3A_1098 = arith.select %eq3A_1096, %jit3A_1097, %jit3A_1094 : i32
      %rem3A_1099 = arith.remsi %add3A_935, %select_n3A_1098 : i32
      %ne3A_1100 = arith.constant 0 : i32
      %ne3A_1101 = arith.cmpi ne, %rem3A_1099, %ne3A_1100 : i32
      %lt3A_1102 = arith.constant 0 : i32
      %lt3A_1103 = arith.cmpi slt, %rem3A_1099, %lt3A_1102 : i32
      %lt3A_1104 = arith.constant 0 : i32
      %lt3A_1105 = arith.cmpi slt, %select_n3A_1098, %lt3A_1104 : i32
      %ne3A_1106 = arith.xori %lt3A_1103, %lt3A_1105 : i1
      %and3A_1107 = arith.andi %ne3A_1106, %ne3A_1101 : i1
      %add3A_1108 = arith.addi %rem3A_1099, %select_n3A_1098 : i32
      %select_n3A_1109 = arith.select %and3A_1107, %add3A_1108, %rem3A_1099 : i32
      %eq3A_1110 = vector.broadcast %select_n3A_1109 : i32 to vector<16xi32>
      %eq3A_1111 = arith.cmpi eq, %iota3A, %eq3A_1110 : vector<16xi32>
      %jit3A_1112 = arith.constant -1 : i32
      %broadcast_in_dim3A_1113 = vector.broadcast %jit3A_1112 : i32 to vector<16xi32>
      %select_n3A_1114 = arith.select %eq3A_1111, %get3A_1093, %broadcast_in_dim3A_1113 : vector<16xi1>, vector<16xi32>
      %reduce_max3A_1115 = arith.constant true
      %reduce_max3A_1116 = vector.broadcast %reduce_max3A_1115 : i1 to vector<16xi1>
      %reduce_max3A_1117 = arith.constant -2147483648 : i32
      %reduce_max3A_1118 = vector.broadcast %reduce_max3A_1117 : i32 to vector<16xi32>
      %reduce_max3A_1119 = arith.xori %select_n3A_1114, %reduce_max3A_1118 : vector<16xi32>
      %reduce_max3A_1120 = tpu.scan <max>, %reduce_max3A_1119 masked %reduce_max3A_1116 : vector<16xi32>, vector<16xi1> -> vector<16xi32>
      %reduce_max3A_1121 = arith.xori %reduce_max3A_1120, %reduce_max3A_1118 : vector<16xi32>
      %reduce_max3A_1122 = vector.extract %reduce_max3A_1121[15] : i32 from vector<16xi32>
      %jit3A_1123 = arith.constant 128 : i32
      %eq3A_1124 = arith.constant 0 : i32
      %eq3A_1125 = arith.cmpi eq, %jit3A_1123, %eq3A_1124 : i32
      %jit3A_1126 = arith.constant 1 : i32
      %select_n3A_1127 = arith.select %eq3A_1125, %jit3A_1126, %jit3A_1123 : i32
      %rem3A_1128 = arith.remsi %reduce_max3A_1122, %select_n3A_1127 : i32
      %ne3A_1129 = arith.constant 0 : i32
      %ne3A_1130 = arith.cmpi ne, %rem3A_1128, %ne3A_1129 : i32
      %lt3A_1131 = arith.constant 0 : i32
      %lt3A_1132 = arith.cmpi slt, %rem3A_1128, %lt3A_1131 : i32
      %lt3A_1133 = arith.constant 0 : i32
      %lt3A_1134 = arith.cmpi slt, %select_n3A_1127, %lt3A_1133 : i32
      %ne3A_1135 = arith.xori %lt3A_1132, %lt3A_1134 : i1
      %and3A_1136 = arith.andi %ne3A_1135, %ne3A_1130 : i1
      %add3A_1137 = arith.addi %rem3A_1128, %select_n3A_1127 : i32
      %select_n3A_1138 = arith.select %and3A_1136, %add3A_1137, %rem3A_1128 : i32
      %broadcast_in_dim3A_1139 = vector.broadcast %add3A_935 : i32 to vector<16xi32>
      %lt3A_1140 = arith.constant 999936 : i32
      %lt3A_1141 = arith.cmpi slt, %reduce_max3A_1122, %lt3A_1140 : i32
      %convert_element_type3A_1142 = arith.extui %lt3A_1141 : i1 to i32
      %cond3A_1143 = arith.constant 0 : i32
      %cond3A_1144 = arith.cmpi ne, %convert_element_type3A_1142, %cond3A_1143 : i32
      scf.if %cond3A_1144 {
        %broadcast_in_dim3A_1150 = vector.broadcast %select_n3A_1138 : i32 to vector<16xi32>
        %jit3A_1151 = arith.constant 8 : i32
        %eq3A_1152 = arith.constant 0 : i32
        %eq3A_1153 = arith.cmpi eq, %jit3A_1151, %eq3A_1152 : i32
        %jit3A_1154 = arith.constant 1 : i32
        %select_n3A_1155 = arith.select %eq3A_1153, %jit3A_1154, %jit3A_1151 : i32
        %rem3A_1156 = arith.remsi %add3A_935, %select_n3A_1155 : i32
        %ne3A_1157 = arith.constant 0 : i32
        %ne3A_1158 = arith.cmpi ne, %rem3A_1156, %ne3A_1157 : i32
        %lt3A_1159 = arith.constant 0 : i32
        %lt3A_1160 = arith.cmpi slt, %rem3A_1156, %lt3A_1159 : i32
        %lt3A_1161 = arith.constant 0 : i32
        %lt3A_1162 = arith.cmpi slt, %select_n3A_1155, %lt3A_1161 : i32
        %ne3A_1163 = arith.xori %lt3A_1160, %lt3A_1162 : i1
        %and3A_1164 = arith.andi %ne3A_1163, %ne3A_1158 : i1
        %add3A_1165 = arith.addi %rem3A_1156, %select_n3A_1155 : i32
        %select_n3A_1166 = arith.select %and3A_1164, %add3A_1165, %rem3A_1156 : i32
        %gather3A = arith.constant 0 : i32
        %gather3A_1167 = arith.constant 0 : i32
        %gather3A_1168 = tpu.memref_slice %arg6[%select_n3A_1166, %gather3A, %gather3A_1167] : memref<8x64x128xf32, #tpu.memory_space<vmem>> -> memref<1x64x128xf32, #tpu.memory_space<vmem>>
        %gather3A_1169 = tpu.memref_squeeze %gather3A_1168 : memref<1x64x128xf32, #tpu.memory_space<vmem>> -> memref<64x128xf32, #tpu.memory_space<vmem>>
        %gather3A_1170 = tpu.vector_load_idx %gather3A_1169[%add3A_16, %broadcast_in_dim3A_1150] : memref<64x128xf32, #tpu.memory_space<vmem>>[vector<16xi32>, vector<16xi32>], vector<16xf32>,
        tpu.vector_store_idx %arg8[%add3A_16, %broadcast_in_dim3A_1139], %gather3A_1170 : memref<64x512xf32, #tpu.memory_space<vmem>>[vector<16xi32>, vector<16xi32>], vector<16xf32>,
        %jit3A_1171 = arith.constant 8 : i32
        %eq3A_1172 = arith.constant 0 : i32
        %eq3A_1173 = arith.cmpi eq, %jit3A_1171, %eq3A_1172 : i32
        %jit3A_1174 = arith.constant 1 : i32
        %select_n3A_1175 = arith.select %eq3A_1173, %jit3A_1174, %jit3A_1171 : i32
        %rem3A_1176 = arith.remsi %add3A_935, %select_n3A_1175 : i32
        %ne3A_1177 = arith.constant 0 : i32
        %ne3A_1178 = arith.cmpi ne, %rem3A_1176, %ne3A_1177 : i32
        %lt3A_1179 = arith.constant 0 : i32
        %lt3A_1180 = arith.cmpi slt, %rem3A_1176, %lt3A_1179 : i32
        %lt3A_1181 = arith.constant 0 : i32
        %lt3A_1182 = arith.cmpi slt, %select_n3A_1175, %lt3A_1181 : i32
        %ne3A_1183 = arith.xori %lt3A_1180, %lt3A_1182 : i1
        %and3A_1184 = arith.andi %ne3A_1183, %ne3A_1178 : i1
        %add3A_1185 = arith.addi %rem3A_1176, %select_n3A_1175 : i32
        %select_n3A_1186 = arith.select %and3A_1184, %add3A_1185, %rem3A_1176 : i32
        %gather3A_1187 = arith.constant 0 : i32
        %gather3A_1188 = arith.constant 0 : i32
        %gather3A_1189 = tpu.memref_slice %arg6[%select_n3A_1186, %gather3A_1187, %gather3A_1188] : memref<8x64x128xf32, #tpu.memory_space<vmem>> -> memref<1x64x128xf32, #tpu.memory_space<vmem>>
        %gather3A_1190 = tpu.memref_squeeze %gather3A_1189 : memref<1x64x128xf32, #tpu.memory_space<vmem>> -> memref<64x128xf32, #tpu.memory_space<vmem>>
        %gather3A_1191 = tpu.vector_load_idx %gather3A_1190[%add3A_20, %broadcast_in_dim3A_1150] : memref<64x128xf32, #tpu.memory_space<vmem>>[vector<16xi32>, vector<16xi32>], vector<16xf32>,
        tpu.vector_store_idx %arg8[%add3A_20, %broadcast_in_dim3A_1139], %gather3A_1191 : memref<64x512xf32, #tpu.memory_space<vmem>>[vector<16xi32>, vector<16xi32>], vector<16xf32>,
        %jit3A_1192 = arith.constant 8 : i32
        %eq3A_1193 = arith.constant 0 : i32
        %eq3A_1194 = arith.cmpi eq, %jit3A_1192, %eq3A_1193 : i32
        %jit3A_1195 = arith.constant 1 : i32
        %select_n3A_1196 = arith.select %eq3A_1194, %jit3A_1195, %jit3A_1192 : i32
        %rem3A_1197 = arith.remsi %add3A_935, %select_n3A_1196 : i32
        %ne3A_1198 = arith.constant 0 : i32
        %ne3A_1199 = arith.cmpi ne, %rem3A_1197, %ne3A_1198 : i32
        %lt3A_1200 = arith.constant 0 : i32
        %lt3A_1201 = arith.cmpi slt, %rem3A_1197, %lt3A_1200 : i32
        %lt3A_1202 = arith.constant 0 : i32
        %lt3A_1203 = arith.cmpi slt, %select_n3A_1196, %lt3A_1202 : i32
        %ne3A_1204 = arith.xori %lt3A_1201, %lt3A_1203 : i1
        %and3A_1205 = arith.andi %ne3A_1204, %ne3A_1199 : i1
        %add3A_1206 = arith.addi %rem3A_1197, %select_n3A_1196 : i32
        %select_n3A_1207 = arith.select %and3A_1205, %add3A_1206, %rem3A_1197 : i32
        %gather3A_1208 = arith.constant 0 : i32
        %gather3A_1209 = arith.constant 0 : i32
        %gather3A_1210 = tpu.memref_slice %arg6[%select_n3A_1207, %gather3A_1208, %gather3A_1209] : memref<8x64x128xf32, #tpu.memory_space<vmem>> -> memref<1x64x128xf32, #tpu.memory_space<vmem>>
        %gather3A_1211 = tpu.memref_squeeze %gather3A_1210 : memref<1x64x128xf32, #tpu.memory_space<vmem>> -> memref<64x128xf32, #tpu.memory_space<vmem>>
        %gather3A_1212 = tpu.vector_load_idx %gather3A_1211[%add3A_24, %broadcast_in_dim3A_1150] : memref<64x128xf32, #tpu.memory_space<vmem>>[vector<16xi32>, vector<16xi32>], vector<16xf32>,
        tpu.vector_store_idx %arg8[%add3A_24, %broadcast_in_dim3A_1139], %gather3A_1212 : memref<64x512xf32, #tpu.memory_space<vmem>>[vector<16xi32>, vector<16xi32>], vector<16xf32>,
        %jit3A_1213 = arith.constant 8 : i32
        %eq3A_1214 = arith.constant 0 : i32
        %eq3A_1215 = arith.cmpi eq, %jit3A_1213, %eq3A_1214 : i32
        %jit3A_1216 = arith.constant 1 : i32
        %select_n3A_1217 = arith.select %eq3A_1215, %jit3A_1216, %jit3A_1213 : i32
        %rem3A_1218 = arith.remsi %add3A_935, %select_n3A_1217 : i32
        %ne3A_1219 = arith.constant 0 : i32
        %ne3A_1220 = arith.cmpi ne, %rem3A_1218, %ne3A_1219 : i32
        %lt3A_1221 = arith.constant 0 : i32
        %lt3A_1222 = arith.cmpi slt, %rem3A_1218, %lt3A_1221 : i32
        %lt3A_1223 = arith.constant 0 : i32
        %lt3A_1224 = arith.cmpi slt, %select_n3A_1217, %lt3A_1223 : i32
        %ne3A_1225 = arith.xori %lt3A_1222, %lt3A_1224 : i1
        %and3A_1226 = arith.andi %ne3A_1225, %ne3A_1220 : i1
        %add3A_1227 = arith.addi %rem3A_1218, %select_n3A_1217 : i32
        %select_n3A_1228 = arith.select %and3A_1226, %add3A_1227, %rem3A_1218 : i32
        %gather3A_1229 = arith.constant 0 : i32
        %gather3A_1230 = arith.constant 0 : i32
        %gather3A_1231 = tpu.memref_slice %arg6[%select_n3A_1228, %gather3A_1229, %gather3A_1230] : memref<8x64x128xf32, #tpu.memory_space<vmem>> -> memref<1x64x128xf32, #tpu.memory_space<vmem>>
        %gather3A_1232 = tpu.memref_squeeze %gather3A_1231 : memref<1x64x128xf32, #tpu.memory_space<vmem>> -> memref<64x128xf32, #tpu.memory_space<vmem>>
        %gather3A_1233 = tpu.vector_load_idx %gather3A_1232[%add3A_28, %broadcast_in_dim3A_1150] : memref<64x128xf32, #tpu.memory_space<vmem>>[vector<16xi32>, vector<16xi32>], vector<16xf32>,
        tpu.vector_store_idx %arg8[%add3A_28, %broadcast_in_dim3A_1139], %gather3A_1233 : memref<64x512xf32, #tpu.memory_space<vmem>>[vector<16xi32>, vector<16xi32>], vector<16xf32>,
      } else {
      }
      %ge3A_1145 = arith.constant 999936 : i32
      %ge3A_1146 = arith.cmpi sge, %reduce_max3A_1122, %ge3A_1145 : i32
      %convert_element_type3A_1147 = arith.extui %ge3A_1146 : i1 to i32
      %cond3A_1148 = arith.constant 0 : i32
      %cond3A_1149 = arith.cmpi ne, %convert_element_type3A_1147, %cond3A_1148 : i32
      scf.if %cond3A_1149 {
        %sub3A_1150 = arith.constant 999936 : i32
        %sub3A_1151 = arith.subi %reduce_max3A_1122, %sub3A_1150 : i32
        %broadcast_in_dim3A_1152 = vector.broadcast %sub3A_1151 : i32 to vector<16xi32>
        %gather3A = tpu.vector_load_idx %arg7[%add3A_16, %broadcast_in_dim3A_1152] : memref<64x64xf32, #tpu.memory_space<vmem>>[vector<16xi32>, vector<16xi32>], vector<16xf32>,
        tpu.vector_store_idx %arg8[%add3A_16, %broadcast_in_dim3A_1139], %gather3A : memref<64x512xf32, #tpu.memory_space<vmem>>[vector<16xi32>, vector<16xi32>], vector<16xf32>,
        %gather3A_1153 = tpu.vector_load_idx %arg7[%add3A_20, %broadcast_in_dim3A_1152] : memref<64x64xf32, #tpu.memory_space<vmem>>[vector<16xi32>, vector<16xi32>], vector<16xf32>,
        tpu.vector_store_idx %arg8[%add3A_20, %broadcast_in_dim3A_1139], %gather3A_1153 : memref<64x512xf32, #tpu.memory_space<vmem>>[vector<16xi32>, vector<16xi32>], vector<16xf32>,
        %gather3A_1154 = tpu.vector_load_idx %arg7[%add3A_24, %broadcast_in_dim3A_1152] : memref<64x64xf32, #tpu.memory_space<vmem>>[vector<16xi32>, vector<16xi32>], vector<16xf32>,
        tpu.vector_store_idx %arg8[%add3A_24, %broadcast_in_dim3A_1139], %gather3A_1154 : memref<64x512xf32, #tpu.memory_space<vmem>>[vector<16xi32>, vector<16xi32>], vector<16xf32>,
        %gather3A_1155 = tpu.vector_load_idx %arg7[%add3A_28, %broadcast_in_dim3A_1152] : memref<64x64xf32, #tpu.memory_space<vmem>>[vector<16xi32>, vector<16xi32>], vector<16xf32>,
        tpu.vector_store_idx %arg8[%add3A_28, %broadcast_in_dim3A_1139], %gather3A_1155 : memref<64x512xf32, #tpu.memory_space<vmem>>[vector<16xi32>, vector<16xi32>], vector<16xf32>,
      } else {
      }
    }
    %scan3A_362 = arith.constant 253 : i32
    %dma_wait3A_363 = arith.constant 0 : i32
    %dma_wait3A_364 = arith.constant 0 : i32
    %dma_wait3A_365 = arith.constant 0 : i32
    %dma_wait3A_366 = tpu.memref_slice %arg6[%dma_wait3A_363, %dma_wait3A_364, %dma_wait3A_365] : memref<8x64x128xf32, #tpu.memory_space<vmem>> -> memref<1x64x128xf32, #tpu.memory_space<vmem>>
    %dma_wait3A_367 = tpu.memref_squeeze %dma_wait3A_366 : memref<1x64x128xf32, #tpu.memory_space<vmem>> -> memref<64x128xf32, #tpu.memory_space<vmem>>
    %dma_wait3A_368 = arith.constant 0 : i32
    %dma_wait3A_369 = arith.constant 0 : i32
    %dma_wait3A_370 = tpu.memref_slice %arg3[%dma_wait3A_368, %dma_wait3A_369] : memref<64x1000000xf32, #tpu.memory_space<hbm>> -> memref<64x128xf32, #tpu.memory_space<hbm>>
    %dma_wait3A_371 = arith.constant 0 : i32
    %dma_wait3A_372 = arith.constant 0 : i32
    %dma_wait3A_373 = tpu.memref_slice %arg6[%dma_wait3A_363, %dma_wait3A_371, %dma_wait3A_372] : memref<8x64x128xf32, #tpu.memory_space<vmem>> -> memref<1x64x128xf32, #tpu.memory_space<vmem>>
    %dma_wait3A_374 = tpu.memref_squeeze %dma_wait3A_373 : memref<1x64x128xf32, #tpu.memory_space<vmem>> -> memref<64x128xf32, #tpu.memory_space<vmem>>
    %dma_wait3A_375 = arith.constant 0 : i32
    %dma_wait3A_376 = arith.constant 0 : i32
    %dma_wait3A_377 = tpu.memref_slice %arg3[%dma_wait3A_375, %dma_wait3A_376] : memref<64x1000000xf32, #tpu.memory_space<hbm>> -> memref<64x128xf32, #tpu.memory_space<hbm>>
    tpu.wait_dma2 semaphore(%arg9 : memref<!tpu.dma_semaphore, #tpu.memory_space<semaphore_mem>>) src(%dma_wait3A_377 : memref<64x128xf32, #tpu.memory_space<hbm>>) dst(%dma_wait3A_374 : memref<64x128xf32, #tpu.memory_space<vmem>>)
    %get3A_378 = arith.constant 496 : index
    %get3A_379 = tpu.vector_load %arg5[%get3A_378] {strides = array<i32>} : memref<512xi32, #tpu.memory_space<vmem>>, vector<16xi32>,
    %eq3A_380 = arith.constant 10 : i32
    %eq3A_381 = vector.broadcast %eq3A_380 : i32 to vector<16xi32>
    %eq3A_382 = arith.cmpi eq, %iota3A, %eq3A_381 : vector<16xi32>
    %jit3A_383 = arith.constant -1 : i32
    %broadcast_in_dim3A_384 = vector.broadcast %jit3A_383 : i32 to vector<16xi32>
    %select_n3A_385 = arith.select %eq3A_382, %get3A_379, %broadcast_in_dim3A_384 : vector<16xi1>, vector<16xi32>
    %reduce_max3A_386 = arith.constant true
    %reduce_max3A_387 = vector.broadcast %reduce_max3A_386 : i1 to vector<16xi1>
    %reduce_max3A_388 = arith.constant -2147483648 : i32
    %reduce_max3A_389 = vector.broadcast %reduce_max3A_388 : i32 to vector<16xi32>
    %reduce_max3A_390 = arith.xori %select_n3A_385, %reduce_max3A_389 : vector<16xi32>
    %reduce_max3A_391 = tpu.scan <max>, %reduce_max3A_390 masked %reduce_max3A_387 : vector<16xi32>, vector<16xi1> -> vector<16xi32>
    %reduce_max3A_392 = arith.xori %reduce_max3A_391, %reduce_max3A_389 : vector<16xi32>
    %reduce_max3A_393 = vector.extract %reduce_max3A_392[15] : i32 from vector<16xi32>
    %jit3A_394 = arith.constant 128 : i32
    %eq3A_395 = arith.constant 0 : i32
    %eq3A_396 = arith.cmpi eq, %jit3A_394, %eq3A_395 : i32
    %jit3A_397 = arith.constant 1 : i32
    %select_n3A_398 = arith.select %eq3A_396, %jit3A_397, %jit3A_394 : i32
    %rem3A_399 = arith.remsi %reduce_max3A_393, %select_n3A_398 : i32
    %ne3A_400 = arith.constant 0 : i32
    %ne3A_401 = arith.cmpi ne, %rem3A_399, %ne3A_400 : i32
    %lt3A = arith.constant 0 : i32
    %lt3A_402 = arith.cmpi slt, %rem3A_399, %lt3A : i32
    %lt3A_403 = arith.constant 0 : i32
    %lt3A_404 = arith.cmpi slt, %select_n3A_398, %lt3A_403 : i32
    %ne3A_405 = arith.xori %lt3A_402, %lt3A_404 : i1
    %and3A_406 = arith.andi %ne3A_405, %ne3A_401 : i1
    %add3A_407 = arith.addi %rem3A_399, %select_n3A_398 : i32
    %select_n3A_408 = arith.select %and3A_406, %add3A_407, %rem3A_399 : i32
    %broadcast_in_dim3A_409 = arith.constant 506 : i32
    %broadcast_in_dim3A_410 = vector.broadcast %broadcast_in_dim3A_409 : i32 to vector<16xi32>
    %lt3A_411 = arith.constant 999936 : i32
    %lt3A_412 = arith.cmpi slt, %reduce_max3A_393, %lt3A_411 : i32
    %convert_element_type3A = arith.extui %lt3A_412 : i1 to i32
    %cond3A = arith.constant 0 : i32
    %cond3A_413 = arith.cmpi ne, %convert_element_type3A, %cond3A : i32
    scf.if %cond3A_413 {
      %broadcast_in_dim3A_713 = vector.broadcast %select_n3A_408 : i32 to vector<16xi32>
      %gather3A = arith.constant 2 : i32
      %gather3A_714 = arith.constant 0 : i32
      %gather3A_715 = arith.constant 0 : i32
      %gather3A_716 = tpu.memref_slice %arg6[%gather3A, %gather3A_714, %gather3A_715] : memref<8x64x128xf32, #tpu.memory_space<vmem>> -> memref<1x64x128xf32, #tpu.memory_space<vmem>>
      %gather3A_717 = tpu.memref_squeeze %gather3A_716 : memref<1x64x128xf32, #tpu.memory_space<vmem>> -> memref<64x128xf32, #tpu.memory_space<vmem>>
      %gather3A_718 = tpu.vector_load_idx %gather3A_717[%add3A_16, %broadcast_in_dim3A_713] : memref<64x128xf32, #tpu.memory_space<vmem>>[vector<16xi32>, vector<16xi32>], vector<16xf32>,
      tpu.vector_store_idx %arg8[%add3A_16, %broadcast_in_dim3A_410], %gather3A_718 : memref<64x512xf32, #tpu.memory_space<vmem>>[vector<16xi32>, vector<16xi32>], vector<16xf32>,
      %gather3A_719 = arith.constant 2 : i32
      %gather3A_720 = arith.constant 0 : i32
      %gather3A_721 = arith.constant 0 : i32
      %gather3A_722 = tpu.memref_slice %arg6[%gather3A_719, %gather3A_720, %gather3A_721] : memref<8x64x128xf32, #tpu.memory_space<vmem>> -> memref<1x64x128xf32, #tpu.memory_space<vmem>>
      %gather3A_723 = tpu.memref_squeeze %gather3A_722 : memref<1x64x128xf32, #tpu.memory_space<vmem>> -> memref<64x128xf32, #tpu.memory_space<vmem>>
      %gather3A_724 = tpu.vector_load_idx %gather3A_723[%add3A_20, %broadcast_in_dim3A_713] : memref<64x128xf32, #tpu.memory_space<vmem>>[vector<16xi32>, vector<16xi32>], vector<16xf32>,
      tpu.vector_store_idx %arg8[%add3A_20, %broadcast_in_dim3A_410], %gather3A_724 : memref<64x512xf32, #tpu.memory_space<vmem>>[vector<16xi32>, vector<16xi32>], vector<16xf32>,
      %gather3A_725 = arith.constant 2 : i32
      %gather3A_726 = arith.constant 0 : i32
      %gather3A_727 = arith.constant 0 : i32
      %gather3A_728 = tpu.memref_slice %arg6[%gather3A_725, %gather3A_726, %gather3A_727] : memref<8x64x128xf32, #tpu.memory_space<vmem>> -> memref<1x64x128xf32, #tpu.memory_space<vmem>>
      %gather3A_729 = tpu.memref_squeeze %gather3A_728 : memref<1x64x128xf32, #tpu.memory_space<vmem>> -> memref<64x128xf32, #tpu.memory_space<vmem>>
      %gather3A_730 = tpu.vector_load_idx %gather3A_729[%add3A_24, %broadcast_in_dim3A_713] : memref<64x128xf32, #tpu.memory_space<vmem>>[vector<16xi32>, vector<16xi32>], vector<16xf32>,
      tpu.vector_store_idx %arg8[%add3A_24, %broadcast_in_dim3A_410], %gather3A_730 : memref<64x512xf32, #tpu.memory_space<vmem>>[vector<16xi32>, vector<16xi32>], vector<16xf32>,
      %gather3A_731 = arith.constant 2 : i32
      %gather3A_732 = arith.constant 0 : i32
      %gather3A_733 = arith.constant 0 : i32
      %gather3A_734 = tpu.memref_slice %arg6[%gather3A_731, %gather3A_732, %gather3A_733] : memref<8x64x128xf32, #tpu.memory_space<vmem>> -> memref<1x64x128xf32, #tpu.memory_space<vmem>>
      %gather3A_735 = tpu.memref_squeeze %gather3A_734 : memref<1x64x128xf32, #tpu.memory_space<vmem>> -> memref<64x128xf32, #tpu.memory_space<vmem>>
      %gather3A_736 = tpu.vector_load_idx %gather3A_735[%add3A_28, %broadcast_in_dim3A_713] : memref<64x128xf32, #tpu.memory_space<vmem>>[vector<16xi32>, vector<16xi32>], vector<16xf32>,
      tpu.vector_store_idx %arg8[%add3A_28, %broadcast_in_dim3A_410], %gather3A_736 : memref<64x512xf32, #tpu.memory_space<vmem>>[vector<16xi32>, vector<16xi32>], vector<16xf32>,
    } else {
    }
    %ge3A = arith.constant 999936 : i32
    %ge3A_414 = arith.cmpi sge, %reduce_max3A_393, %ge3A : i32
    %convert_element_type3A_415 = arith.extui %ge3A_414 : i1 to i32
    %cond3A_416 = arith.constant 0 : i32
    %cond3A_417 = arith.cmpi ne, %convert_element_type3A_415, %cond3A_416 : i32
    scf.if %cond3A_417 {
      %sub3A_713 = arith.constant 999936 : i32
      %sub3A_714 = arith.subi %reduce_max3A_393, %sub3A_713 : i32
      %broadcast_in_dim3A_715 = vector.broadcast %sub3A_714 : i32 to vector<16xi32>
      %gather3A = tpu.vector_load_idx %arg7[%add3A_16, %broadcast_in_dim3A_715] : memref<64x64xf32, #tpu.memory_space<vmem>>[vector<16xi32>, vector<16xi32>], vector<16xf32>,
      tpu.vector_store_idx %arg8[%add3A_16, %broadcast_in_dim3A_410], %gather3A : memref<64x512xf32, #tpu.memory_space<vmem>>[vector<16xi32>, vector<16xi32>], vector<16xf32>,
      %gather3A_716 = tpu.vector_load_idx %arg7[%add3A_20, %broadcast_in_dim3A_715] : memref<64x64xf32, #tpu.memory_space<vmem>>[vector<16xi32>, vector<16xi32>], vector<16xf32>,
      tpu.vector_store_idx %arg8[%add3A_20, %broadcast_in_dim3A_410], %gather3A_716 : memref<64x512xf32, #tpu.memory_space<vmem>>[vector<16xi32>, vector<16xi32>], vector<16xf32>,
      %gather3A_717 = tpu.vector_load_idx %arg7[%add3A_24, %broadcast_in_dim3A_715] : memref<64x64xf32, #tpu.memory_space<vmem>>[vector<16xi32>, vector<16xi32>], vector<16xf32>,
      tpu.vector_store_idx %arg8[%add3A_24, %broadcast_in_dim3A_410], %gather3A_717 : memref<64x512xf32, #tpu.memory_space<vmem>>[vector<16xi32>, vector<16xi32>], vector<16xf32>,
      %gather3A_718 = tpu.vector_load_idx %arg7[%add3A_28, %broadcast_in_dim3A_715] : memref<64x64xf32, #tpu.memory_space<vmem>>[vector<16xi32>, vector<16xi32>], vector<16xf32>,
      tpu.vector_store_idx %arg8[%add3A_28, %broadcast_in_dim3A_410], %gather3A_718 : memref<64x512xf32, #tpu.memory_space<vmem>>[vector<16xi32>, vector<16xi32>], vector<16xf32>,
    } else {
    }
    %dma_wait3A_418 = arith.constant 0 : i32
    %dma_wait3A_419 = arith.constant 0 : i32
    %dma_wait3A_420 = arith.constant 0 : i32
    %dma_wait3A_421 = tpu.memref_slice %arg6[%dma_wait3A_418, %dma_wait3A_419, %dma_wait3A_420] : memref<8x64x128xf32, #tpu.memory_space<vmem>> -> memref<1x64x128xf32, #tpu.memory_space<vmem>>
    %dma_wait3A_422 = tpu.memref_squeeze %dma_wait3A_421 : memref<1x64x128xf32, #tpu.memory_space<vmem>> -> memref<64x128xf32, #tpu.memory_space<vmem>>
    %dma_wait3A_423 = arith.constant 0 : i32
    %dma_wait3A_424 = arith.constant 0 : i32
    %dma_wait3A_425 = tpu.memref_slice %arg3[%dma_wait3A_423, %dma_wait3A_424] : memref<64x1000000xf32, #tpu.memory_space<hbm>> -> memref<64x128xf32, #tpu.memory_space<hbm>>
    %dma_wait3A_426 = arith.constant 0 : i32
    %dma_wait3A_427 = arith.constant 0 : i32
    %dma_wait3A_428 = tpu.memref_slice %arg6[%dma_wait3A_418, %dma_wait3A_426, %dma_wait3A_427] : memref<8x64x128xf32, #tpu.memory_space<vmem>> -> memref<1x64x128xf32, #tpu.memory_space<vmem>>
    %dma_wait3A_429 = tpu.memref_squeeze %dma_wait3A_428 : memref<1x64x128xf32, #tpu.memory_space<vmem>> -> memref<64x128xf32, #tpu.memory_space<vmem>>
    %dma_wait3A_430 = arith.constant 0 : i32
    %dma_wait3A_431 = arith.constant 0 : i32
    %dma_wait3A_432 = tpu.memref_slice %arg3[%dma_wait3A_430, %dma_wait3A_431] : memref<64x1000000xf32, #tpu.memory_space<hbm>> -> memref<64x128xf32, #tpu.memory_space<hbm>>
    tpu.wait_dma2 semaphore(%arg9 : memref<!tpu.dma_semaphore, #tpu.memory_space<semaphore_mem>>) src(%dma_wait3A_432 : memref<64x128xf32, #tpu.memory_space<hbm>>) dst(%dma_wait3A_429 : memref<64x128xf32, #tpu.memory_space<vmem>>)
    %get3A_433 = arith.constant 496 : index
    %get3A_434 = tpu.vector_load %arg5[%get3A_433] {strides = array<i32>} : memref<512xi32, #tpu.memory_space<vmem>>, vector<16xi32>,
    %eq3A_435 = arith.constant 11 : i32
    %eq3A_436 = vector.broadcast %eq3A_435 : i32 to vector<16xi32>
    %eq3A_437 = arith.cmpi eq, %iota3A, %eq3A_436 : vector<16xi32>
    %jit3A_438 = arith.constant -1 : i32
    %broadcast_in_dim3A_439 = vector.broadcast %jit3A_438 : i32 to vector<16xi32>
    %select_n3A_440 = arith.select %eq3A_437, %get3A_434, %broadcast_in_dim3A_439 : vector<16xi1>, vector<16xi32>
    %reduce_max3A_441 = arith.constant true
    %reduce_max3A_442 = vector.broadcast %reduce_max3A_441 : i1 to vector<16xi1>
    %reduce_max3A_443 = arith.constant -2147483648 : i32
    %reduce_max3A_444 = vector.broadcast %reduce_max3A_443 : i32 to vector<16xi32>
    %reduce_max3A_445 = arith.xori %select_n3A_440, %reduce_max3A_444 : vector<16xi32>
    %reduce_max3A_446 = tpu.scan <max>, %reduce_max3A_445 masked %reduce_max3A_442 : vector<16xi32>, vector<16xi1> -> vector<16xi32>
    %reduce_max3A_447 = arith.xori %reduce_max3A_446, %reduce_max3A_444 : vector<16xi32>
    %reduce_max3A_448 = vector.extract %reduce_max3A_447[15] : i32 from vector<16xi32>
    %jit3A_449 = arith.constant 128 : i32
    %eq3A_450 = arith.constant 0 : i32
    %eq3A_451 = arith.cmpi eq, %jit3A_449, %eq3A_450 : i32
    %jit3A_452 = arith.constant 1 : i32
    %select_n3A_453 = arith.select %eq3A_451, %jit3A_452, %jit3A_449 : i32
    %rem3A_454 = arith.remsi %reduce_max3A_448, %select_n3A_453 : i32
    %ne3A_455 = arith.constant 0 : i32
    %ne3A_456 = arith.cmpi ne, %rem3A_454, %ne3A_455 : i32
    %lt3A_457 = arith.constant 0 : i32
    %lt3A_458 = arith.cmpi slt, %rem3A_454, %lt3A_457 : i32
    %lt3A_459 = arith.constant 0 : i32
    %lt3A_460 = arith.cmpi slt, %select_n3A_453, %lt3A_459 : i32
    %ne3A_461 = arith.xori %lt3A_458, %lt3A_460 : i1
    %and3A_462 = arith.andi %ne3A_461, %ne3A_456 : i1
    %add3A_463 = arith.addi %rem3A_454, %select_n3A_453 : i32
    %select_n3A_464 = arith.select %and3A_462, %add3A_463, %rem3A_454 : i32
    %broadcast_in_dim3A_465 = arith.constant 507 : i32
    %broadcast_in_dim3A_466 = vector.broadcast %broadcast_in_dim3A_465 : i32 to vector<16xi32>
    %lt3A_467 = arith.constant 999936 : i32
    %lt3A_468 = arith.cmpi slt, %reduce_max3A_448, %lt3A_467 : i32
    %convert_element_type3A_469 = arith.extui %lt3A_468 : i1 to i32
    %cond3A_470 = arith.constant 0 : i32
    %cond3A_471 = arith.cmpi ne, %convert_element_type3A_469, %cond3A_470 : i32
    scf.if %cond3A_471 {
      %broadcast_in_dim3A_713 = vector.broadcast %select_n3A_464 : i32 to vector<16xi32>
      %gather3A = arith.constant 3 : i32
      %gather3A_714 = arith.constant 0 : i32
      %gather3A_715 = arith.constant 0 : i32
      %gather3A_716 = tpu.memref_slice %arg6[%gather3A, %gather3A_714, %gather3A_715] : memref<8x64x128xf32, #tpu.memory_space<vmem>> -> memref<1x64x128xf32, #tpu.memory_space<vmem>>
      %gather3A_717 = tpu.memref_squeeze %gather3A_716 : memref<1x64x128xf32, #tpu.memory_space<vmem>> -> memref<64x128xf32, #tpu.memory_space<vmem>>
      %gather3A_718 = tpu.vector_load_idx %gather3A_717[%add3A_16, %broadcast_in_dim3A_713] : memref<64x128xf32, #tpu.memory_space<vmem>>[vector<16xi32>, vector<16xi32>], vector<16xf32>,
      tpu.vector_store_idx %arg8[%add3A_16, %broadcast_in_dim3A_466], %gather3A_718 : memref<64x512xf32, #tpu.memory_space<vmem>>[vector<16xi32>, vector<16xi32>], vector<16xf32>,
      %gather3A_719 = arith.constant 3 : i32
      %gather3A_720 = arith.constant 0 : i32
      %gather3A_721 = arith.constant 0 : i32
      %gather3A_722 = tpu.memref_slice %arg6[%gather3A_719, %gather3A_720, %gather3A_721] : memref<8x64x128xf32, #tpu.memory_space<vmem>> -> memref<1x64x128xf32, #tpu.memory_space<vmem>>
      %gather3A_723 = tpu.memref_squeeze %gather3A_722 : memref<1x64x128xf32, #tpu.memory_space<vmem>> -> memref<64x128xf32, #tpu.memory_space<vmem>>
      %gather3A_724 = tpu.vector_load_idx %gather3A_723[%add3A_20, %broadcast_in_dim3A_713] : memref<64x128xf32, #tpu.memory_space<vmem>>[vector<16xi32>, vector<16xi32>], vector<16xf32>,
      tpu.vector_store_idx %arg8[%add3A_20, %broadcast_in_dim3A_466], %gather3A_724 : memref<64x512xf32, #tpu.memory_space<vmem>>[vector<16xi32>, vector<16xi32>], vector<16xf32>,
      %gather3A_725 = arith.constant 3 : i32
      %gather3A_726 = arith.constant 0 : i32
      %gather3A_727 = arith.constant 0 : i32
      %gather3A_728 = tpu.memref_slice %arg6[%gather3A_725, %gather3A_726, %gather3A_727] : memref<8x64x128xf32, #tpu.memory_space<vmem>> -> memref<1x64x128xf32, #tpu.memory_space<vmem>>
      %gather3A_729 = tpu.memref_squeeze %gather3A_728 : memref<1x64x128xf32, #tpu.memory_space<vmem>> -> memref<64x128xf32, #tpu.memory_space<vmem>>
      %gather3A_730 = tpu.vector_load_idx %gather3A_729[%add3A_24, %broadcast_in_dim3A_713] : memref<64x128xf32, #tpu.memory_space<vmem>>[vector<16xi32>, vector<16xi32>], vector<16xf32>,
      tpu.vector_store_idx %arg8[%add3A_24, %broadcast_in_dim3A_466], %gather3A_730 : memref<64x512xf32, #tpu.memory_space<vmem>>[vector<16xi32>, vector<16xi32>], vector<16xf32>,
      %gather3A_731 = arith.constant 3 : i32
      %gather3A_732 = arith.constant 0 : i32
      %gather3A_733 = arith.constant 0 : i32
      %gather3A_734 = tpu.memref_slice %arg6[%gather3A_731, %gather3A_732, %gather3A_733] : memref<8x64x128xf32, #tpu.memory_space<vmem>> -> memref<1x64x128xf32, #tpu.memory_space<vmem>>
      %gather3A_735 = tpu.memref_squeeze %gather3A_734 : memref<1x64x128xf32, #tpu.memory_space<vmem>> -> memref<64x128xf32, #tpu.memory_space<vmem>>
      %gather3A_736 = tpu.vector_load_idx %gather3A_735[%add3A_28, %broadcast_in_dim3A_713] : memref<64x128xf32, #tpu.memory_space<vmem>>[vector<16xi32>, vector<16xi32>], vector<16xf32>,
      tpu.vector_store_idx %arg8[%add3A_28, %broadcast_in_dim3A_466], %gather3A_736 : memref<64x512xf32, #tpu.memory_space<vmem>>[vector<16xi32>, vector<16xi32>], vector<16xf32>,
    } else {
    }
    %ge3A_472 = arith.constant 999936 : i32
    %ge3A_473 = arith.cmpi sge, %reduce_max3A_448, %ge3A_472 : i32
    %convert_element_type3A_474 = arith.extui %ge3A_473 : i1 to i32
    %cond3A_475 = arith.constant 0 : i32
    %cond3A_476 = arith.cmpi ne, %convert_element_type3A_474, %cond3A_475 : i32
    scf.if %cond3A_476 {
      %sub3A_713 = arith.constant 999936 : i32
      %sub3A_714 = arith.subi %reduce_max3A_448, %sub3A_713 : i32
      %broadcast_in_dim3A_715 = vector.broadcast %sub3A_714 : i32 to vector<16xi32>
      %gather3A = tpu.vector_load_idx %arg7[%add3A_16, %broadcast_in_dim3A_715] : memref<64x64xf32, #tpu.memory_space<vmem>>[vector<16xi32>, vector<16xi32>], vector<16xf32>,
      tpu.vector_store_idx %arg8[%add3A_16, %broadcast_in_dim3A_466], %gather3A : memref<64x512xf32, #tpu.memory_space<vmem>>[vector<16xi32>, vector<16xi32>], vector<16xf32>,
      %gather3A_716 = tpu.vector_load_idx %arg7[%add3A_20, %broadcast_in_dim3A_715] : memref<64x64xf32, #tpu.memory_space<vmem>>[vector<16xi32>, vector<16xi32>], vector<16xf32>,
      tpu.vector_store_idx %arg8[%add3A_20, %broadcast_in_dim3A_466], %gather3A_716 : memref<64x512xf32, #tpu.memory_space<vmem>>[vector<16xi32>, vector<16xi32>], vector<16xf32>,
      %gather3A_717 = tpu.vector_load_idx %arg7[%add3A_24, %broadcast_in_dim3A_715] : memref<64x64xf32, #tpu.memory_space<vmem>>[vector<16xi32>, vector<16xi32>], vector<16xf32>,
      tpu.vector_store_idx %arg8[%add3A_24, %broadcast_in_dim3A_466], %gather3A_717 : memref<64x512xf32, #tpu.memory_space<vmem>>[vector<16xi32>, vector<16xi32>], vector<16xf32>,
      %gather3A_718 = tpu.vector_load_idx %arg7[%add3A_28, %broadcast_in_dim3A_715] : memref<64x64xf32, #tpu.memory_space<vmem>>[vector<16xi32>, vector<16xi32>], vector<16xf32>,
      tpu.vector_store_idx %arg8[%add3A_28, %broadcast_in_dim3A_466], %gather3A_718 : memref<64x512xf32, #tpu.memory_space<vmem>>[vector<16xi32>, vector<16xi32>], vector<16xf32>,
    } else {
    }
    %dma_wait3A_477 = arith.constant 0 : i32
    %dma_wait3A_478 = arith.constant 0 : i32
    %dma_wait3A_479 = arith.constant 0 : i32
    %dma_wait3A_480 = tpu.memref_slice %arg6[%dma_wait3A_477, %dma_wait3A_478, %dma_wait3A_479] : memref<8x64x128xf32, #tpu.memory_space<vmem>> -> memref<1x64x128xf32, #tpu.memory_space<vmem>>
    %dma_wait3A_481 = tpu.memref_squeeze %dma_wait3A_480 : memref<1x64x128xf32, #tpu.memory_space<vmem>> -> memref<64x128xf32, #tpu.memory_space<vmem>>
    %dma_wait3A_482 = arith.constant 0 : i32
    %dma_wait3A_483 = arith.constant 0 : i32
    %dma_wait3A_484 = tpu.memref_slice %arg3[%dma_wait3A_482, %dma_wait3A_483] : memref<64x1000000xf32, #tpu.memory_space<hbm>> -> memref<64x128xf32, #tpu.memory_space<hbm>>
    %dma_wait3A_485 = arith.constant 0 : i32
    %dma_wait3A_486 = arith.constant 0 : i32
    %dma_wait3A_487 = tpu.memref_slice %arg6[%dma_wait3A_477, %dma_wait3A_485, %dma_wait3A_486] : memref<8x64x128xf32, #tpu.memory_space<vmem>> -> memref<1x64x128xf32, #tpu.memory_space<vmem>>
    %dma_wait3A_488 = tpu.memref_squeeze %dma_wait3A_487 : memref<1x64x128xf32, #tpu.memory_space<vmem>> -> memref<64x128xf32, #tpu.memory_space<vmem>>
    %dma_wait3A_489 = arith.constant 0 : i32
    %dma_wait3A_490 = arith.constant 0 : i32
    %dma_wait3A_491 = tpu.memref_slice %arg3[%dma_wait3A_489, %dma_wait3A_490] : memref<64x1000000xf32, #tpu.memory_space<hbm>> -> memref<64x128xf32, #tpu.memory_space<hbm>>
    tpu.wait_dma2 semaphore(%arg9 : memref<!tpu.dma_semaphore, #tpu.memory_space<semaphore_mem>>) src(%dma_wait3A_491 : memref<64x128xf32, #tpu.memory_space<hbm>>) dst(%dma_wait3A_488 : memref<64x128xf32, #tpu.memory_space<vmem>>)
    %get3A_492 = arith.constant 496 : index
    %get3A_493 = tpu.vector_load %arg5[%get3A_492] {strides = array<i32>} : memref<512xi32, #tpu.memory_space<vmem>>, vector<16xi32>,
    %eq3A_494 = arith.constant 12 : i32
    %eq3A_495 = vector.broadcast %eq3A_494 : i32 to vector<16xi32>
    %eq3A_496 = arith.cmpi eq, %iota3A, %eq3A_495 : vector<16xi32>
    %jit3A_497 = arith.constant -1 : i32
    %broadcast_in_dim3A_498 = vector.broadcast %jit3A_497 : i32 to vector<16xi32>
    %select_n3A_499 = arith.select %eq3A_496, %get3A_493, %broadcast_in_dim3A_498 : vector<16xi1>, vector<16xi32>
    %reduce_max3A_500 = arith.constant true
    %reduce_max3A_501 = vector.broadcast %reduce_max3A_500 : i1 to vector<16xi1>
    %reduce_max3A_502 = arith.constant -2147483648 : i32
    %reduce_max3A_503 = vector.broadcast %reduce_max3A_502 : i32 to vector<16xi32>
    %reduce_max3A_504 = arith.xori %select_n3A_499, %reduce_max3A_503 : vector<16xi32>
    %reduce_max3A_505 = tpu.scan <max>, %reduce_max3A_504 masked %reduce_max3A_501 : vector<16xi32>, vector<16xi1> -> vector<16xi32>
    %reduce_max3A_506 = arith.xori %reduce_max3A_505, %reduce_max3A_503 : vector<16xi32>
    %reduce_max3A_507 = vector.extract %reduce_max3A_506[15] : i32 from vector<16xi32>
    %jit3A_508 = arith.constant 128 : i32
    %eq3A_509 = arith.constant 0 : i32
    %eq3A_510 = arith.cmpi eq, %jit3A_508, %eq3A_509 : i32
    %jit3A_511 = arith.constant 1 : i32
    %select_n3A_512 = arith.select %eq3A_510, %jit3A_511, %jit3A_508 : i32
    %rem3A_513 = arith.remsi %reduce_max3A_507, %select_n3A_512 : i32
    %ne3A_514 = arith.constant 0 : i32
    %ne3A_515 = arith.cmpi ne, %rem3A_513, %ne3A_514 : i32
    %lt3A_516 = arith.constant 0 : i32
    %lt3A_517 = arith.cmpi slt, %rem3A_513, %lt3A_516 : i32
    %lt3A_518 = arith.constant 0 : i32
    %lt3A_519 = arith.cmpi slt, %select_n3A_512, %lt3A_518 : i32
    %ne3A_520 = arith.xori %lt3A_517, %lt3A_519 : i1
    %and3A_521 = arith.andi %ne3A_520, %ne3A_515 : i1
    %add3A_522 = arith.addi %rem3A_513, %select_n3A_512 : i32
    %select_n3A_523 = arith.select %and3A_521, %add3A_522, %rem3A_513 : i32
    %broadcast_in_dim3A_524 = arith.constant 508 : i32
    %broadcast_in_dim3A_525 = vector.broadcast %broadcast_in_dim3A_524 : i32 to vector<16xi32>
    %lt3A_526 = arith.constant 999936 : i32
    %lt3A_527 = arith.cmpi slt, %reduce_max3A_507, %lt3A_526 : i32
    %convert_element_type3A_528 = arith.extui %lt3A_527 : i1 to i32
    %cond3A_529 = arith.constant 0 : i32
    %cond3A_530 = arith.cmpi ne, %convert_element_type3A_528, %cond3A_529 : i32
    scf.if %cond3A_530 {
      %broadcast_in_dim3A_713 = vector.broadcast %select_n3A_523 : i32 to vector<16xi32>
      %gather3A = arith.constant 4 : i32
      %gather3A_714 = arith.constant 0 : i32
      %gather3A_715 = arith.constant 0 : i32
      %gather3A_716 = tpu.memref_slice %arg6[%gather3A, %gather3A_714, %gather3A_715] : memref<8x64x128xf32, #tpu.memory_space<vmem>> -> memref<1x64x128xf32, #tpu.memory_space<vmem>>
      %gather3A_717 = tpu.memref_squeeze %gather3A_716 : memref<1x64x128xf32, #tpu.memory_space<vmem>> -> memref<64x128xf32, #tpu.memory_space<vmem>>
      %gather3A_718 = tpu.vector_load_idx %gather3A_717[%add3A_16, %broadcast_in_dim3A_713] : memref<64x128xf32, #tpu.memory_space<vmem>>[vector<16xi32>, vector<16xi32>], vector<16xf32>,
      tpu.vector_store_idx %arg8[%add3A_16, %broadcast_in_dim3A_525], %gather3A_718 : memref<64x512xf32, #tpu.memory_space<vmem>>[vector<16xi32>, vector<16xi32>], vector<16xf32>,
      %gather3A_719 = arith.constant 4 : i32
      %gather3A_720 = arith.constant 0 : i32
      %gather3A_721 = arith.constant 0 : i32
      %gather3A_722 = tpu.memref_slice %arg6[%gather3A_719, %gather3A_720, %gather3A_721] : memref<8x64x128xf32, #tpu.memory_space<vmem>> -> memref<1x64x128xf32, #tpu.memory_space<vmem>>
      %gather3A_723 = tpu.memref_squeeze %gather3A_722 : memref<1x64x128xf32, #tpu.memory_space<vmem>> -> memref<64x128xf32, #tpu.memory_space<vmem>>
      %gather3A_724 = tpu.vector_load_idx %gather3A_723[%add3A_20, %broadcast_in_dim3A_713] : memref<64x128xf32, #tpu.memory_space<vmem>>[vector<16xi32>, vector<16xi32>], vector<16xf32>,
      tpu.vector_store_idx %arg8[%add3A_20, %broadcast_in_dim3A_525], %gather3A_724 : memref<64x512xf32, #tpu.memory_space<vmem>>[vector<16xi32>, vector<16xi32>], vector<16xf32>,
      %gather3A_725 = arith.constant 4 : i32
      %gather3A_726 = arith.constant 0 : i32
      %gather3A_727 = arith.constant 0 : i32
      %gather3A_728 = tpu.memref_slice %arg6[%gather3A_725, %gather3A_726, %gather3A_727] : memref<8x64x128xf32, #tpu.memory_space<vmem>> -> memref<1x64x128xf32, #tpu.memory_space<vmem>>
      %gather3A_729 = tpu.memref_squeeze %gather3A_728 : memref<1x64x128xf32, #tpu.memory_space<vmem>> -> memref<64x128xf32, #tpu.memory_space<vmem>>
      %gather3A_730 = tpu.vector_load_idx %gather3A_729[%add3A_24, %broadcast_in_dim3A_713] : memref<64x128xf32, #tpu.memory_space<vmem>>[vector<16xi32>, vector<16xi32>], vector<16xf32>,
      tpu.vector_store_idx %arg8[%add3A_24, %broadcast_in_dim3A_525], %gather3A_730 : memref<64x512xf32, #tpu.memory_space<vmem>>[vector<16xi32>, vector<16xi32>], vector<16xf32>,
      %gather3A_731 = arith.constant 4 : i32
      %gather3A_732 = arith.constant 0 : i32
      %gather3A_733 = arith.constant 0 : i32
      %gather3A_734 = tpu.memref_slice %arg6[%gather3A_731, %gather3A_732, %gather3A_733] : memref<8x64x128xf32, #tpu.memory_space<vmem>> -> memref<1x64x128xf32, #tpu.memory_space<vmem>>
      %gather3A_735 = tpu.memref_squeeze %gather3A_734 : memref<1x64x128xf32, #tpu.memory_space<vmem>> -> memref<64x128xf32, #tpu.memory_space<vmem>>
      %gather3A_736 = tpu.vector_load_idx %gather3A_735[%add3A_28, %broadcast_in_dim3A_713] : memref<64x128xf32, #tpu.memory_space<vmem>>[vector<16xi32>, vector<16xi32>], vector<16xf32>,
      tpu.vector_store_idx %arg8[%add3A_28, %broadcast_in_dim3A_525], %gather3A_736 : memref<64x512xf32, #tpu.memory_space<vmem>>[vector<16xi32>, vector<16xi32>], vector<16xf32>,
    } else {
    }
    %ge3A_531 = arith.constant 999936 : i32
    %ge3A_532 = arith.cmpi sge, %reduce_max3A_507, %ge3A_531 : i32
    %convert_element_type3A_533 = arith.extui %ge3A_532 : i1 to i32
    %cond3A_534 = arith.constant 0 : i32
    %cond3A_535 = arith.cmpi ne, %convert_element_type3A_533, %cond3A_534 : i32
    scf.if %cond3A_535 {
      %sub3A_713 = arith.constant 999936 : i32
      %sub3A_714 = arith.subi %reduce_max3A_507, %sub3A_713 : i32
      %broadcast_in_dim3A_715 = vector.broadcast %sub3A_714 : i32 to vector<16xi32>
      %gather3A = tpu.vector_load_idx %arg7[%add3A_16, %broadcast_in_dim3A_715] : memref<64x64xf32, #tpu.memory_space<vmem>>[vector<16xi32>, vector<16xi32>], vector<16xf32>,
      tpu.vector_store_idx %arg8[%add3A_16, %broadcast_in_dim3A_525], %gather3A : memref<64x512xf32, #tpu.memory_space<vmem>>[vector<16xi32>, vector<16xi32>], vector<16xf32>,
      %gather3A_716 = tpu.vector_load_idx %arg7[%add3A_20, %broadcast_in_dim3A_715] : memref<64x64xf32, #tpu.memory_space<vmem>>[vector<16xi32>, vector<16xi32>], vector<16xf32>,
      tpu.vector_store_idx %arg8[%add3A_20, %broadcast_in_dim3A_525], %gather3A_716 : memref<64x512xf32, #tpu.memory_space<vmem>>[vector<16xi32>, vector<16xi32>], vector<16xf32>,
      %gather3A_717 = tpu.vector_load_idx %arg7[%add3A_24, %broadcast_in_dim3A_715] : memref<64x64xf32, #tpu.memory_space<vmem>>[vector<16xi32>, vector<16xi32>], vector<16xf32>,
      tpu.vector_store_idx %arg8[%add3A_24, %broadcast_in_dim3A_525], %gather3A_717 : memref<64x512xf32, #tpu.memory_space<vmem>>[vector<16xi32>, vector<16xi32>], vector<16xf32>,
      %gather3A_718 = tpu.vector_load_idx %arg7[%add3A_28, %broadcast_in_dim3A_715] : memref<64x64xf32, #tpu.memory_space<vmem>>[vector<16xi32>, vector<16xi32>], vector<16xf32>,
      tpu.vector_store_idx %arg8[%add3A_28, %broadcast_in_dim3A_525], %gather3A_718 : memref<64x512xf32, #tpu.memory_space<vmem>>[vector<16xi32>, vector<16xi32>], vector<16xf32>,
    } else {
    }
    %dma_wait3A_536 = arith.constant 0 : i32
    %dma_wait3A_537 = arith.constant 0 : i32
    %dma_wait3A_538 = arith.constant 0 : i32
    %dma_wait3A_539 = tpu.memref_slice %arg6[%dma_wait3A_536, %dma_wait3A_537, %dma_wait3A_538] : memref<8x64x128xf32, #tpu.memory_space<vmem>> -> memref<1x64x128xf32, #tpu.memory_space<vmem>>
    %dma_wait3A_540 = tpu.memref_squeeze %dma_wait3A_539 : memref<1x64x128xf32, #tpu.memory_space<vmem>> -> memref<64x128xf32, #tpu.memory_space<vmem>>
    %dma_wait3A_541 = arith.constant 0 : i32
    %dma_wait3A_542 = arith.constant 0 : i32
    %dma_wait3A_543 = tpu.memref_slice %arg3[%dma_wait3A_541, %dma_wait3A_542] : memref<64x1000000xf32, #tpu.memory_space<hbm>> -> memref<64x128xf32, #tpu.memory_space<hbm>>
    %dma_wait3A_544 = arith.constant 0 : i32
    %dma_wait3A_545 = arith.constant 0 : i32
    %dma_wait3A_546 = tpu.memref_slice %arg6[%dma_wait3A_536, %dma_wait3A_544, %dma_wait3A_545] : memref<8x64x128xf32, #tpu.memory_space<vmem>> -> memref<1x64x128xf32, #tpu.memory_space<vmem>>
    %dma_wait3A_547 = tpu.memref_squeeze %dma_wait3A_546 : memref<1x64x128xf32, #tpu.memory_space<vmem>> -> memref<64x128xf32, #tpu.memory_space<vmem>>
    %dma_wait3A_548 = arith.constant 0 : i32
    %dma_wait3A_549 = arith.constant 0 : i32
    %dma_wait3A_550 = tpu.memref_slice %arg3[%dma_wait3A_548, %dma_wait3A_549] : memref<64x1000000xf32, #tpu.memory_space<hbm>> -> memref<64x128xf32, #tpu.memory_space<hbm>>
    tpu.wait_dma2 semaphore(%arg9 : memref<!tpu.dma_semaphore, #tpu.memory_space<semaphore_mem>>) src(%dma_wait3A_550 : memref<64x128xf32, #tpu.memory_space<hbm>>) dst(%dma_wait3A_547 : memref<64x128xf32, #tpu.memory_space<vmem>>)
    %get3A_551 = arith.constant 496 : index
    %get3A_552 = tpu.vector_load %arg5[%get3A_551] {strides = array<i32>} : memref<512xi32, #tpu.memory_space<vmem>>, vector<16xi32>,
    %eq3A_553 = arith.constant 13 : i32
    %eq3A_554 = vector.broadcast %eq3A_553 : i32 to vector<16xi32>
    %eq3A_555 = arith.cmpi eq, %iota3A, %eq3A_554 : vector<16xi32>
    %jit3A_556 = arith.constant -1 : i32
    %broadcast_in_dim3A_557 = vector.broadcast %jit3A_556 : i32 to vector<16xi32>
    %select_n3A_558 = arith.select %eq3A_555, %get3A_552, %broadcast_in_dim3A_557 : vector<16xi1>, vector<16xi32>
    %reduce_max3A_559 = arith.constant true
    %reduce_max3A_560 = vector.broadcast %reduce_max3A_559 : i1 to vector<16xi1>
    %reduce_max3A_561 = arith.constant -2147483648 : i32
    %reduce_max3A_562 = vector.broadcast %reduce_max3A_561 : i32 to vector<16xi32>
    %reduce_max3A_563 = arith.xori %select_n3A_558, %reduce_max3A_562 : vector<16xi32>
    %reduce_max3A_564 = tpu.scan <max>, %reduce_max3A_563 masked %reduce_max3A_560 : vector<16xi32>, vector<16xi1> -> vector<16xi32>
    %reduce_max3A_565 = arith.xori %reduce_max3A_564, %reduce_max3A_562 : vector<16xi32>
    %reduce_max3A_566 = vector.extract %reduce_max3A_565[15] : i32 from vector<16xi32>
    %jit3A_567 = arith.constant 128 : i32
    %eq3A_568 = arith.constant 0 : i32
    %eq3A_569 = arith.cmpi eq, %jit3A_567, %eq3A_568 : i32
    %jit3A_570 = arith.constant 1 : i32
    %select_n3A_571 = arith.select %eq3A_569, %jit3A_570, %jit3A_567 : i32
    %rem3A_572 = arith.remsi %reduce_max3A_566, %select_n3A_571 : i32
    %ne3A_573 = arith.constant 0 : i32
    %ne3A_574 = arith.cmpi ne, %rem3A_572, %ne3A_573 : i32
    %lt3A_575 = arith.constant 0 : i32
    %lt3A_576 = arith.cmpi slt, %rem3A_572, %lt3A_575 : i32
    %lt3A_577 = arith.constant 0 : i32
    %lt3A_578 = arith.cmpi slt, %select_n3A_571, %lt3A_577 : i32
    %ne3A_579 = arith.xori %lt3A_576, %lt3A_578 : i1
    %and3A_580 = arith.andi %ne3A_579, %ne3A_574 : i1
    %add3A_581 = arith.addi %rem3A_572, %select_n3A_571 : i32
    %select_n3A_582 = arith.select %and3A_580, %add3A_581, %rem3A_572 : i32
    %broadcast_in_dim3A_583 = arith.constant 509 : i32
    %broadcast_in_dim3A_584 = vector.broadcast %broadcast_in_dim3A_583 : i32 to vector<16xi32>
    %lt3A_585 = arith.constant 999936 : i32
    %lt3A_586 = arith.cmpi slt, %reduce_max3A_566, %lt3A_585 : i32
    %convert_element_type3A_587 = arith.extui %lt3A_586 : i1 to i32
    %cond3A_588 = arith.constant 0 : i32
    %cond3A_589 = arith.cmpi ne, %convert_element_type3A_587, %cond3A_588 : i32
    scf.if %cond3A_589 {
      %broadcast_in_dim3A_713 = vector.broadcast %select_n3A_582 : i32 to vector<16xi32>
      %gather3A = arith.constant 5 : i32
      %gather3A_714 = arith.constant 0 : i32
      %gather3A_715 = arith.constant 0 : i32
      %gather3A_716 = tpu.memref_slice %arg6[%gather3A, %gather3A_714, %gather3A_715] : memref<8x64x128xf32, #tpu.memory_space<vmem>> -> memref<1x64x128xf32, #tpu.memory_space<vmem>>
      %gather3A_717 = tpu.memref_squeeze %gather3A_716 : memref<1x64x128xf32, #tpu.memory_space<vmem>> -> memref<64x128xf32, #tpu.memory_space<vmem>>
      %gather3A_718 = tpu.vector_load_idx %gather3A_717[%add3A_16, %broadcast_in_dim3A_713] : memref<64x128xf32, #tpu.memory_space<vmem>>[vector<16xi32>, vector<16xi32>], vector<16xf32>,
      tpu.vector_store_idx %arg8[%add3A_16, %broadcast_in_dim3A_584], %gather3A_718 : memref<64x512xf32, #tpu.memory_space<vmem>>[vector<16xi32>, vector<16xi32>], vector<16xf32>,
      %gather3A_719 = arith.constant 5 : i32
      %gather3A_720 = arith.constant 0 : i32
      %gather3A_721 = arith.constant 0 : i32
      %gather3A_722 = tpu.memref_slice %arg6[%gather3A_719, %gather3A_720, %gather3A_721] : memref<8x64x128xf32, #tpu.memory_space<vmem>> -> memref<1x64x128xf32, #tpu.memory_space<vmem>>
      %gather3A_723 = tpu.memref_squeeze %gather3A_722 : memref<1x64x128xf32, #tpu.memory_space<vmem>> -> memref<64x128xf32, #tpu.memory_space<vmem>>
      %gather3A_724 = tpu.vector_load_idx %gather3A_723[%add3A_20, %broadcast_in_dim3A_713] : memref<64x128xf32, #tpu.memory_space<vmem>>[vector<16xi32>, vector<16xi32>], vector<16xf32>,
      tpu.vector_store_idx %arg8[%add3A_20, %broadcast_in_dim3A_584], %gather3A_724 : memref<64x512xf32, #tpu.memory_space<vmem>>[vector<16xi32>, vector<16xi32>], vector<16xf32>,
      %gather3A_725 = arith.constant 5 : i32
      %gather3A_726 = arith.constant 0 : i32
      %gather3A_727 = arith.constant 0 : i32
      %gather3A_728 = tpu.memref_slice %arg6[%gather3A_725, %gather3A_726, %gather3A_727] : memref<8x64x128xf32, #tpu.memory_space<vmem>> -> memref<1x64x128xf32, #tpu.memory_space<vmem>>
      %gather3A_729 = tpu.memref_squeeze %gather3A_728 : memref<1x64x128xf32, #tpu.memory_space<vmem>> -> memref<64x128xf32, #tpu.memory_space<vmem>>
      %gather3A_730 = tpu.vector_load_idx %gather3A_729[%add3A_24, %broadcast_in_dim3A_713] : memref<64x128xf32, #tpu.memory_space<vmem>>[vector<16xi32>, vector<16xi32>], vector<16xf32>,
      tpu.vector_store_idx %arg8[%add3A_24, %broadcast_in_dim3A_584], %gather3A_730 : memref<64x512xf32, #tpu.memory_space<vmem>>[vector<16xi32>, vector<16xi32>], vector<16xf32>,
      %gather3A_731 = arith.constant 5 : i32
      %gather3A_732 = arith.constant 0 : i32
      %gather3A_733 = arith.constant 0 : i32
      %gather3A_734 = tpu.memref_slice %arg6[%gather3A_731, %gather3A_732, %gather3A_733] : memref<8x64x128xf32, #tpu.memory_space<vmem>> -> memref<1x64x128xf32, #tpu.memory_space<vmem>>
      %gather3A_735 = tpu.memref_squeeze %gather3A_734 : memref<1x64x128xf32, #tpu.memory_space<vmem>> -> memref<64x128xf32, #tpu.memory_space<vmem>>
      %gather3A_736 = tpu.vector_load_idx %gather3A_735[%add3A_28, %broadcast_in_dim3A_713] : memref<64x128xf32, #tpu.memory_space<vmem>>[vector<16xi32>, vector<16xi32>], vector<16xf32>,
      tpu.vector_store_idx %arg8[%add3A_28, %broadcast_in_dim3A_584], %gather3A_736 : memref<64x512xf32, #tpu.memory_space<vmem>>[vector<16xi32>, vector<16xi32>], vector<16xf32>,
    } else {
    }
    %ge3A_590 = arith.constant 999936 : i32
    %ge3A_591 = arith.cmpi sge, %reduce_max3A_566, %ge3A_590 : i32
    %convert_element_type3A_592 = arith.extui %ge3A_591 : i1 to i32
    %cond3A_593 = arith.constant 0 : i32
    %cond3A_594 = arith.cmpi ne, %convert_element_type3A_592, %cond3A_593 : i32
    scf.if %cond3A_594 {
      %sub3A_713 = arith.constant 999936 : i32
      %sub3A_714 = arith.subi %reduce_max3A_566, %sub3A_713 : i32
      %broadcast_in_dim3A_715 = vector.broadcast %sub3A_714 : i32 to vector<16xi32>
      %gather3A = tpu.vector_load_idx %arg7[%add3A_16, %broadcast_in_dim3A_715] : memref<64x64xf32, #tpu.memory_space<vmem>>[vector<16xi32>, vector<16xi32>], vector<16xf32>,
      tpu.vector_store_idx %arg8[%add3A_16, %broadcast_in_dim3A_584], %gather3A : memref<64x512xf32, #tpu.memory_space<vmem>>[vector<16xi32>, vector<16xi32>], vector<16xf32>,
      %gather3A_716 = tpu.vector_load_idx %arg7[%add3A_20, %broadcast_in_dim3A_715] : memref<64x64xf32, #tpu.memory_space<vmem>>[vector<16xi32>, vector<16xi32>], vector<16xf32>,
      tpu.vector_store_idx %arg8[%add3A_20, %broadcast_in_dim3A_584], %gather3A_716 : memref<64x512xf32, #tpu.memory_space<vmem>>[vector<16xi32>, vector<16xi32>], vector<16xf32>,
      %gather3A_717 = tpu.vector_load_idx %arg7[%add3A_24, %broadcast_in_dim3A_715] : memref<64x64xf32, #tpu.memory_space<vmem>>[vector<16xi32>, vector<16xi32>], vector<16xf32>,
      tpu.vector_store_idx %arg8[%add3A_24, %broadcast_in_dim3A_584], %gather3A_717 : memref<64x512xf32, #tpu.memory_space<vmem>>[vector<16xi32>, vector<16xi32>], vector<16xf32>,
      %gather3A_718 = tpu.vector_load_idx %arg7[%add3A_28, %broadcast_in_dim3A_715] : memref<64x64xf32, #tpu.memory_space<vmem>>[vector<16xi32>, vector<16xi32>], vector<16xf32>,
      tpu.vector_store_idx %arg8[%add3A_28, %broadcast_in_dim3A_584], %gather3A_718 : memref<64x512xf32, #tpu.memory_space<vmem>>[vector<16xi32>, vector<16xi32>], vector<16xf32>,
    } else {
    }
    %dma_wait3A_595 = arith.constant 0 : i32
    %dma_wait3A_596 = arith.constant 0 : i32
    %dma_wait3A_597 = arith.constant 0 : i32
    %dma_wait3A_598 = tpu.memref_slice %arg6[%dma_wait3A_595, %dma_wait3A_596, %dma_wait3A_597] : memref<8x64x128xf32, #tpu.memory_space<vmem>> -> memref<1x64x128xf32, #tpu.memory_space<vmem>>
    %dma_wait3A_599 = tpu.memref_squeeze %dma_wait3A_598 : memref<1x64x128xf32, #tpu.memory_space<vmem>> -> memref<64x128xf32, #tpu.memory_space<vmem>>
    %dma_wait3A_600 = arith.constant 0 : i32
    %dma_wait3A_601 = arith.constant 0 : i32
    %dma_wait3A_602 = tpu.memref_slice %arg3[%dma_wait3A_600, %dma_wait3A_601] : memref<64x1000000xf32, #tpu.memory_space<hbm>> -> memref<64x128xf32, #tpu.memory_space<hbm>>
    %dma_wait3A_603 = arith.constant 0 : i32
    %dma_wait3A_604 = arith.constant 0 : i32
    %dma_wait3A_605 = tpu.memref_slice %arg6[%dma_wait3A_595, %dma_wait3A_603, %dma_wait3A_604] : memref<8x64x128xf32, #tpu.memory_space<vmem>> -> memref<1x64x128xf32, #tpu.memory_space<vmem>>
    %dma_wait3A_606 = tpu.memref_squeeze %dma_wait3A_605 : memref<1x64x128xf32, #tpu.memory_space<vmem>> -> memref<64x128xf32, #tpu.memory_space<vmem>>
    %dma_wait3A_607 = arith.constant 0 : i32
    %dma_wait3A_608 = arith.constant 0 : i32
    %dma_wait3A_609 = tpu.memref_slice %arg3[%dma_wait3A_607, %dma_wait3A_608] : memref<64x1000000xf32, #tpu.memory_space<hbm>> -> memref<64x128xf32, #tpu.memory_space<hbm>>
    tpu.wait_dma2 semaphore(%arg9 : memref<!tpu.dma_semaphore, #tpu.memory_space<semaphore_mem>>) src(%dma_wait3A_609 : memref<64x128xf32, #tpu.memory_space<hbm>>) dst(%dma_wait3A_606 : memref<64x128xf32, #tpu.memory_space<vmem>>)
    %get3A_610 = arith.constant 496 : index
    %get3A_611 = tpu.vector_load %arg5[%get3A_610] {strides = array<i32>} : memref<512xi32, #tpu.memory_space<vmem>>, vector<16xi32>,
    %eq3A_612 = arith.constant 14 : i32
    %eq3A_613 = vector.broadcast %eq3A_612 : i32 to vector<16xi32>
    %eq3A_614 = arith.cmpi eq, %iota3A, %eq3A_613 : vector<16xi32>
    %jit3A_615 = arith.constant -1 : i32
    %broadcast_in_dim3A_616 = vector.broadcast %jit3A_615 : i32 to vector<16xi32>
    %select_n3A_617 = arith.select %eq3A_614, %get3A_611, %broadcast_in_dim3A_616 : vector<16xi1>, vector<16xi32>
    %reduce_max3A_618 = arith.constant true
    %reduce_max3A_619 = vector.broadcast %reduce_max3A_618 : i1 to vector<16xi1>
    %reduce_max3A_620 = arith.constant -2147483648 : i32
    %reduce_max3A_621 = vector.broadcast %reduce_max3A_620 : i32 to vector<16xi32>
    %reduce_max3A_622 = arith.xori %select_n3A_617, %reduce_max3A_621 : vector<16xi32>
    %reduce_max3A_623 = tpu.scan <max>, %reduce_max3A_622 masked %reduce_max3A_619 : vector<16xi32>, vector<16xi1> -> vector<16xi32>
    %reduce_max3A_624 = arith.xori %reduce_max3A_623, %reduce_max3A_621 : vector<16xi32>
    %reduce_max3A_625 = vector.extract %reduce_max3A_624[15] : i32 from vector<16xi32>
    %jit3A_626 = arith.constant 128 : i32
    %eq3A_627 = arith.constant 0 : i32
    %eq3A_628 = arith.cmpi eq, %jit3A_626, %eq3A_627 : i32
    %jit3A_629 = arith.constant 1 : i32
    %select_n3A_630 = arith.select %eq3A_628, %jit3A_629, %jit3A_626 : i32
    %rem3A_631 = arith.remsi %reduce_max3A_625, %select_n3A_630 : i32
    %ne3A_632 = arith.constant 0 : i32
    %ne3A_633 = arith.cmpi ne, %rem3A_631, %ne3A_632 : i32
    %lt3A_634 = arith.constant 0 : i32
    %lt3A_635 = arith.cmpi slt, %rem3A_631, %lt3A_634 : i32
    %lt3A_636 = arith.constant 0 : i32
    %lt3A_637 = arith.cmpi slt, %select_n3A_630, %lt3A_636 : i32
    %ne3A_638 = arith.xori %lt3A_635, %lt3A_637 : i1
    %and3A_639 = arith.andi %ne3A_638, %ne3A_633 : i1
    %add3A_640 = arith.addi %rem3A_631, %select_n3A_630 : i32
    %select_n3A_641 = arith.select %and3A_639, %add3A_640, %rem3A_631 : i32
    %broadcast_in_dim3A_642 = arith.constant 510 : i32
    %broadcast_in_dim3A_643 = vector.broadcast %broadcast_in_dim3A_642 : i32 to vector<16xi32>
    %lt3A_644 = arith.constant 999936 : i32
    %lt3A_645 = arith.cmpi slt, %reduce_max3A_625, %lt3A_644 : i32
    %convert_element_type3A_646 = arith.extui %lt3A_645 : i1 to i32
    %cond3A_647 = arith.constant 0 : i32
    %cond3A_648 = arith.cmpi ne, %convert_element_type3A_646, %cond3A_647 : i32
    scf.if %cond3A_648 {
      %broadcast_in_dim3A_713 = vector.broadcast %select_n3A_641 : i32 to vector<16xi32>
      %gather3A = arith.constant 6 : i32
      %gather3A_714 = arith.constant 0 : i32
      %gather3A_715 = arith.constant 0 : i32
      %gather3A_716 = tpu.memref_slice %arg6[%gather3A, %gather3A_714, %gather3A_715] : memref<8x64x128xf32, #tpu.memory_space<vmem>> -> memref<1x64x128xf32, #tpu.memory_space<vmem>>
      %gather3A_717 = tpu.memref_squeeze %gather3A_716 : memref<1x64x128xf32, #tpu.memory_space<vmem>> -> memref<64x128xf32, #tpu.memory_space<vmem>>
      %gather3A_718 = tpu.vector_load_idx %gather3A_717[%add3A_16, %broadcast_in_dim3A_713] : memref<64x128xf32, #tpu.memory_space<vmem>>[vector<16xi32>, vector<16xi32>], vector<16xf32>,
      tpu.vector_store_idx %arg8[%add3A_16, %broadcast_in_dim3A_643], %gather3A_718 : memref<64x512xf32, #tpu.memory_space<vmem>>[vector<16xi32>, vector<16xi32>], vector<16xf32>,
      %gather3A_719 = arith.constant 6 : i32
      %gather3A_720 = arith.constant 0 : i32
      %gather3A_721 = arith.constant 0 : i32
      %gather3A_722 = tpu.memref_slice %arg6[%gather3A_719, %gather3A_720, %gather3A_721] : memref<8x64x128xf32, #tpu.memory_space<vmem>> -> memref<1x64x128xf32, #tpu.memory_space<vmem>>
      %gather3A_723 = tpu.memref_squeeze %gather3A_722 : memref<1x64x128xf32, #tpu.memory_space<vmem>> -> memref<64x128xf32, #tpu.memory_space<vmem>>
      %gather3A_724 = tpu.vector_load_idx %gather3A_723[%add3A_20, %broadcast_in_dim3A_713] : memref<64x128xf32, #tpu.memory_space<vmem>>[vector<16xi32>, vector<16xi32>], vector<16xf32>,
      tpu.vector_store_idx %arg8[%add3A_20, %broadcast_in_dim3A_643], %gather3A_724 : memref<64x512xf32, #tpu.memory_space<vmem>>[vector<16xi32>, vector<16xi32>], vector<16xf32>,
      %gather3A_725 = arith.constant 6 : i32
      %gather3A_726 = arith.constant 0 : i32
      %gather3A_727 = arith.constant 0 : i32
      %gather3A_728 = tpu.memref_slice %arg6[%gather3A_725, %gather3A_726, %gather3A_727] : memref<8x64x128xf32, #tpu.memory_space<vmem>> -> memref<1x64x128xf32, #tpu.memory_space<vmem>>
      %gather3A_729 = tpu.memref_squeeze %gather3A_728 : memref<1x64x128xf32, #tpu.memory_space<vmem>> -> memref<64x128xf32, #tpu.memory_space<vmem>>
      %gather3A_730 = tpu.vector_load_idx %gather3A_729[%add3A_24, %broadcast_in_dim3A_713] : memref<64x128xf32, #tpu.memory_space<vmem>>[vector<16xi32>, vector<16xi32>], vector<16xf32>,
      tpu.vector_store_idx %arg8[%add3A_24, %broadcast_in_dim3A_643], %gather3A_730 : memref<64x512xf32, #tpu.memory_space<vmem>>[vector<16xi32>, vector<16xi32>], vector<16xf32>,
      %gather3A_731 = arith.constant 6 : i32
      %gather3A_732 = arith.constant 0 : i32
      %gather3A_733 = arith.constant 0 : i32
      %gather3A_734 = tpu.memref_slice %arg6[%gather3A_731, %gather3A_732, %gather3A_733] : memref<8x64x128xf32, #tpu.memory_space<vmem>> -> memref<1x64x128xf32, #tpu.memory_space<vmem>>
      %gather3A_735 = tpu.memref_squeeze %gather3A_734 : memref<1x64x128xf32, #tpu.memory_space<vmem>> -> memref<64x128xf32, #tpu.memory_space<vmem>>
      %gather3A_736 = tpu.vector_load_idx %gather3A_735[%add3A_28, %broadcast_in_dim3A_713] : memref<64x128xf32, #tpu.memory_space<vmem>>[vector<16xi32>, vector<16xi32>], vector<16xf32>,
      tpu.vector_store_idx %arg8[%add3A_28, %broadcast_in_dim3A_643], %gather3A_736 : memref<64x512xf32, #tpu.memory_space<vmem>>[vector<16xi32>, vector<16xi32>], vector<16xf32>,
    } else {
    }
    %ge3A_649 = arith.constant 999936 : i32
    %ge3A_650 = arith.cmpi sge, %reduce_max3A_625, %ge3A_649 : i32
    %convert_element_type3A_651 = arith.extui %ge3A_650 : i1 to i32
    %cond3A_652 = arith.constant 0 : i32
    %cond3A_653 = arith.cmpi ne, %convert_element_type3A_651, %cond3A_652 : i32
    scf.if %cond3A_653 {
      %sub3A_713 = arith.constant 999936 : i32
      %sub3A_714 = arith.subi %reduce_max3A_625, %sub3A_713 : i32
      %broadcast_in_dim3A_715 = vector.broadcast %sub3A_714 : i32 to vector<16xi32>
      %gather3A = tpu.vector_load_idx %arg7[%add3A_16, %broadcast_in_dim3A_715] : memref<64x64xf32, #tpu.memory_space<vmem>>[vector<16xi32>, vector<16xi32>], vector<16xf32>,
      tpu.vector_store_idx %arg8[%add3A_16, %broadcast_in_dim3A_643], %gather3A : memref<64x512xf32, #tpu.memory_space<vmem>>[vector<16xi32>, vector<16xi32>], vector<16xf32>,
      %gather3A_716 = tpu.vector_load_idx %arg7[%add3A_20, %broadcast_in_dim3A_715] : memref<64x64xf32, #tpu.memory_space<vmem>>[vector<16xi32>, vector<16xi32>], vector<16xf32>,
      tpu.vector_store_idx %arg8[%add3A_20, %broadcast_in_dim3A_643], %gather3A_716 : memref<64x512xf32, #tpu.memory_space<vmem>>[vector<16xi32>, vector<16xi32>], vector<16xf32>,
      %gather3A_717 = tpu.vector_load_idx %arg7[%add3A_24, %broadcast_in_dim3A_715] : memref<64x64xf32, #tpu.memory_space<vmem>>[vector<16xi32>, vector<16xi32>], vector<16xf32>,
      tpu.vector_store_idx %arg8[%add3A_24, %broadcast_in_dim3A_643], %gather3A_717 : memref<64x512xf32, #tpu.memory_space<vmem>>[vector<16xi32>, vector<16xi32>], vector<16xf32>,
      %gather3A_718 = tpu.vector_load_idx %arg7[%add3A_28, %broadcast_in_dim3A_715] : memref<64x64xf32, #tpu.memory_space<vmem>>[vector<16xi32>, vector<16xi32>], vector<16xf32>,
      tpu.vector_store_idx %arg8[%add3A_28, %broadcast_in_dim3A_643], %gather3A_718 : memref<64x512xf32, #tpu.memory_space<vmem>>[vector<16xi32>, vector<16xi32>], vector<16xf32>,
    } else {
    }
    %dma_wait3A_654 = arith.constant 0 : i32
    %dma_wait3A_655 = arith.constant 0 : i32
    %dma_wait3A_656 = arith.constant 0 : i32
    %dma_wait3A_657 = tpu.memref_slice %arg6[%dma_wait3A_654, %dma_wait3A_655, %dma_wait3A_656] : memref<8x64x128xf32, #tpu.memory_space<vmem>> -> memref<1x64x128xf32, #tpu.memory_space<vmem>>
    %dma_wait3A_658 = tpu.memref_squeeze %dma_wait3A_657 : memref<1x64x128xf32, #tpu.memory_space<vmem>> -> memref<64x128xf32, #tpu.memory_space<vmem>>
    %dma_wait3A_659 = arith.constant 0 : i32
    %dma_wait3A_660 = arith.constant 0 : i32
    %dma_wait3A_661 = tpu.memref_slice %arg3[%dma_wait3A_659, %dma_wait3A_660] : memref<64x1000000xf32, #tpu.memory_space<hbm>> -> memref<64x128xf32, #tpu.memory_space<hbm>>
    %dma_wait3A_662 = arith.constant 0 : i32
    %dma_wait3A_663 = arith.constant 0 : i32
    %dma_wait3A_664 = tpu.memref_slice %arg6[%dma_wait3A_654, %dma_wait3A_662, %dma_wait3A_663] : memref<8x64x128xf32, #tpu.memory_space<vmem>> -> memref<1x64x128xf32, #tpu.memory_space<vmem>>
    %dma_wait3A_665 = tpu.memref_squeeze %dma_wait3A_664 : memref<1x64x128xf32, #tpu.memory_space<vmem>> -> memref<64x128xf32, #tpu.memory_space<vmem>>
    %dma_wait3A_666 = arith.constant 0 : i32
    %dma_wait3A_667 = arith.constant 0 : i32
    %dma_wait3A_668 = tpu.memref_slice %arg3[%dma_wait3A_666, %dma_wait3A_667] : memref<64x1000000xf32, #tpu.memory_space<hbm>> -> memref<64x128xf32, #tpu.memory_space<hbm>>
    tpu.wait_dma2 semaphore(%arg9 : memref<!tpu.dma_semaphore, #tpu.memory_space<semaphore_mem>>) src(%dma_wait3A_668 : memref<64x128xf32, #tpu.memory_space<hbm>>) dst(%dma_wait3A_665 : memref<64x128xf32, #tpu.memory_space<vmem>>)
    %get3A_669 = arith.constant 496 : index
    %get3A_670 = tpu.vector_load %arg5[%get3A_669] {strides = array<i32>} : memref<512xi32, #tpu.memory_space<vmem>>, vector<16xi32>,
    %eq3A_671 = arith.constant 15 : i32
    %eq3A_672 = vector.broadcast %eq3A_671 : i32 to vector<16xi32>
    %eq3A_673 = arith.cmpi eq, %iota3A, %eq3A_672 : vector<16xi32>
    %jit3A_674 = arith.constant -1 : i32
    %broadcast_in_dim3A_675 = vector.broadcast %jit3A_674 : i32 to vector<16xi32>
    %select_n3A_676 = arith.select %eq3A_673, %get3A_670, %broadcast_in_dim3A_675 : vector<16xi1>, vector<16xi32>
    %reduce_max3A_677 = arith.constant true
    %reduce_max3A_678 = vector.broadcast %reduce_max3A_677 : i1 to vector<16xi1>
    %reduce_max3A_679 = arith.constant -2147483648 : i32
    %reduce_max3A_680 = vector.broadcast %reduce_max3A_679 : i32 to vector<16xi32>
    %reduce_max3A_681 = arith.xori %select_n3A_676, %reduce_max3A_680 : vector<16xi32>
    %reduce_max3A_682 = tpu.scan <max>, %reduce_max3A_681 masked %reduce_max3A_678 : vector<16xi32>, vector<16xi1> -> vector<16xi32>
    %reduce_max3A_683 = arith.xori %reduce_max3A_682, %reduce_max3A_680 : vector<16xi32>
    %reduce_max3A_684 = vector.extract %reduce_max3A_683[15] : i32 from vector<16xi32>
    %jit3A_685 = arith.constant 128 : i32
    %eq3A_686 = arith.constant 0 : i32
    %eq3A_687 = arith.cmpi eq, %jit3A_685, %eq3A_686 : i32
    %jit3A_688 = arith.constant 1 : i32
    %select_n3A_689 = arith.select %eq3A_687, %jit3A_688, %jit3A_685 : i32
    %rem3A_690 = arith.remsi %reduce_max3A_684, %select_n3A_689 : i32
    %ne3A_691 = arith.constant 0 : i32
    %ne3A_692 = arith.cmpi ne, %rem3A_690, %ne3A_691 : i32
    %lt3A_693 = arith.constant 0 : i32
    %lt3A_694 = arith.cmpi slt, %rem3A_690, %lt3A_693 : i32
    %lt3A_695 = arith.constant 0 : i32
    %lt3A_696 = arith.cmpi slt, %select_n3A_689, %lt3A_695 : i32
    %ne3A_697 = arith.xori %lt3A_694, %lt3A_696 : i1
    %and3A_698 = arith.andi %ne3A_697, %ne3A_692 : i1
    %add3A_699 = arith.addi %rem3A_690, %select_n3A_689 : i32
    %select_n3A_700 = arith.select %and3A_698, %add3A_699, %rem3A_690 : i32
    %broadcast_in_dim3A_701 = arith.constant 511 : i32
    %broadcast_in_dim3A_702 = vector.broadcast %broadcast_in_dim3A_701 : i32 to vector<16xi32>
    %lt3A_703 = arith.constant 999936 : i32
    %lt3A_704 = arith.cmpi slt, %reduce_max3A_684, %lt3A_703 : i32
    %convert_element_type3A_705 = arith.extui %lt3A_704 : i1 to i32
    %cond3A_706 = arith.constant 0 : i32
    %cond3A_707 = arith.cmpi ne, %convert_element_type3A_705, %cond3A_706 : i32
    scf.if %cond3A_707 {
      %broadcast_in_dim3A_713 = vector.broadcast %select_n3A_700 : i32 to vector<16xi32>
      %gather3A = arith.constant 7 : i32
      %gather3A_714 = arith.constant 0 : i32
      %gather3A_715 = arith.constant 0 : i32
      %gather3A_716 = tpu.memref_slice %arg6[%gather3A, %gather3A_714, %gather3A_715] : memref<8x64x128xf32, #tpu.memory_space<vmem>> -> memref<1x64x128xf32, #tpu.memory_space<vmem>>
      %gather3A_717 = tpu.memref_squeeze %gather3A_716 : memref<1x64x128xf32, #tpu.memory_space<vmem>> -> memref<64x128xf32, #tpu.memory_space<vmem>>
      %gather3A_718 = tpu.vector_load_idx %gather3A_717[%add3A_16, %broadcast_in_dim3A_713] : memref<64x128xf32, #tpu.memory_space<vmem>>[vector<16xi32>, vector<16xi32>], vector<16xf32>,
      tpu.vector_store_idx %arg8[%add3A_16, %broadcast_in_dim3A_702], %gather3A_718 : memref<64x512xf32, #tpu.memory_space<vmem>>[vector<16xi32>, vector<16xi32>], vector<16xf32>,
      %gather3A_719 = arith.constant 7 : i32
      %gather3A_720 = arith.constant 0 : i32
      %gather3A_721 = arith.constant 0 : i32
      %gather3A_722 = tpu.memref_slice %arg6[%gather3A_719, %gather3A_720, %gather3A_721] : memref<8x64x128xf32, #tpu.memory_space<vmem>> -> memref<1x64x128xf32, #tpu.memory_space<vmem>>
      %gather3A_723 = tpu.memref_squeeze %gather3A_722 : memref<1x64x128xf32, #tpu.memory_space<vmem>> -> memref<64x128xf32, #tpu.memory_space<vmem>>
      %gather3A_724 = tpu.vector_load_idx %gather3A_723[%add3A_20, %broadcast_in_dim3A_713] : memref<64x128xf32, #tpu.memory_space<vmem>>[vector<16xi32>, vector<16xi32>], vector<16xf32>,
      tpu.vector_store_idx %arg8[%add3A_20, %broadcast_in_dim3A_702], %gather3A_724 : memref<64x512xf32, #tpu.memory_space<vmem>>[vector<16xi32>, vector<16xi32>], vector<16xf32>,
      %gather3A_725 = arith.constant 7 : i32
      %gather3A_726 = arith.constant 0 : i32
      %gather3A_727 = arith.constant 0 : i32
      %gather3A_728 = tpu.memref_slice %arg6[%gather3A_725, %gather3A_726, %gather3A_727] : memref<8x64x128xf32, #tpu.memory_space<vmem>> -> memref<1x64x128xf32, #tpu.memory_space<vmem>>
      %gather3A_729 = tpu.memref_squeeze %gather3A_728 : memref<1x64x128xf32, #tpu.memory_space<vmem>> -> memref<64x128xf32, #tpu.memory_space<vmem>>
      %gather3A_730 = tpu.vector_load_idx %gather3A_729[%add3A_24, %broadcast_in_dim3A_713] : memref<64x128xf32, #tpu.memory_space<vmem>>[vector<16xi32>, vector<16xi32>], vector<16xf32>,
      tpu.vector_store_idx %arg8[%add3A_24, %broadcast_in_dim3A_702], %gather3A_730 : memref<64x512xf32, #tpu.memory_space<vmem>>[vector<16xi32>, vector<16xi32>], vector<16xf32>,
      %gather3A_731 = arith.constant 7 : i32
      %gather3A_732 = arith.constant 0 : i32
      %gather3A_733 = arith.constant 0 : i32
      %gather3A_734 = tpu.memref_slice %arg6[%gather3A_731, %gather3A_732, %gather3A_733] : memref<8x64x128xf32, #tpu.memory_space<vmem>> -> memref<1x64x128xf32, #tpu.memory_space<vmem>>
      %gather3A_735 = tpu.memref_squeeze %gather3A_734 : memref<1x64x128xf32, #tpu.memory_space<vmem>> -> memref<64x128xf32, #tpu.memory_space<vmem>>
      %gather3A_736 = tpu.vector_load_idx %gather3A_735[%add3A_28, %broadcast_in_dim3A_713] : memref<64x128xf32, #tpu.memory_space<vmem>>[vector<16xi32>, vector<16xi32>], vector<16xf32>,
      tpu.vector_store_idx %arg8[%add3A_28, %broadcast_in_dim3A_702], %gather3A_736 : memref<64x512xf32, #tpu.memory_space<vmem>>[vector<16xi32>, vector<16xi32>], vector<16xf32>,
    } else {
    }
    %ge3A_708 = arith.constant 999936 : i32
    %ge3A_709 = arith.cmpi sge, %reduce_max3A_684, %ge3A_708 : i32
    %convert_element_type3A_710 = arith.extui %ge3A_709 : i1 to i32
    %cond3A_711 = arith.constant 0 : i32
    %cond3A_712 = arith.cmpi ne, %convert_element_type3A_710, %cond3A_711 : i32
    scf.if %cond3A_712 {
      %sub3A_713 = arith.constant 999936 : i32
      %sub3A_714 = arith.subi %reduce_max3A_684, %sub3A_713 : i32
      %broadcast_in_dim3A_715 = vector.broadcast %sub3A_714 : i32 to vector<16xi32>
      %gather3A = tpu.vector_load_idx %arg7[%add3A_16, %broadcast_in_dim3A_715] : memref<64x64xf32, #tpu.memory_space<vmem>>[vector<16xi32>, vector<16xi32>], vector<16xf32>,
      tpu.vector_store_idx %arg8[%add3A_16, %broadcast_in_dim3A_702], %gather3A : memref<64x512xf32, #tpu.memory_space<vmem>>[vector<16xi32>, vector<16xi32>], vector<16xf32>,
      %gather3A_716 = tpu.vector_load_idx %arg7[%add3A_20, %broadcast_in_dim3A_715] : memref<64x64xf32, #tpu.memory_space<vmem>>[vector<16xi32>, vector<16xi32>], vector<16xf32>,
      tpu.vector_store_idx %arg8[%add3A_20, %broadcast_in_dim3A_702], %gather3A_716 : memref<64x512xf32, #tpu.memory_space<vmem>>[vector<16xi32>, vector<16xi32>], vector<16xf32>,
      %gather3A_717 = tpu.vector_load_idx %arg7[%add3A_24, %broadcast_in_dim3A_715] : memref<64x64xf32, #tpu.memory_space<vmem>>[vector<16xi32>, vector<16xi32>], vector<16xf32>,
      tpu.vector_store_idx %arg8[%add3A_24, %broadcast_in_dim3A_702], %gather3A_717 : memref<64x512xf32, #tpu.memory_space<vmem>>[vector<16xi32>, vector<16xi32>], vector<16xf32>,
      %gather3A_718 = tpu.vector_load_idx %arg7[%add3A_28, %broadcast_in_dim3A_715] : memref<64x64xf32, #tpu.memory_space<vmem>>[vector<16xi32>, vector<16xi32>], vector<16xf32>,
      tpu.vector_store_idx %arg8[%add3A_28, %broadcast_in_dim3A_702], %gather3A_718 : memref<64x512xf32, #tpu.memory_space<vmem>>[vector<16xi32>, vector<16xi32>], vector<16xf32>,
    } else {
    }
    "tpu.region"() ({
      %run_scoped3A = tpu.sem_alloc : memref<!tpu.dma_semaphore, #tpu.memory_space<semaphore_mem>>
      %dma_start3A_713 = arith.constant 0 : i32
      %dma_start3A_714 = tpu.memref_slice %arg4[%dma_start3A_713, %mul3A_2] : memref<64x16384xf32, #tpu.memory_space<hbm>> -> memref<64x512xf32, #tpu.memory_space<hbm>>
      %dma_start3A_715 = arith.constant 0 : i32
      %dma_start3A_716 = tpu.memref_slice %arg4[%dma_start3A_715, %mul3A_2] : memref<64x16384xf32, #tpu.memory_space<hbm>> -> memref<64x512xf32, #tpu.memory_space<hbm>>
      tpu.enqueue_dma source(%arg8 : memref<64x512xf32, #tpu.memory_space<vmem>>) target(%dma_start3A_716 : memref<64x512xf32, #tpu.memory_space<hbm>>) target_semaphore(%run_scoped3A : memref<!tpu.dma_semaphore, #tpu.memory_space<semaphore_mem>>)
      %dma_wait3A_717 = arith.constant 0 : i32
      %dma_wait3A_718 = tpu.memref_slice %arg4[%dma_wait3A_717, %mul3A_2] : memref<64x16384xf32, #tpu.memory_space<hbm>> -> memref<64x512xf32, #tpu.memory_space<hbm>>
      %dma_wait3A_719 = arith.constant 0 : i32
      %dma_wait3A_720 = tpu.memref_slice %arg4[%dma_wait3A_719, %mul3A_2] : memref<64x16384xf32, #tpu.memory_space<hbm>> -> memref<64x512xf32, #tpu.memory_space<hbm>>
      tpu.wait_dma2 semaphore(%run_scoped3A : memref<!tpu.dma_semaphore, #tpu.memory_space<semaphore_mem>>) src(%arg8 : memref<64x512xf32, #tpu.memory_space<vmem>>) dst(%dma_wait3A_720 : memref<64x512xf32, #tpu.memory_space<hbm>>)
      tpu.yield
    }) : () -> ()
    return
  }
}

module attributes {stable_mosaic.version = 14 : i64} {
  func.func @_t1_body(%arg0: i32, %arg1: i32, %arg2: memref<64x16xf32, #tpu.memory_space<vmem>>, %arg3: memref<1x64x2048xf32, #tpu.memory_space<vmem>>) attributes {dimension_semantics = [#tpu.dimension_semantics<arbitrary>, #tpu.dimension_semantics<arbitrary>], iteration_bounds = array<i64: 16, 8>, scalar_prefetch = 0 : i64, scratch_operands = 0 : i64, tpu.core_type = #tpu.core_type<tc>, window_params = [{pipeline_mode = #tpu.pipeline_mode<synchronous>, transform_indices = @transform_0, window_bounds = array<i64: 64, 16>}, {transform_indices = @transform_1, window_bounds = array<i64: 1, 64, 2048>}]} {
    %iota3A = tpu.iota {dimensions = array<i32: 0>} : vector<16x1xi32>
    %eq3A = vector.broadcast %arg0 : i32 to vector<16x1xi32>
    %eq3A_0 = arith.cmpi eq, %iota3A, %eq3A : vector<16x1xi32>
    %convert_element_type3A = arith.extui %eq3A_0 : vector<16x1xi1> to vector<16x1xi32>
    %convert_element_type3A_1 = arith.sitofp %convert_element_type3A : vector<16x1xi32> to vector<16x1xf32>
    %get3A = arith.constant 0 : index
    %get3A_2 = arith.constant 0 : index
    %get3A_3 = vector.load %arg2[%get3A, %get3A_2] : memref<64x16xf32, #tpu.memory_space<vmem>>, vector<64x16xf32>
    %dot_general3A = arith.constant dense<0.000000e+00> : vector<64x1xf32>
    %dot_general3A_4 = tpu.matmul %get3A_3, %convert_element_type3A_1, %dot_general3A {dimension_numbers = #tpu.dot_dimension_numbers<[1], [0], [0], [1], [0, 0, 1, 1], [], []>, precision = #tpu.contract_precision<fp32>, transpose_lhs_hint = false} : vector<64x16xf32>, vector<16x1xf32>, vector<64x1xf32> -> vector<64x1xf32>
    %broadcast_in_dim3A = vector.shape_cast %dot_general3A_4 : vector<64x1xf32> to vector<64x1xf32>
    %broadcast_in_dim3A_5 = vector.broadcast %broadcast_in_dim3A : vector<64x1xf32> to vector<64x2048xf32>
    %broadcast_in_dim3A_6 = vector.shape_cast %broadcast_in_dim3A_5 : vector<64x2048xf32> to vector<1x64x2048xf32>
    %swap3A = arith.constant 0 : index
    %swap3A_7 = arith.constant 0 : index
    %swap3A_8 = arith.constant 0 : index
    %swap3A_9 = vector.load %arg3[%swap3A, %swap3A_7, %swap3A_8] : memref<1x64x2048xf32, #tpu.memory_space<vmem>>, vector<1x64x2048xf32>
    tpu.vector_store %arg3[%swap3A, %swap3A_7, %swap3A_8], %broadcast_in_dim3A_6 {strides = array<i32>} : memref<1x64x2048xf32, #tpu.memory_space<vmem>>, vector<1x64x2048xf32>,
    return
  }
  func.func @transform_0(%arg0: i32, %arg1: i32) -> (i32, i32) {
    %c0_i32 = arith.constant 0 : i32
    %c0_i32_0 = arith.constant 0 : i32
    %c0_i32_1 = arith.constant 0 : i32
    return %c0_i32, %c0_i32_0 : i32, i32
  }
  func.func @transform_1(%arg0: i32, %arg1: i32) -> (i32, i32, i32) {
    %c0_i32 = arith.constant 0 : i32
    %c0_i32_0 = arith.constant 0 : i32
    return %arg0, %c0_i32, %arg1 : i32, i32, i32
  }
}

module attributes {stable_mosaic.version = 14 : i64} {
  func.func @_t2_body(%arg0: i32, %arg1: memref<17x64x16384xf32, #tpu.memory_space<hbm>>, %arg2: memref<64x2048xf32, #tpu.memory_space<vmem>>, %arg3: memref<1x64x2048xf32, #tpu.memory_space<vmem>>) attributes {dimension_semantics = [#tpu.dimension_semantics<arbitrary>], iteration_bounds = array<i64: 8>, scalar_prefetch = 0 : i64, scratch_operands = 0 : i64, tpu.core_type = #tpu.core_type<tc>, window_params = [{}, {transform_indices = @transform_1, window_bounds = array<i64: 64, 2048>}, {transform_indices = @transform_2, window_bounds = array<i64: 1, 64, 2048>}]} {
    %get3A = arith.constant 0 : index
    %get3A_0 = arith.constant 0 : index
    %get3A_1 = vector.load %arg2[%get3A, %get3A_0] : memref<64x2048xf32, #tpu.memory_space<vmem>>, vector<64x2048xf32>
    %broadcast_in_dim3A = vector.shape_cast %get3A_1 : vector<64x2048xf32> to vector<1x64x2048xf32>
    %swap3A = arith.constant 0 : index
    %swap3A_2 = arith.constant 0 : index
    %swap3A_3 = arith.constant 0 : index
    %swap3A_4 = vector.load %arg3[%swap3A, %swap3A_2, %swap3A_3] : memref<1x64x2048xf32, #tpu.memory_space<vmem>>, vector<1x64x2048xf32>
    tpu.vector_store %arg3[%swap3A, %swap3A_2, %swap3A_3], %broadcast_in_dim3A {strides = array<i32>} : memref<1x64x2048xf32, #tpu.memory_space<vmem>>, vector<1x64x2048xf32>,
    return
  }
  func.func @transform_1(%arg0: i32) -> (i32, i32) {
    %c0_i32 = arith.constant 0 : i32
    %c0_i32_0 = arith.constant 0 : i32
    return %c0_i32, %arg0 : i32, i32
  }
  func.func @transform_2(%arg0: i32) -> (i32, i32, i32) {
    %c16_i32 = arith.constant 16 : i32
    %c0_i32 = arith.constant 0 : i32
    %c0_i32_0 = arith.constant 0 : i32
    return %c16_i32, %c0_i32, %arg0 : i32, i32, i32
  }
}

</mosaic_0001>

<sc_bundles>
// kernel: kernel.5.cloned.1.call-start
scs
__scs_entry_jumppad:
0x0: {  	(pc) =	sbr.rel $0x88, $3  }
0x1: {  	(tag) =	ssettag $0x0;
	lr =	simm.s32 $0x1  }
0x2: {  	[smem:$0x3F9E] =	sst lr;
	_ =	strace $0xD0000000  }
0x3: {  	_ = 	snop  }
0x4: {  	_ = 	snop  }
0x5: {  	_ = 	snop  }
0x6: {  	_ = 	snop  }
0x7: {  	_ = 	snop  }
__scs_overlays_trampoline_lowered:
0x8: {  	[smem:$0x3FAD] =	sst s0  }
0x9: {  	[smem:$0x3FAE] =	sst s1  }
0xa: {  	[smem:$0x3FAF] =	sst s2  }
0xb: {  	[smem:$0x3FB0] =	sst s3  }
0xc: {  	[smem:$0x3FB1] =	sst s4  }
0xd: {  	[smem:$0x3FB2] =	sst s5  }
0xe: {  	[smem:$0x3FB3] =	sst s6  }
0xf: {  	[smem:$0x3FB4] =	sst s7  }
0x10: {  	[smem:$0x3FB5] =	sst s8  }
0x11: {  	[smem:$0x3FB6] =	sst s9;
	s0 =	simm.s32 @!p0 $0x0  }
0x12: {  	s1 =	sld [smem:$0x3F9C];
	s0 =	simm.s32 @p0 $0x1  }
0x13: {  	[smem:$0x3FB7] =	sst s0;
	s0 =	simm.s32 @!p1 $0x0  }
0x14: {  	s2 =	sld [smem:$0x3F9B];
	s0 =	simm.s32 @p1 $0x1  }
0x15: {  	[smem:$0x3FB8] =	sst s0;
	s0 =	simm.s32 @!p2 $0x0  }
0x16: {  	s3 =	sld [smem:$0x3FDB];
	s0 =	simm.s32 @p2 $0x1  }
0x17: {  	s4 =	simm.s32 $0x1BF5;
	[smem:$0x3FBA] =	sst s0  }
0x18: {  	s0 =	sld [smem:$0x3F9D];
	_ =	swait.ge [sflag:s4], $0x0  }
0x19: {  	s7 =	sld [smem:$0x3F9E]  }
0x1a: {  	s8 =	sadd.s32 $0xFFFFE003, lr  }
0x1b: {  	s9 =	sadd.s32 $0xFFFFFEF7, lr;
	s5 =	simm.s32 $0xFFFFFFFF;
	p2 =	slt.u32 s8, $0xFFFFF086  }
0x1c: {  	p1 =	slt.u32 s9, $0xF7A;
	s5 =	simm.s32 @!p2 $0x0  }
0x1d: {  	s5 =	simm.s32 @p1 $0x1;
	p0 =	seq.s32 s7, s2  }
0x1e: {  	s7 =	smul.u32 @!p0 $0xF7A, s2;
	p2 =	seq.s32 @!p0 s5, $0x0  }
0x1f: {  	s9 =	smul.u32 $0xF7A, s1;
	s8 =	simm.s32 @!p0 $0x1BF5;
	p2 =	por !p2, p0  }
0x20: {  	[sflag:s8] =	ssyncset.s32 @!p0 $0xFFFFF086;
	s6 =	sadd.s32 @!p0 s3, s7;
	s7 =	simm.s32 @!p0 $0x108  }
0x21: {  	s3 =	sadd.s32 s3, s9;
	s6 =	sadd.s32 @!p0 $0x88, s6;
	s7 =	simm.s32 @p2 $0x1082  }
0x22: {  	[simem:s7], [sflag:s8] =	dma.local @!p0 [hbm:s6], $0xF7A  }
0x23: {  	s9 =	sor.u32 $0xD0000000, s2;
	s6 =	simm.s32 $0x108;
	_ =	swait.ge @!p0 [sflag:s8], $0x0  }
0x24: {  	s3 =	sadd.s32 $0x88, s3;
	s6 =	simm.s32 @!p1 $0x1082;
	[sflag:s4] =	ssyncset.s32 $0xFFFFF086  }
0x25: {  	[simem:s6], [sflag:s4] =	dma.local [hbm:s3], $0xF7A  }
0x26: {  	[smem:$0x3F9E] =	sst s1;
	(tag) =	ssettag s2;
	_ =	strace s9  }
0x27: {  	s1 =	sld [smem:$0x3FAE]  }
0x28: {  	s2 =	sld [smem:$0x3FAF]  }
0x29: {  	s4 =	sld [smem:$0x3FB1]  }
0x2a: {  	p0 =	seq.s32 s5, $0x0;
	s5 =	sld [smem:$0x3FB2]  }
0x2b: {  	s6 =	sld [smem:$0x3FB3]  }
0x2c: {  	s7 =	sld [smem:$0x3FB4]  }
0x2d: {  	s3 =	simm.s32 $0x108;
	s8 =	sld [smem:$0x3FB5]  }
0x2e: {  	s3 =	simm.s32 @!p0 $0x1082;
	s9 =	sld [smem:$0x3FB6]  }
0x2f: {  	lr =	sadd.s32 s0, s3;
	s0 =	sld [smem:$0x3FAD]  }
0x30: {  	s3 =	sld [smem:$0x3FB0]  }
0x31: {  	[smem:$0x3FB9] =	sst s10  }
0x32: {  	s10 =	sld [smem:$0x3FB7];
	_ =	sdelay $0x3  }
0x33: {  	p0 =	seq.s32 s10, $0x1;
	s10 =	sld [smem:$0x3FB9];
	_ =	sdelay $0x3  }
0x34: {  	[smem:$0x3FB9] =	sst s10  }
0x35: {  	s10 =	sld [smem:$0x3FB8];
	_ =	sdelay $0x3  }
0x36: {  	p1 =	seq.s32 s10, $0x1;
	s10 =	sld [smem:$0x3FB9];
	_ =	sdelay $0x3  }
0x37: {  	[smem:$0x3FB9] =	sst s10  }
0x38: {  	s10 =	sld [smem:$0x3FBA]  }
0x39: {  	_ = 	snop;
	(pc) =	sbr.ind lr, $3  }
0x3a: {  	_ = 	snop  }
0x3b: {  	_ = 	snop  }
0x3c: {  	p2 =	seq.s32 s10, $0x1;
	s10 =	sld [smem:$0x3FB9]  }
0x3d: {  	_ =	shalt  }
0x3e: {  	_ =	shalt  }
0x3f: {  	_ =	shalt  }
0x40: {  	_ =	shalt  }
0x41: {  	_ =	shalt  }
0x42: {  	_ =	shalt  }
0x43: {  	_ =	shalt  }
0x44: {  	_ =	shalt  }
0x45: {  	_ =	shalt  }
0x46: {  	_ =	shalt  }
0x47: {  	_ =	shalt  }
0x48: {  	_ =	shalt  }
0x49: {  	_ =	shalt  }
0x4a: {  	_ =	shalt  }
0x4b: {  	_ =	shalt  }
0x4c: {  	_ =	shalt  }
0x4d: {  	_ =	shalt  }
0x4e: {  	_ =	shalt  }
0x4f: {  	_ =	shalt  }
0x50: {  	_ =	shalt  }
0x51: {  	_ =	shalt  }
0x52: {  	_ =	shalt  }
0x53: {  	_ =	shalt  }
0x54: {  	_ =	shalt  }
0x55: {  	_ =	shalt  }
0x56: {  	_ =	shalt  }
0x57: {  	_ =	shalt  }
0x58: {  	_ =	shalt  }
0x59: {  	_ =	shalt  }
0x5a: {  	_ =	shalt  }
0x5b: {  	_ =	shalt  }
0x5c: {  	_ =	shalt  }
0x5d: {  	_ =	shalt  }
0x5e: {  	_ =	shalt  }
0x5f: {  	_ =	shalt  }
0x60: {  	_ =	shalt  }
0x61: {  	_ =	shalt  }
0x62: {  	_ =	shalt  }
0x63: {  	_ =	shalt  }
0x64: {  	_ =	shalt  }
0x65: {  	_ =	shalt  }
0x66: {  	_ =	shalt  }
0x67: {  	_ =	shalt  }
0x68: {  	_ =	shalt  }
0x69: {  	_ =	shalt  }
0x6a: {  	_ =	shalt  }
0x6b: {  	_ =	shalt  }
0x6c: {  	_ =	shalt  }
0x6d: {  	_ =	shalt  }
0x6e: {  	_ =	shalt  }
0x6f: {  	_ =	shalt  }
0x70: {  	_ =	shalt  }
0x71: {  	_ =	shalt  }
0x72: {  	_ =	shalt  }
0x73: {  	_ =	shalt  }
0x74: {  	_ =	shalt  }
0x75: {  	_ =	shalt  }
0x76: {  	_ =	shalt  }
0x77: {  	_ =	shalt  }
0x78: {  	_ =	shalt  }
0x79: {  	_ =	shalt  }
0x7a: {  	_ =	shalt  }
0x7b: {  	_ =	shalt  }
0x7c: {  	_ =	shalt  }
0x7d: {  	_ =	shalt  }
0x7e: {  	_ =	shalt  }
0x7f: {  	_ =	shalt  }
0x80: {  	_ =	shalt  }
0x81: {  	_ =	shalt  }
0x82: {  	_ =	shalt  }
0x83: {  	_ =	shalt  }
0x84: {  	_ =	shalt  }
0x85: {  	_ =	shalt  }
0x86: {  	_ =	shalt  }
0x87: {  	_ =	shalt  }
.Lfunc_end0:
.L_simem_size_0:
called_computation_lowered:
.L_overlay_start_0:
0x88: {  	s2 =	sld [smem:$0x3FD9]  }
0x89: {  	s3 =	sld [smem:$0x3FFE];
	_ =	sdelay $0x1  }
0x8a: {  	s1 =	srdreg.scid  }
0x8b: {  	s0 =	sand.u32 $0x1, s1  }
0x8c: {  	s17 =	sshll.u32 s0, $0xA;
	s2 =	sadd.s32 s3, s2  }
0x8d: {  	s2 =	sadd.s32 s2, s17  }
0x8e: {  	[smem:$0x3FC5] =	sst s2  }
0x8f: {  	_ = 	snop  }
0x90: {  	s2 =	sld [smem:$0x3FC9]  }
0x91: {  	s18 =	sld [smem:$0x3FC7];
	(tm) =	ssettm $0x1  }
0x92: {  	s4 =	sld [smem:$0x3FFB];
	_ =	sdelay $0x3  }
0x93: {  	_ =	strace s4  }
0x94: {  	s4 =	sld [smem:$0x3FFC];
	_ =	sdelay $0x3  }
0x95: {  	_ =	strace s4  }
0x96: {  	s4 =	sld [smem:$0x3FFD];
	_ =	sdelay $0x3  }
0x97: {  	_ =	strace s4  }
0x98: {  	_ =	strace $0x8FFFFFFF  }
0x99: {  	s19 =	sld [smem:$0x3FDB];
	_ =	sdelay $0x1  }
0x9a: {  	s5 =	simm.s32 $_scs_section_size  }
0x9b: {  	s6 =	simm.s32 $_size__tile_overlayer_lowered;
	s7 =	simm.s32 $_tile_overlayer_lowered  }
0x9c: {  	s22 =	simm.s32 $0x1BFF;
	s21 =	sshll.u32 s7, $0x1;
	s4 =	sadd.s32 s5, s19  }
0x9d: {  	s8 =	simm.s32 $0x0;
	s20 =	sshll.u32 s6, $0x1;
	s6 =	sadd.s32 s21, s4  }
0x9e: {  	[timem:s8], [sflag:s22] =	dma.local [hbm:s6], s20  }
0x9f: {  	_ =	swait.ge [sflag:s22], s20  }
0xa0: {  	s5 =	ssub.s32 $0x0, s20;
	[sflag:s22] =	ssyncset.done $0x0  }
0xa1: {  	[sflag:s22] =	ssyncadd.s32 s5;
	_ =	sdelay $0x1  }
0xa2: {  	s23 =	simm.s32 $0x1B8B  }
0xa3: {  	_ =	swait.ge [sflag:s23], $0x1  }
0xa4: {  	[sflag:s23] =	ssyncset.done $0x0  }
0xa5: {  	s25 =	simm.s32 $0x1B8E;
	s24 =	sld [smem:$0x3FFE];
	[sflag:s23] =	ssyncadd.s32 $0xFFFFFFFF  }
0xa6: {  	s26 =	simm.s32 $execute0_lowered;
	[smem:$0x3FD2] =	sst s25  }
0xa7: {  	s6 =	sshll.u32 s26, $0x1;
	_ =	strace $0x80000046;
	[dreg:$0x1] =	wrdreg $0xFFFFFFFF  }
0xa8: {  	s28 =	simm.s32 $_size_execute0_lowered;
	s4 =	sadd.s32 s4, s6;
	[dreg:$0x0] =	wrdreg $0x0  }
0xa9: {  	s6 =	sshll.u32 s28, $0x1;
	[dreg:$0x2] =	wrdreg s4  }
0xaa: {  	[dreg:$0x3] =	wrdreg s6  }
0xab: {  	[dreg:$0x4] =	wrdreg $0xC0  }
0xac: {  	_ =	task [dreg:s8], $0x5FFFF  }
0xad: {  	[dreg:$0x1] =	wrdreg $0xFFFFFFFF  }
0xae: {  	[dreg:$0x0] =	wrdreg $0x60  }
0xaf: {  	[dreg:$0x2] =	wrdreg s2  }
0xb0: {  	[dreg:$0x3] =	wrdreg s18  }
0xb1: {  	[dreg:$0x4] =	wrdreg s24  }
0xb2: {  	[dreg:$0x5] =	wrdreg $0x9  }
0xb3: {  	_ =	task.clear_ibuf [dreg:s8], $0x6FFFF;
	_ =	strace $0x90000046  }
0xb4: {  	s29 =	simm.s32 $0x9;
	_ =	strace $0x80000048  }
0xb5: {  	_ =	swait.ge [sflag:s29], $0x1  }
0xb6: {  	[sflag:s29] =	ssyncadd.s32 $0xFFFFFFFF  }
0xb7: {  	_ =	strace $0x90000048  }
0xb8: {  	_ =	sfence  }
0xb9: {  	s30 =	sld [smem:$0x0];
	_ =	sdelay $0x2  }
0xba: {  	s31 =	sshll.u32 s1, $0xD;
	s1 =	sshrl.u32 s1, $0x2  }
0xbb: {  	s3 =	sand.u32 $0x4000, s31;
	s1 =	sadd.s32 s1, s30  }
0xbc: {  	s0 =	sor.u32 s3, s0;
	s1 =	sshll.u32 s1, $0x11  }
0xbd: {  	s0 =	sor.u32 s1, s0  }
0xbe: {  	s0 =	sadd.s32 $0x8F2B, s0  }
0xbf: {  	[sflag:s0] =	ssyncadd.remote.s32 $0x1  }
0xc0: {  	_ =	sfence.sel $0xFFFF  }
0xc1: {  	[dreg:$0x0] =	wrdreg $0xFFFFFFFF;
	(pc) =	sbr.abs _section_cstart, $3  }
0xc2: {  	[dreg:$0x1] =	wrdreg $0xFFFFFFFF  }
0xc3: {  	_ =	task.clear_ibuf [dreg:s8], $0x2FFFF;
	_ =	strace $0x9FFFFFFF  }
0xc4: {  	(tm) =	ssettm $0x7FFFFFFF  }
0xc5: {  	_ =	shalt  }
tec
execute0_lowered:
.L_overlay_start_1:
0x0: {  	(tag) =	ssettag $0x1  }
0x1: {  	v0 =	vimm.s32 $0x1380;
	vm7 =	vcmask $0x300;
	vm2 =	vcmask $0x704  }
0x2: {  	vm8 =	vcmask $0xB08;
	vm3 =	vcmask $0xF0C;
	vm10 =	vcmask $0x1310  }
0x3: {  	vm4 =	vcmask $0x1714;
	vm11 =	vcmask $0x1B18;
	vm5 =	vcmask $0x1F1C  }
0x4: {  	vm9 =	vcmask $0x2320;
	vm0 =	vmmov $0x1;
	vm6 =	vcmask $0x2724  }
0x5: {  	vm1 =	vcmask $0x308;
	v1 =	vimm.s32 $0x3380;
	v2 =	vimm.s32 $0x5380  }
0x6: {  	v3 =	vimm.s32 $0x7380;
	v4 =	vimm.s32 $0x1FFA;
	v5 =	vimm.s32 $0x3FFA  }
0x7: {  	v6 =	vimm.s32 $0x5FFA;
	v7 =	vimm.s32 $0x7FFA;
	v8 =	vimm.s32 $0x1FFB  }
0x8: {  	v9 =	vimm.s32 $0x3FFB;
	v10 =	vimm.s32 $0x5FFB;
	v11 =	vimm.s32 $0x7FFB  }
0x9: {  	v12 =	vimm.s32 $0x1FFC;
	v13 =	vimm.s32 $0x3FFC;
	v14 =	vimm.s32 $0x5FFC  }
0xa: {  	v15 =	vimm.s32 $0x7FFC;
	v16 =	vimm.s32 $0x1FFD;
	v17 =	vimm.s32 $0x3FFD  }
0xb: {  	v18 =	vimm.s32 $0x5FFD;
	v19 =	vimm.s32 $0x7FFD;
	v20 =	vimm.s32 $0x1FFE  }
0xc: {  	v21 =	vimm.s32 $0x3FFE;
	v22 =	vimm.s32 $0x5FFE;
	v23 =	vimm.s32 $0x7FFE  }
0xd: {  	v24 =	vimm.s32 $0x1FFF;
	v25 =	vimm.s32 $0x3FFF;
	v26 =	vimm.s32 $0x5FFF  }
0xe: {  	v27 =	vimm.s32 $0x7FFF;
	vm12 =	vcmask $0x3B38;
	v0 =	vsel vm7, $0x0, v0  }
0xf: {  	v1 =	vsel vm7, $0x2000, v1;
	v2 =	vsel vm7, $0x4000, v2;
	v3 =	vsel vm7, $0x6000, v3  }
0x10: {  	v4 =	vsel vm7, $0xC7A, v4;
	v5 =	vsel vm7, $0x2C7A, v5;
	v6 =	vsel vm7, $0x4C7A, v6  }
0x11: {  	v7 =	vsel vm7, $0x6C7A, v7;
	v8 =	vsel vm7, $0xC7B, v8;
	v9 =	vsel vm7, $0x2C7B, v9  }
0x12: {  	v10 =	vsel vm7, $0x4C7B, v10;
	v11 =	vsel vm7, $0x6C7B, v11;
	v12 =	vsel vm7, $0xC7C, v12  }
0x13: {  	v13 =	vsel vm7, $0x2C7C, v13;
	v14 =	vsel vm7, $0x4C7C, v14;
	v15 =	vsel vm7, $0x6C7C, v15  }
0x14: {  	v16 =	vsel vm7, $0xC7D, v16;
	v17 =	vsel vm7, $0x2C7D, v17;
	v18 =	vsel vm7, $0x4C7D, v18  }
0x15: {  	v19 =	vsel vm7, $0x6C7D, v19;
	v20 =	vsel vm7, $0xC7E, v20;
	v21 =	vsel vm7, $0x2C7E, v21  }
0x16: {  	v22 =	vsel vm7, $0x4C7E, v22;
	v23 =	vsel vm7, $0x6C7E, v23;
	v24 =	vsel vm7, $0xC7F, v24  }
0x17: {  	v25 =	vsel vm7, $0x2C7F, v25;
	v26 =	vsel vm7, $0x4C7F, v26;
	v27 =	vsel vm7, $0x6C7F, v27  }
0x18: {  	vm7 =	vcmask $0x2B28;
	v0 =	vsel vm2, $0x80, v0;
	v1 =	vsel vm2, $0x2080, v1  }
0x19: {  	v2 =	vsel vm2, $0x4080, v2;
	v3 =	vsel vm2, $0x6080, v3;
	v4 =	vsel vm2, $0xCFA, v4  }
0x1a: {  	v5 =	vsel vm2, $0x2CFA, v5;
	v6 =	vsel vm2, $0x4CFA, v6;
	v7 =	vsel vm2, $0x6CFA, v7  }
0x1b: {  	v8 =	vsel vm2, $0xCFB, v8;
	v9 =	vsel vm2, $0x2CFB, v9;
	v10 =	vsel vm2, $0x4CFB, v10  }
0x1c: {  	v11 =	vsel vm2, $0x6CFB, v11;
	v12 =	vsel vm2, $0xCFC, v12;
	v13 =	vsel vm2, $0x2CFC, v13  }
0x1d: {  	v14 =	vsel vm2, $0x4CFC, v14;
	v15 =	vsel vm2, $0x6CFC, v15;
	v16 =	vsel vm2, $0xCFD, v16  }
0x1e: {  	v17 =	vsel vm2, $0x2CFD, v17;
	v18 =	vsel vm2, $0x4CFD, v18;
	v19 =	vsel vm2, $0x6CFD, v19  }
0x1f: {  	v20 =	vsel vm2, $0xCFE, v20;
	v21 =	vsel vm2, $0x2CFE, v21;
	v22 =	vsel vm2, $0x4CFE, v22  }
0x20: {  	v23 =	vsel vm2, $0x6CFE, v23;
	v24 =	vsel vm2, $0xCFF, v24;
	v25 =	vsel vm2, $0x2CFF, v25  }
0x21: {  	v26 =	vsel vm2, $0x4CFF, v26;
	v27 =	vsel vm2, $0x6CFF, v27;
	vm2 =	vcmask $0x70C  }
0x22: {  	v0 =	vsel vm8, $0x100, v0;
	v1 =	vsel vm8, $0x2100, v1;
	v2 =	vsel vm8, $0x4100, v2  }
0x23: {  	v3 =	vsel vm8, $0x6100, v3;
	v4 =	vsel vm8, $0xD7A, v4;
	v5 =	vsel vm8, $0x2D7A, v5  }
0x24: {  	v6 =	vsel vm8, $0x4D7A, v6;
	v7 =	vsel vm8, $0x6D7A, v7;
	v8 =	vsel vm8, $0xD7B, v8  }
0x25: {  	v9 =	vsel vm8, $0x2D7B, v9;
	v10 =	vsel vm8, $0x4D7B, v10;
	v11 =	vsel vm8, $0x6D7B, v11  }
0x26: {  	v12 =	vsel vm8, $0xD7C, v12;
	v13 =	vsel vm8, $0x2D7C, v13;
	v14 =	vsel vm8, $0x4D7C, v14  }
0x27: {  	v15 =	vsel vm8, $0x6D7C, v15;
	v16 =	vsel vm8, $0xD7D, v16;
	v17 =	vsel vm8, $0x2D7D, v17  }
0x28: {  	v18 =	vsel vm8, $0x4D7D, v18;
	v19 =	vsel vm8, $0x6D7D, v19;
	v20 =	vsel vm8, $0xD7E, v20  }
0x29: {  	v21 =	vsel vm8, $0x2D7E, v21;
	v22 =	vsel vm8, $0x4D7E, v22;
	v23 =	vsel vm8, $0x6D7E, v23  }
0x2a: {  	v24 =	vsel vm8, $0xD7F, v24;
	v25 =	vsel vm8, $0x2D7F, v25;
	v26 =	vsel vm8, $0x4D7F, v26  }
0x2b: {  	v27 =	vsel vm8, $0x6D7F, v27;
	vm8 =	vcmask $0x2F2C;
	v0 =	vsel vm3, $0x180, v0  }
0x2c: {  	v1 =	vsel vm3, $0x2180, v1;
	v2 =	vsel vm3, $0x4180, v2;
	v3 =	vsel vm3, $0x6180, v3  }
0x2d: {  	v4 =	vsel vm3, $0xDFA, v4;
	v5 =	vsel vm3, $0x2DFA, v5;
	v6 =	vsel vm3, $0x4DFA, v6  }
0x2e: {  	v7 =	vsel vm3, $0x6DFA, v7;
	v8 =	vsel vm3, $0xDFB, v8;
	v9 =	vsel vm3, $0x2DFB, v9  }
0x2f: {  	v10 =	vsel vm3, $0x4DFB, v10;
	v11 =	vsel vm3, $0x6DFB, v11;
	v12 =	vsel vm3, $0xDFC, v12  }
0x30: {  	v13 =	vsel vm3, $0x2DFC, v13;
	v14 =	vsel vm3, $0x4DFC, v14;
	v15 =	vsel vm3, $0x6DFC, v15  }
0x31: {  	v16 =	vsel vm3, $0xDFD, v16;
	v17 =	vsel vm3, $0x2DFD, v17;
	v18 =	vsel vm3, $0x4DFD, v18  }
0x32: {  	v19 =	vsel vm3, $0x6DFD, v19;
	v20 =	vsel vm3, $0xDFE, v20;
	v21 =	vsel vm3, $0x2DFE, v21  }
0x33: {  	v22 =	vsel vm3, $0x4DFE, v22;
	v23 =	vsel vm3, $0x6DFE, v23;
	v24 =	vsel vm3, $0xDFF, v24  }
0x34: {  	v25 =	vsel vm3, $0x2DFF, v25;
	v26 =	vsel vm3, $0x4DFF, v26;
	v27 =	vsel vm3, $0x6DFF, v27  }
0x35: {  	vm3 =	vcmask $0xB10;
	v0 =	vsel vm10, $0x200, v0;
	v1 =	vsel vm10, $0x2200, v1  }
0x36: {  	v2 =	vsel vm10, $0x4200, v2;
	v3 =	vsel vm10, $0x6200, v3;
	v4 =	vsel vm10, $0xE7A, v4  }
0x37: {  	v5 =	vsel vm10, $0x2E7A, v5;
	v6 =	vsel vm10, $0x4E7A, v6;
	v7 =	vsel vm10, $0x6E7A, v7  }
0x38: {  	v8 =	vsel vm10, $0xE7B, v8;
	v9 =	vsel vm10, $0x2E7B, v9;
	v10 =	vsel vm10, $0x4E7B, v10  }
0x39: {  	v11 =	vsel vm10, $0x6E7B, v11;
	v12 =	vsel vm10, $0xE7C, v12;
	v13 =	vsel vm10, $0x2E7C, v13  }
0x3a: {  	v14 =	vsel vm10, $0x4E7C, v14;
	v15 =	vsel vm10, $0x6E7C, v15;
	v16 =	vsel vm10, $0xE7D, v16  }
0x3b: {  	v17 =	vsel vm10, $0x2E7D, v17;
	v18 =	vsel vm10, $0x4E7D, v18;
	v19 =	vsel vm10, $0x6E7D, v19  }
0x3c: {  	v20 =	vsel vm10, $0xE7E, v20;
	v21 =	vsel vm10, $0x2E7E, v21;
	v22 =	vsel vm10, $0x4E7E, v22  }
0x3d: {  	v23 =	vsel vm10, $0x6E7E, v23;
	v24 =	vsel vm10, $0xE7F, v24;
	v25 =	vsel vm10, $0x2E7F, v25  }
0x3e: {  	v26 =	vsel vm10, $0x4E7F, v26;
	v27 =	vsel vm10, $0x6E7F, v27;
	vm10 =	vcmask $0x3330  }
0x3f: {  	v0 =	vsel vm4, $0x280, v0;
	v1 =	vsel vm4, $0x2280, v1;
	v2 =	vsel vm4, $0x4280, v2  }
0x40: {  	v3 =	vsel vm4, $0x6280, v3;
	v4 =	vsel vm4, $0xEFA, v4;
	v5 =	vsel vm4, $0x2EFA, v5  }
0x41: {  	v6 =	vsel vm4, $0x4EFA, v6;
	v7 =	vsel vm4, $0x6EFA, v7;
	v8 =	vsel vm4, $0xEFB, v8  }
0x42: {  	v9 =	vsel vm4, $0x2EFB, v9;
	v10 =	vsel vm4, $0x4EFB, v10;
	v11 =	vsel vm4, $0x6EFB, v11  }
0x43: {  	v12 =	vsel vm4, $0xEFC, v12;
	v13 =	vsel vm4, $0x2EFC, v13;
	v14 =	vsel vm4, $0x4EFC, v14  }
0x44: {  	v15 =	vsel vm4, $0x6EFC, v15;
	v16 =	vsel vm4, $0xEFD, v16;
	v0 =	vsel vm11, $0x300, v0  }
0x45: {  	v17 =	vsel vm4, $0x2EFD, v17;
	v18 =	vsel vm4, $0x4EFD, v18;
	v0 =	vsel vm5, $0x380, v0  }
0x46: {  	v19 =	vsel vm4, $0x6EFD, v19;
	v20 =	vsel vm4, $0xEFE, v20;
	v0 =	vsel vm9, $0x1000, v0  }
0x47: {  	v21 =	vsel vm4, $0x2EFE, v21;
	v22 =	vsel vm4, $0x4EFE, v22;
	v0 =	vsel vm6, $0x1080, v0  }
0x48: {  	v23 =	vsel vm4, $0x6EFE, v23;
	v24 =	vsel vm4, $0xEFF, v24;
	v0 =	vsel vm7, $0x1100, v0  }
0x49: {  	v25 =	vsel vm4, $0x2EFF, v25;
	v26 =	vsel vm4, $0x4EFF, v26;
	v0 =	vsel vm8, $0x1180, v0  }
0x4a: {  	v27 =	vsel vm4, $0x6EFF, v27;
	vm4 =	vcmask $0xF14;
	v28 =	vsel vm10, $0x1200, v0  }
0x4b: {  	v0 =	vsel vm11, $0x2300, v1;
	v1 =	vsel vm11, $0x4300, v2;
	v2 =	vsel vm11, $0x6300, v3  }
0x4c: {  	v3 =	vsel vm11, $0xF7A, v4;
	v4 =	vsel vm11, $0x2F7A, v5;
	v5 =	vsel vm11, $0x4F7A, v6  }
0x4d: {  	v6 =	vsel vm11, $0x6F7A, v7;
	v7 =	vsel vm11, $0xF7B, v8;
	v8 =	vsel vm11, $0x2F7B, v9  }
0x4e: {  	v9 =	vsel vm11, $0x4F7B, v10;
	v10 =	vsel vm11, $0x6F7B, v11;
	v11 =	vsel vm11, $0xF7C, v12  }
0x4f: {  	v12 =	vsel vm11, $0x2F7C, v13;
	v13 =	vsel vm11, $0x4F7C, v14;
	v14 =	vsel vm11, $0x6F7C, v15  }
0x50: {  	v15 =	vsel vm11, $0xF7D, v16;
	v16 =	vsel vm11, $0x2F7D, v17;
	v17 =	vsel vm11, $0x4F7D, v18  }
0x51: {  	v18 =	vsel vm11, $0x6F7D, v19;
	v19 =	vsel vm11, $0xF7E, v20;
	v20 =	vsel vm11, $0x2F7E, v21  }
0x52: {  	v21 =	vsel vm11, $0x4F7E, v22;
	v22 =	vsel vm11, $0x6F7E, v23;
	v23 =	vsel vm11, $0xF7F, v24  }
0x53: {  	v24 =	vsel vm11, $0x2F7F, v25;
	v25 =	vsel vm11, $0x4F7F, v26;
	v26 =	vsel vm11, $0x6F7F, v27  }
0x54: {  	vm11 =	vcmask $0x3734;
	v27 =	vsel vm5, $0x2380, v0;
	v1 =	vsel vm5, $0x4380, v1  }
0x55: {  	v2 =	vsel vm5, $0x6380, v2;
	v3 =	vsel vm5, $0xFFA, v3;
	v4 =	vsel vm5, $0x2FFA, v4  }
0x56: {  	v5 =	vsel vm5, $0x4FFA, v5;
	v6 =	vsel vm5, $0x6FFA, v6;
	v7 =	vsel vm5, $0xFFB, v7  }
0x57: {  	v8 =	vsel vm5, $0x2FFB, v8;
	v9 =	vsel vm5, $0x4FFB, v9;
	v10 =	vsel vm5, $0x6FFB, v10  }
0x58: {  	v11 =	vsel vm5, $0xFFC, v11;
	v12 =	vsel vm5, $0x2FFC, v12;
	v13 =	vsel vm5, $0x4FFC, v13  }
0x59: {  	v14 =	vsel vm5, $0x6FFC, v14;
	v15 =	vsel vm5, $0xFFD, v15;
	v16 =	vsel vm5, $0x2FFD, v16  }
0x5a: {  	v17 =	vsel vm5, $0x4FFD, v17;
	v18 =	vsel vm5, $0x6FFD, v18;
	v19 =	vsel vm5, $0xFFE, v19  }
0x5b: {  	v20 =	vsel vm5, $0x2FFE, v20;
	v21 =	vsel vm5, $0x4FFE, v21;
	v22 =	vsel vm5, $0x6FFE, v22  }
0x5c: {  	v23 =	vsel vm5, $0xFFF, v23;
	v24 =	vsel vm5, $0x2FFF, v24;
	v25 =	vsel vm5, $0x4FFF, v25  }
0x5d: {  	v26 =	vsel vm5, $0x6FFF, v26;
	vm5 =	vcmask $0x1318;
	v0 =	vlaneseq.u32  }
0x5e: {  	v28 =	vsel vm11, $0x1280, v28;
	v27 =	vsel vm9, $0x3000, v27;
	v29 =	vsel vm9, $0x5000, v1  }
0x5f: {  	v30 =	vsel vm9, $0x7000, v2;
	v31 =	vsel vm9, $0x1C7A, v3;
	v32 =	vsel vm9, $0x3C7A, v4  }
0x60: {  	v33 =	vsel vm9, $0x5C7A, v5;
	v34 =	vsel vm9, $0x7C7A, v6;
	v35 =	vsel vm9, $0x1C7B, v7  }
0x61: {  	v36 =	vsel vm9, $0x3C7B, v8;
	v9 =	vsel vm9, $0x5C7B, v9;
	v10 =	vsel vm9, $0x7C7B, v10  }
0x62: {  	v11 =	vsel vm9, $0x1C7C, v11;
	v12 =	vsel vm9, $0x3C7C, v12;
	v13 =	vsel vm9, $0x5C7C, v13  }
0x63: {  	v14 =	vsel vm9, $0x7C7C, v14;
	v15 =	vsel vm9, $0x1C7D, v15;
	v16 =	vsel vm9, $0x3C7D, v16  }
0x64: {  	v17 =	vsel vm9, $0x5C7D, v17;
	v18 =	vsel vm9, $0x7C7D, v18;
	v19 =	vsel vm9, $0x1C7E, v19  }
0x65: {  	v20 =	vsel vm9, $0x3C7E, v20;
	v21 =	vsel vm9, $0x5C7E, v21;
	v22 =	vsel vm9, $0x7C7E, v22  }
0x66: {  	v23 =	vsel vm9, $0x1C7F, v23;
	v24 =	vsel vm9, $0x3C7F, v24;
	v25 =	vsel vm9, $0x5C7F, v25  }
0x67: {  	v26 =	vsel vm9, $0x7C7F, v26;
	v1 =	vmul.u32 $0x80, v0;
	v2 =	vsel vm12, $0x1300, v28  }
0x68: {  	vm9 =	vcmask $0x3338;
	v3 =	vsel vm6, $0x3080, v27;
	v5 =	vsel vm6, $0x5080, v29  }
0x69: {  	v6 =	vsel vm6, $0x7080, v30;
	v27 =	vsel vm6, $0x1CFA, v31;
	v28 =	vsel vm6, $0x3CFA, v32  }
0x6a: {  	v29 =	vsel vm6, $0x5CFA, v33;
	v30 =	vsel vm6, $0x7CFA, v34;
	v31 =	vsel vm6, $0x1CFB, v35  }
0x6b: {  	v41 =	vsel vm6, $0x3CFB, v36;
	v42 =	vsel vm6, $0x5CFB, v9;
	v43 =	vsel vm6, $0x7CFB, v10  }
0x6c: {  	v44 =	vsel vm6, $0x1CFC, v11;
	v45 =	vsel vm6, $0x3CFC, v12;
	v13 =	vsel vm6, $0x5CFC, v13  }
0x6d: {  	v14 =	vsel vm6, $0x7CFC, v14;
	v15 =	vsel vm6, $0x1CFD, v15;
	v16 =	vsel vm6, $0x3CFD, v16  }
0x6e: {  	v17 =	vsel vm6, $0x5CFD, v17;
	v18 =	vsel vm6, $0x7CFD, v18;
	v19 =	vsel vm6, $0x1CFE, v19  }
0x6f: {  	v20 =	vsel vm6, $0x3CFE, v20;
	v21 =	vsel vm6, $0x5CFE, v21;
	v22 =	vsel vm6, $0x7CFE, v22  }
0x70: {  	v23 =	vsel vm6, $0x1CFF, v23;
	v24 =	vsel vm6, $0x3CFF, v24;
	v25 =	vsel vm6, $0x5CFF, v25  }
0x71: {  	v26 =	vsel vm6, $0x7CFF, v26;
	vm6 =	vcmask $0x272C;
	v4 =	vsel vm7, $0x3100, v3  }
0x72: {  	v3 =	vor.u32 $0x800, v1;
	v5 =	vsel vm7, $0x5100, v5;
	v6 =	vsel vm7, $0x7100, v6  }
0x73: {  	v27 =	vsel vm7, $0x1D7A, v27;
	v28 =	vsel vm7, $0x3D7A, v28;
	v11 =	vsel vm7, $0x5D7A, v29  }
0x74: {  	v12 =	vsel vm7, $0x7D7A, v30;
	v29 =	vsel vm7, $0x5D7B, v42;
	v30 =	vsel vm7, $0x7D7B, v43  }
0x75: {  	v46 =	vsel vm7, $0x3D7C, v45;
	v47 =	vsel vm7, $0x5D7C, v13;
	v48 =	vsel vm7, $0x7D7C, v14  }
0x76: {  	v49 =	vsel vm7, $0x1D7D, v15;
	v50 =	vsel vm7, $0x3D7D, v16;
	v17 =	vsel vm7, $0x5D7D, v17  }
0x77: {  	v18 =	vsel vm7, $0x7D7D, v18;
	v19 =	vsel vm7, $0x1D7E, v19;
	v20 =	vsel vm7, $0x3D7E, v20  }
0x78: {  	v21 =	vsel vm7, $0x5D7E, v21;
	v22 =	vsel vm7, $0x7D7E, v22;
	v23 =	vsel vm7, $0x1D7F, v23  }
0x79: {  	v24 =	vsel vm7, $0x3D7F, v24;
	v25 =	vsel vm7, $0x5D7F, v25;
	v26 =	vsel vm7, $0x7D7F, v26  }
0x7a: {  	v4 =	vsel vm8, $0x3180, v4;
	v5 =	vsel vm8, $0x5180, v5;
	v8 =	vsel vm8, $0x7180, v6  }
0x7b: {  	v27 =	vsel vm8, $0x1DFA, v27;
	v10 =	vsel vm8, $0x3DFA, v28;
	v11 =	vsel vm8, $0x5DFA, v11  }
0x7c: {  	v12 =	vsel vm8, $0x7DFA, v12;
	v28 =	vsel vm7, $0x3D7B, v41;
	v15 =	vsel vm8, $0x5DFB, v29  }
0x7d: {  	v16 =	vsel vm8, $0x7DFB, v30;
	v29 =	vsel vm8, $0x5DFC, v47;
	v30 =	vsel vm8, $0x7DFC, v48  }
0x7e: {  	v51 =	vsel vm8, $0x3DFD, v50;
	v52 =	vsel vm8, $0x5DFD, v17;
	v53 =	vsel vm8, $0x7DFD, v18  }
0x7f: {  	v54 =	vsel vm8, $0x1DFE, v19;
	v55 =	vsel vm8, $0x3DFE, v20;
	v21 =	vsel vm8, $0x5DFE, v21  }
0x80: {  	v22 =	vsel vm8, $0x7DFE, v22;
	v23 =	vsel vm8, $0x1DFF, v23;
	v24 =	vsel vm8, $0x3DFF, v24  }
0x81: {  	v25 =	vsel vm8, $0x5DFF, v25;
	v26 =	vsel vm8, $0x7DFF, v26;
	v4 =	vsel vm10, $0x3200, v4  }
0x82: {  	v5 =	vsel vm10, $0x5200, v5;
	v8 =	vsel vm10, $0x7200, v8;
	v9 =	vsel vm10, $0x1E7A, v27  }
0x83: {  	v10 =	vsel vm10, $0x3E7A, v10;
	v11 =	vsel vm10, $0x5E7A, v11;
	v27 =	vsel vm7, $0x1D7B, v31  }
0x84: {  	v12 =	vsel vm10, $0x7E7A, v12;
	v28 =	vsel vm8, $0x3DFB, v28;
	v31 =	vsel vm7, $0x1D7C, v44  }
0x85: {  	vm7 =	vcmask $0x2B30;
	v15 =	vsel vm10, $0x5E7B, v15;
	v16 =	vsel vm10, $0x7E7B, v16  }
0x86: {  	v19 =	vsel vm10, $0x5E7C, v29;
	v20 =	vsel vm10, $0x7E7C, v30;
	v29 =	vsel vm10, $0x5E7D, v52  }
0x87: {  	v30 =	vsel vm10, $0x7E7D, v53;
	v56 =	vsel vm10, $0x3E7E, v55;
	v57 =	vsel vm10, $0x5E7E, v21  }
0x88: {  	v58 =	vsel vm10, $0x7E7E, v22;
	v59 =	vsel vm10, $0x1E7F, v23;
	v60 =	vsel vm10, $0x3E7F, v24  }
0x89: {  	v25 =	vsel vm10, $0x5E7F, v25;
	v26 =	vsel vm10, $0x7E7F, v26;
	v4 =	vsel vm11, $0x3280, v4  }
0x8a: {  	v7 =	vsel vm11, $0x5280, v5;
	v5 =	vor.u32 $0x1000, v1;
	v8 =	vsel vm11, $0x7280, v8  }
0x8b: {  	v9 =	vsel vm11, $0x1EFA, v9;
	v10 =	vsel vm11, $0x3EFA, v10;
	v11 =	vsel vm11, $0x5EFA, v11  }
0x8c: {  	v27 =	vsel vm8, $0x1DFB, v27;
	v12 =	vsel vm11, $0x7EFA, v12;
	v14 =	vsel vm10, $0x3E7B, v28  }
0x8d: {  	v15 =	vsel vm11, $0x5EFB, v15;
	v16 =	vsel vm11, $0x7EFB, v16;
	v28 =	vsel vm8, $0x3DFC, v46  }
0x8e: {  	v19 =	vsel vm11, $0x5EFC, v19;
	v20 =	vsel vm11, $0x7EFC, v20;
	v23 =	vsel vm11, $0x5EFD, v29  }
0x8f: {  	v24 =	vsel vm11, $0x7EFD, v30;
	v29 =	vsel vm11, $0x5EFE, v57;
	v30 =	vsel vm11, $0x7EFE, v58  }
0x90: {  	v61 =	vsel vm11, $0x3EFF, v60;
	v62 =	vsel vm11, $0x5EFF, v25;
	v63 =	vsel vm11, $0x7EFF, v26  }
0x91: {  	v4 =	vsel vm12, $0x3300, v4;
	v6 =	vsel vm12, $0x5300, v7;
	v7 =	vor.u32 $0x1800, v1  }
0x92: {  	s4 =	rddreg [dreg:$0x0];
	v8 =	vsel vm12, $0x7300, v8;
	v9 =	vsel vm12, $0x1F7A, v9;
	v10 =	vsel vm12, $0x3F7A, v10  }
0x93: {  	s0 =	rddreg [dreg:$0x1];
	v11 =	vsel vm12, $0x5F7A, v11;
	v27 =	vsel vm10, $0x1E7B, v27;
	v12 =	vsel vm12, $0x7F7A, v12  }
0x94: {  	s5 =	rddreg [dreg:$0x2];
	v14 =	vsel vm11, $0x3EFB, v14;
	v15 =	vsel vm12, $0x5F7B, v15;
	v16 =	vsel vm12, $0x7F7B, v16  }
0x95: {  	s3 =	srdreg.scid;
	s1 =	stileid.u32;
	s10 =	simm.s32 $0x7A1400;
	v18 =	vsel vm10, $0x3E7C, v28;
	v19 =	vsel vm12, $0x5F7C, v19;
	v20 =	vsel vm12, $0x7F7C, v20  }
0x96: {  	s11 =	simm.s32 $0x10200;
	s12 =	simm.s32 $0x2;
	s13 =	simm.s32 $0x1;
	v28 =	vsel vm10, $0x3E7D, v51;
	v23 =	vsel vm12, $0x5F7D, v23;
	v24 =	vsel vm12, $0x7F7D, v24  }
0x97: {  	s14 =	simm.s32 $0x200;
	s15 =	simm.s32 $0x2200;
	s16 =	simm.s32 $0x4200;
	v32 =	vsel vm12, $0x7F7F, v63;
	v27 =	vsel vm11, $0x1EFB, v27;
	v14 =	vsel vm12, $0x3F7B, v14  }
0x98: {  	s17 =	simm.s32 $0x6200;
	s18 =	simm.s32 $0x8200;
	s19 =	simm.s32 $0xA200;
	v18 =	vsel vm11, $0x3EFC, v18;
	v22 =	vsel vm11, $0x3EFD, v28;
	v28 =	vsel vm11, $0x3EFE, v56  }
0x99: {  	s20 =	simm.s32 $0x12200;
	s21 =	simm.s32 $0xC200;
	s22 =	simm.s32 $0xE200;
	v13 =	vsel vm12, $0x1F7B, v27;
	v27 =	vsel vm8, $0x1DFC, v31;
	v31 =	vsel vm8, $0x1DFD, v49  }
0x9a: {  	s23 =	simm.s32 $0x1000;
	s24 =	simm.s32 $0x20000;
	s25 =	simm.s32 $0x0;
	vm8 =	vcmask $0x2F34;
	v18 =	vsel vm12, $0x3F7C, v18;
	v22 =	vsel vm12, $0x3F7D, v22  }
0x9b: {  	s6 =	sand.u32 $0x1, s3;
	s3 =	simm.s32 $0x0;
	s7 =	sshll.u32 s1, $0xA;
	v26 =	vsel vm12, $0x3F7E, v28;
	v28 =	vsel vm12, $0x7F7E, v30;
	v27 =	vsel vm10, $0x1E7C, v27  }
0x9c: {  	s8 =	sshll.u32 s6, $0x9;
	[smem:$0x7FF] =	sst s3;
	s6 =	ssub.s32 $0x2, s6;
	v30 =	vsel vm12, $0x3F7F, v61;
	v17 =	vsel vm11, $0x1EFC, v27;
	v27 =	vsel vm10, $0x1E7D, v31  }
0x9d: {  	s7 =	sor.u32 s8, s7;
	_ =	strace $0x80000047;
	s31 =	sshrl.u32 s6, $0x1;
	v31 =	vsel vm10, $0x1E7E, v54;
	vm10 =	vcmask $0x373C;
	v27 =	vsel vm11, $0x1EFD, v27  }
0x9e: {  	s9 =	sshrl.u32 s7, $0x3;
	s7 =	sadd.s32 s7, s5;
	s8 =	ssub.s32 s6, s31;
	v17 =	vsel vm12, $0x1F7C, v17;
	v21 =	vsel vm12, $0x1F7D, v27;
	v27 =	vsel vm11, $0x1EFE, v31  }
0x9f: {  	s5 =	sadd.s32 $0xF4200, s0;
	s4 =	sadd.s32 s4, s9;
	s6 =	sadd.s32 $0x800, s7;
	v31 =	vsel vm11, $0x1EFF, v59;
	vm11 =	vmmov $0x7fff;
	v25 =	vsel vm12, $0x1F7E, v27  }
0xa0: {  	s7 =	smax.u32 s8, $0x1;
	s8 =	simm.s32 $0x3;
	s9 =	simm.s32 $0x400;
	v27 =	vsel vm12, $0x5F7E, v29;
	v29 =	vsel vm12, $0x1F7F, v31;
	v31 =	vsel vm12, $0x5F7F, v62  }
.LBB2_1:
0xa1: {  	[tilespmem:s3], [sflag:$0x3] =	stream.linear.gather [hbm4b:s4+s3], $0x200, $0x38;
	[tilespmem:$0x1A200] =	vst v63  }
0xa2: {  	_ =	swait.ge [sflag:s8], $0x200  }
0xa3: {  	[sflag:s8] =	ssyncset.done $0x0  }
0xa4: {  	[sflag:s8] =	ssyncadd.s32 $0xFFFFFE00  }
0xa5: {  	[tilespmem:s11], [sflag:$0x2] =	stream.strided.gather [hbm4b:s5+s9], $0x2000, s10, s9, $0x38;
	[tilespmem:$0x1A200] =	vst v63  }
0xa6: {  	_ =	swait.ge [sflag:s12], $0x2000  }
0xa7: {  	[sflag:s12] =	ssyncset.done $0x0  }
0xa8: {  	[sflag:s12] =	ssyncadd.s32 $0xFFFFE000  }
0xa9: {  	v33 =	vld [tilespmem:$0x0];
	_ =	sdelay $0x4  }
0xaa: {  	v33 =	vnsel vm0, $0xFFFFFFFF, v33  }
0xab: {  	v33 =	vxor.u32 $0x80000000, v33  }
0xac: {  	(xrf0) =	vmax.scan.msk.u32 $0xffff, v33;
	_ =	sdelay $0x5  }
0xad: {  	v33, _, _ =	vpop (xrf0)  }
0xae: {  	(v2sf) =	vpush v33, $0xF;
	_ =	sdelay $0xe  }
0xaf: {  	s26 =	spop (v2sf)  }
0xb0: {  	s28 =	sxor.u32 $0x80000000, s26  }
0xb1: {  	p0 =	slt.s32 s28, $0xF41FF  }
0xb2: {  	p1 =	slt.s32 s28, $0x1;
	s28 =	simm.s32 @!p0 $0xF41FF  }
0xb3: {  	p5 =	sgt.s32 s26, $0xFFFFFFFF;
	s31 =	sand.u32 $0x7F, s28  }
0xb4: {  	p0 =	por p5, p1;
	s29 =	sshra.s32 s28, $0x1F;
	p6 =	sne.s32 s31, $0x0  }
0xb5: {  	s1 =	sshrl.u32 s29, $0x19;
	p0 =	por !p0, !p6  }
0xb6: {  	s26 =	sadd.s32 s1, s28;
	s28 =	simm.s32 $0x1;
	p0 =	por !p0, !p0  }
0xb7: {  	s26 =	sshrl.u32 s26, $0x7;
	s28 =	simm.s32 @!p0 $0x0  }
0xb8: {  	s26 =	ssub.s32 s26, s28  }
0xb9: {  	s26 =	sshll.u32 s26, $0x7  }
0xba: {  	s26 =	sand.u32 $0x1FFFFF80, s26  }
0xbb: {  	s26 =	sadd.s32 s0, s26  }
0xbc: {  	[tilespmem:s14], [sflag:$0x1] =	stream.strided.gather [hbm4b:s26+s9], $0x2000, s10, s9, $0x38;
	[tilespmem:$0x1A200] =	vst v63  }
0xbd: {  	v59 =	vld [tilespmem:$0x0];
	_ =	sdelay $0x4  }
0xbe: {  	v33 =	vsel vm1, $0xFFFFFFFF, v59  }
0xbf: {  	v33 =	vxor.u32 $0x80000000, v33  }
0xc0: {  	(xrf0) =	vmax.scan.msk.u32 $0xffff, v33;
	_ =	sdelay $0x5  }
0xc1: {  	v33, _, _ =	vpop (xrf0)  }
0xc2: {  	(v2sf) =	vpush v33, $0xF;
	_ =	sdelay $0xe  }
0xc3: {  	s2 =	spop (v2sf)  }
0xc4: {  	s28 =	sxor.u32 $0x80000000, s2  }
0xc5: {  	p0 =	slt.s32 s28, $0xF41FF  }
0xc6: {  	p2 =	slt.s32 s28, $0x1;
	s28 =	simm.s32 @!p0 $0xF41FF  }
0xc7: {  	p3 =	sgt.s32 s2, $0xFFFFFFFF;
	s30 =	sand.u32 $0x7F, s28  }
0xc8: {  	p0 =	por p3, p2;
	s29 =	sshra.s32 s28, $0x1F;
	p4 =	sne.s32 s30, $0x0  }
0xc9: {  	s31 =	sshrl.u32 s29, $0x19;
	p0 =	por !p0, !p4  }
0xca: {  	s26 =	sadd.s32 s31, s28;
	s28 =	simm.s32 $0x1;
	p0 =	por !p0, !p0  }
0xcb: {  	s26 =	sshrl.u32 s26, $0x7;
	s28 =	simm.s32 @!p0 $0x0  }
0xcc: {  	s26 =	ssub.s32 s26, s28  }
0xcd: {  	s26 =	sshll.u32 s26, $0x7  }
0xce: {  	s26 =	sand.u32 $0x1FFFFF80, s26  }
0xcf: {  	s26 =	sadd.s32 s0, s26  }
0xd0: {  	[tilespmem:s15], [sflag:$0x1] =	stream.strided.gather [hbm4b:s26+s9], $0x2000, s10, s9, $0x38;
	[tilespmem:$0x1A200] =	vst v63  }
0xd1: {  	v60 =	vld [tilespmem:$0x0];
	_ =	sdelay $0x4  }
0xd2: {  	v33 =	vsel vm2, $0xFFFFFFFF, v60  }
0xd3: {  	v33 =	vxor.u32 $0x80000000, v33  }
0xd4: {  	(xrf0) =	vmax.scan.msk.u32 $0xffff, v33;
	_ =	sdelay $0x5  }
0xd5: {  	v33, _, _ =	vpop (xrf0)  }
0xd6: {  	(v2sf) =	vpush v33, $0xF;
	_ =	sdelay $0xe  }
0xd7: {  	s1 =	spop (v2sf)  }
0xd8: {  	s28 =	sxor.u32 $0x80000000, s1  }
0xd9: {  	p0 =	slt.s32 s28, $0xF41FF  }
0xda: {  	p5 =	slt.s32 s28, $0x1;
	s28 =	simm.s32 @!p0 $0xF41FF  }
0xdb: {  	p6 =	sgt.s32 s1, $0xFFFFFFFF;
	s2 =	sand.u32 $0x7F, s28  }
0xdc: {  	p0 =	por p6, p5;
	s29 =	sshra.s32 s28, $0x1F;
	p2 =	sne.s32 s2, $0x0  }
0xdd: {  	s30 =	sshrl.u32 s29, $0x19;
	p0 =	por !p0, !p2  }
0xde: {  	s26 =	sadd.s32 s30, s28;
	s28 =	simm.s32 $0x1;
	p0 =	por !p0, !p0  }
0xdf: {  	s26 =	sshrl.u32 s26, $0x7;
	s28 =	simm.s32 @!p0 $0x0  }
0xe0: {  	s26 =	ssub.s32 s26, s28  }
0xe1: {  	s26 =	sshll.u32 s26, $0x7  }
0xe2: {  	s26 =	sand.u32 $0x1FFFFF80, s26  }
0xe3: {  	s26 =	sadd.s32 s0, s26  }
0xe4: {  	[tilespmem:s16], [sflag:$0x1] =	stream.strided.gather [hbm4b:s26+s9], $0x2000, s10, s9, $0x38;
	[tilespmem:$0x1A200] =	vst v63  }
0xe5: {  	v61 =	vld [tilespmem:$0x0];
	_ =	sdelay $0x4  }
0xe6: {  	v33 =	vsel vm3, $0xFFFFFFFF, v61  }
0xe7: {  	v33 =	vxor.u32 $0x80000000, v33  }
0xe8: {  	(xrf0) =	vmax.scan.msk.u32 $0xffff, v33;
	_ =	sdelay $0x5  }
0xe9: {  	v33, _, _ =	vpop (xrf0)  }
0xea: {  	(v2sf) =	vpush v33, $0xF;
	_ =	sdelay $0xe  }
0xeb: {  	s31 =	spop (v2sf)  }
0xec: {  	s28 =	sxor.u32 $0x80000000, s31  }
0xed: {  	p0 =	slt.s32 s28, $0xF41FF  }
0xee: {  	p3 =	slt.s32 s28, $0x1;
	s28 =	simm.s32 @!p0 $0xF41FF  }
0xef: {  	p4 =	sgt.s32 s31, $0xFFFFFFFF;
	s1 =	sand.u32 $0x7F, s28  }
0xf0: {  	p0 =	por p4, p3;
	s29 =	sshra.s32 s28, $0x1F;
	p5 =	sne.s32 s1, $0x0  }
0xf1: {  	s2 =	sshrl.u32 s29, $0x19;
	p0 =	por !p0, !p5  }
0xf2: {  	s26 =	sadd.s32 s2, s28;
	s28 =	simm.s32 $0x1;
	p0 =	por !p0, !p0  }
0xf3: {  	s26 =	sshrl.u32 s26, $0x7;
	s28 =	simm.s32 @!p0 $0x0  }
0xf4: {  	s26 =	ssub.s32 s26, s28  }
0xf5: {  	s26 =	sshll.u32 s26, $0x7  }
0xf6: {  	s26 =	sand.u32 $0x1FFFFF80, s26  }
0xf7: {  	s26 =	sadd.s32 s0, s26  }
0xf8: {  	[tilespmem:s17], [sflag:$0x1] =	stream.strided.gather [hbm4b:s26+s9], $0x2000, s10, s9, $0x38;
	[tilespmem:$0x1A200] =	vst v63  }
0xf9: {  	v62 =	vld [tilespmem:$0x0];
	_ =	sdelay $0x4  }
0xfa: {  	v33 =	vsel vm4, $0xFFFFFFFF, v62  }
0xfb: {  	v33 =	vxor.u32 $0x80000000, v33  }
0xfc: {  	(xrf0) =	vmax.scan.msk.u32 $0xffff, v33;
	_ =	sdelay $0x5  }
0xfd: {  	v33, _, _ =	vpop (xrf0)  }
0xfe: {  	(v2sf) =	vpush v33, $0xF;
	_ =	sdelay $0xe  }
0xff: {  	s30 =	spop (v2sf)  }
0x100: {  	s28 =	sxor.u32 $0x80000000, s30  }
0x101: {  	p0 =	slt.s32 s28, $0xF41FF  }
0x102: {  	p6 =	slt.s32 s28, $0x1;
	s28 =	simm.s32 @!p0 $0xF41FF  }
0x103: {  	p2 =	sgt.s32 s30, $0xFFFFFFFF;
	s31 =	sand.u32 $0x7F, s28  }
0x104: {  	p0 =	por p2, p6;
	s29 =	sshra.s32 s28, $0x1F;
	p3 =	sne.s32 s31, $0x0  }
0x105: {  	s1 =	sshrl.u32 s29, $0x19;
	p0 =	por !p0, !p3  }
0x106: {  	s26 =	sadd.s32 s1, s28;
	s28 =	simm.s32 $0x1;
	p0 =	por !p0, !p0  }
0x107: {  	s26 =	sshrl.u32 s26, $0x7;
	s28 =	simm.s32 @!p0 $0x0  }
0x108: {  	s26 =	ssub.s32 s26, s28  }
0x109: {  	s26 =	sshll.u32 s26, $0x7  }
0x10a: {  	s26 =	sand.u32 $0x1FFFFF80, s26  }
0x10b: {  	s26 =	sadd.s32 s0, s26  }
0x10c: {  	[tilespmem:s18], [sflag:$0x1] =	stream.strided.gather [hbm4b:s26+s9], $0x2000, s10, s9, $0x38;
	[tilespmem:$0x1A200] =	vst v63  }
0x10d: {  	v63 =	vld [tilespmem:$0x0];
	_ =	sdelay $0x4  }
0x10e: {  	v33 =	vsel vm5, $0xFFFFFFFF, v63  }
0x10f: {  	v33 =	vxor.u32 $0x80000000, v33  }
0x110: {  	(xrf0) =	vmax.scan.msk.u32 $0xffff, v33;
	_ =	sdelay $0x5  }
0x111: {  	v33, _, _ =	vpop (xrf0)  }
0x112: {  	(v2sf) =	vpush v33, $0xF;
	_ =	sdelay $0xe  }
0x113: {  	s2 =	spop (v2sf)  }
0x114: {  	s28 =	sxor.u32 $0x80000000, s2  }
0x115: {  	p0 =	slt.s32 s28, $0xF41FF  }
0x116: {  	p4 =	slt.s32 s28, $0x1;
	s28 =	simm.s32 @!p0 $0xF41FF  }
0x117: {  	p5 =	sgt.s32 s2, $0xFFFFFFFF;
	s30 =	sand.u32 $0x7F, s28  }
0x118: {  	p0 =	por p5, p4;
	s29 =	sshra.s32 s28, $0x1F;
	p6 =	sne.s32 s30, $0x0  }
0x119: {  	s31 =	sshrl.u32 s29, $0x19;
	p0 =	por !p0, !p6  }
0x11a: {  	s26 =	sadd.s32 s31, s28;
	s28 =	simm.s32 $0x1;
	p0 =	por !p0, !p0  }
0x11b: {  	s26 =	sshrl.u32 s26, $0x7;
	s28 =	simm.s32 @!p0 $0x0  }
0x11c: {  	s26 =	ssub.s32 s26, s28  }
0x11d: {  	s26 =	sshll.u32 s26, $0x7  }
0x11e: {  	s26 =	sand.u32 $0x1FFFFF80, s26  }
0x11f: {  	s26 =	sadd.s32 s0, s26  }
0x120: {  	[tilespmem:s19], [sflag:$0x1] =	stream.strided.gather [hbm4b:s26+s9], $0x2000, s10, s9, $0x38;
	[tilespmem:$0x1A200] =	vst v63  }
0x121: {  	s29 =	simm.s32 $0x0;
	s28 =	simm.s32 $0x0;
	s26 =	simm.s32 $0x0  }
.LBB2_2:
0x122: {  	_ =	swait.ge [sflag:s13], $0x2000;
	s30 =	sadd.s32 $0x18, s26  }
0x123: {  	[sflag:s13] =	ssyncset.done $0x0;
	s30 =	sand.u32 $0xFC0, s30  }
0x124: {  	[sflag:s13] =	ssyncadd.s32 $0xFFFFE000;
	s30 =	sshrl.u32 s30, $0x2  }
0x125: {  	v33 =	vld [tilespmem:s30+$0x0];
	_ =	sdelay $0x1  }
0x126: {  	s31 =	sadd.s32 $0x6, s28  }
0x127: {  	s30 =	sand.u32 $0xE, s31  }
0x128: {  	v34 =	vmov s30  }
0x129: {  	vm12 =	veq.s32 v34, v0;
	v33 =	vxor.u32 $0x80000000, v33  }
0x12a: {  	v33 =	vnsel vm12, $0x7FFFFFFF, v33  }
0x12b: {  	(xrf0) =	vmax.scan.msk.u32 $0xffff, v33;
	_ =	sdelay $0x5  }
0x12c: {  	v33, _, _ =	vpop (xrf0)  }
0x12d: {  	(v2sf) =	vpush v33, $0xF;
	_ =	sdelay $0xe  }
0x12e: {  	s1 =	spop (v2sf)  }
0x12f: {  	s31 =	sxor.u32 $0x80000000, s1  }
0x130: {  	p0 =	slt.s32 s31, $0xF41FF  }
0x131: {  	p1 =	slt.s32 s31, $0x1;
	s31 =	simm.s32 @!p0 $0xF41FF  }
0x132: {  	p2 =	sgt.s32 s1, $0xFFFFFFFF;
	s2 =	sand.u32 $0x7F, s31  }
0x133: {  	p0 =	por p2, p1;
	s1 =	sshra.s32 s31, $0x1F;
	p3 =	sne.s32 s2, $0x0  }
0x134: {  	s1 =	sshrl.u32 s1, $0x19;
	p0 =	por !p0, !p3  }
0x135: {  	s30 =	simm.s32 $0x1;
	s1 =	sadd.s32 s1, s31;
	p0 =	por !p0, !p0  }
0x136: {  	s1 =	sshrl.u32 s1, $0x7;
	s30 =	simm.s32 @!p0 $0x0  }
0x137: {  	s1 =	ssub.s32 s1, s30  }
0x138: {  	s2 =	sadd.s32 $0xC000, s29;
	s1 =	sshll.u32 s1, $0x7  }
0x139: {  	s30 =	sand.u32 $0xC000, s2;
	s1 =	sand.u32 $0x1FFFFF80, s1  }
0x13a: {  	s30 =	sor.u32 $0x200, s30;
	s1 =	sadd.s32 s0, s1  }
0x13b: {  	[tilespmem:s30], [sflag:$0x1] =	stream.strided.gather [hbm4b:s1+s9], $0x2000, s10, s9, $0x38;
	[tilespmem:$0x1A200] =	vst v63  }
0x13c: {  	s30 =	sand.u32 $0x7C0, s26  }
0x13d: {  	s30 =	sshrl.u32 s30, $0x2  }
0x13e: {  	v54 =	vld [tilespmem:s30+$0x0];
	_ =	sdelay $0x2  }
0x13f: {  	s31 =	sand.u32 $0xE, s28  }
0x140: {  	v55 =	vmov s31  }
0x141: {  	vm12 =	veq.s32 v55, v0;
	v33 =	vxor.u32 $0x80000000, v54  }
0x142: {  	v33 =	vnsel vm12, $0x7FFFFFFF, v33  }
0x143: {  	(xrf0) =	vmax.scan.msk.u32 $0xffff, v33;
	_ =	sdelay $0x5  }
0x144: {  	v33, _, _ =	vpop (xrf0)  }
0x145: {  	(v2sf) =	vpush v33, $0xF;
	_ =	sdelay $0xe  }
0x146: {  	s31 =	spop (v2sf)  }
0x147: {  	p0 =	sgt.u32 s31, $0x800F41FF  }
0x148: {  	s1 =	sadd.s32 @p0 $0x7FF0BE00, s31  }
0x149: {  	v35 =	vadd.s32 @p0 s1, v1  }
0x14a: {  	v56 =	vmov s28  }
0x14b: {  	v57 =	vshll.u32 v56, $0x3  }
0x14c: {  	v34 =	vand.u32 $0xC00, v57;
	v33 =	vand.u32 $0x7E, v56  }
0x14d: {  	v33 =	vor.u32 v33, v34  }
0x14e: {  	v34 =	vor.u32 v2, v33;
	v35 =	vld.idx.msk @p0 [tilespmem:v35+s11+$0x0], $0xffff  }
0x14f: {  	v36 =	vadd.s32 @p0 s1, v3;
	_ =	sdelay $0x3  }
0x150: {  	[tilespmem:v34+s20+$0x0] =	vst.idx.msk @p0 $0xffff, v35  }
0x151: {  	v35 =	vor.u32 @p0 v4, v33;
	v34 =	vld.idx.msk @p0 [tilespmem:v36+s11+$0x0], $0xffff  }
0x152: {  	v36 =	vadd.s32 @p0 s1, v5;
	_ =	sdelay $0x3  }
0x153: {  	[tilespmem:v35+s20+$0x0] =	vst.idx.msk @p0 $0xffff, v34  }
0x154: {  	v35 =	vor.u32 @p0 v6, v33;
	v34 =	vld.idx.msk @p0 [tilespmem:v36+s11+$0x0], $0xffff;
	_ =	sdelay $0x1  }
0x155: {  	v36 =	vadd.s32 @p0 s1, v7;
	_ =	sdelay $0x1  }
0x156: {  	s1 =	sand.u32 @!p0 $0x7F, s31  }
0x157: {  	[tilespmem:v35+s20+$0x0] =	vst.idx.msk @p0 $0xffff, v34;
	v35 =	vor.u32 @!p0 s1, v1;
	_ =	sdelay $0x1  }
0x158: {  	v34 =	vld.idx.msk @p0 [tilespmem:v36+s11+$0x0], $0xffff  }
0x159: {  	s31 =	sand.u32 @!p0 $0xC000, s29  }
0x15a: {  	s31 =	sor.u32 @!p0 $0x200, s31  }
0x15b: {  	v35 =	vld.idx.msk @!p0 [tilespmem:v35+s31+$0x0], $0xffff  }
0x15c: {  	v36 =	vor.u32 @!p0 s1, v3;
	_ =	sdelay $0x3  }
0x15d: {  	[tilespmem:v34+s20+$0x0] =	vst.idx.msk @!p0 $0xffff, v35  }
0x15e: {  	v35 =	vor.u32 @!p0 v4, v33;
	v34 =	vld.idx.msk @!p0 [tilespmem:v36+s31+$0x0], $0xffff  }
0x15f: {  	v36 =	vor.u32 @!p0 s1, v5;
	_ =	sdelay $0x3  }
0x160: {  	[tilespmem:v35+s20+$0x0] =	vst.idx.msk @!p0 $0xffff, v34  }
0x161: {  	v35 =	vor.u32 @!p0 v6, v33;
	v34 =	vld.idx.msk @!p0 [tilespmem:v36+s31+$0x0], $0xffff  }
0x162: {  	v36 =	vor.u32 @!p0 s1, v7;
	_ =	sdelay $0x3  }
0x163: {  	[tilespmem:v35+s20+$0x0] =	vst.idx.msk @!p0 $0xffff, v34  }
0x164: {  	v33 =	vor.u32 v8, v33;
	v34 =	vld.idx.msk @!p0 [tilespmem:v36+s31+$0x0], $0xffff;
	_ =	sdelay $0x4  }
0x165: {  	[tilespmem:v33+s20+$0x0] =	vst.idx.msk $0xffff, v34  }
0x166: {  	s2 =	sadd.s32 $0x1C, s26;
	_ =	swait.ge [sflag:s13], $0x2000  }
0x167: {  	s1 =	sand.u32 $0xFC0, s2;
	[sflag:s13] =	ssyncset.done $0x0  }
0x168: {  	s1 =	sshrl.u32 s1, $0x2;
	[sflag:s13] =	ssyncadd.s32 $0xFFFFE000  }
0x169: {  	v58 =	vld [tilespmem:s1+$0x0];
	_ =	sdelay $0x1  }
0x16a: {  	s31 =	sadd.s32 $0x7, s28  }
0x16b: {  	s1 =	sand.u32 $0xF, s31  }
0x16c: {  	v59 =	vmov s1  }
0x16d: {  	vm12 =	veq.s32 v59, v0;
	v33 =	vxor.u32 $0x80000000, v58  }
0x16e: {  	v33 =	vnsel vm12, $0x7FFFFFFF, v33  }
0x16f: {  	(xrf0) =	vmax.scan.msk.u32 $0xffff, v33;
	_ =	sdelay $0x5  }
0x170: {  	v33, _, _ =	vpop (xrf0)  }
0x171: {  	(v2sf) =	vpush v33, $0xF;
	_ =	sdelay $0xe  }
0x172: {  	s2 =	spop (v2sf)  }
0x173: {  	s31 =	sxor.u32 $0x80000000, s2  }
0x174: {  	p0 =	slt.s32 s31, $0xF41FF  }
0x175: {  	p4 =	slt.s32 s31, $0x1;
	s31 =	simm.s32 @!p0 $0xF41FF  }
0x176: {  	p5 =	sgt.s32 s2, $0xFFFFFFFF;
	s1 =	sand.u32 $0x7F, s31  }
0x177: {  	p0 =	por p5, p4;
	s2 =	sshra.s32 s31, $0x1F;
	p6 =	sne.s32 s1, $0x0  }
0x178: {  	s2 =	sshrl.u32 s2, $0x19;
	p0 =	por !p0, !p6  }
0x179: {  	s1 =	sadd.s32 s2, s31;
	s2 =	simm.s32 $0x1;
	p0 =	por !p0, !p0  }
0x17a: {  	s1 =	sshrl.u32 s1, $0x7;
	s2 =	simm.s32 @!p0 $0x0  }
0x17b: {  	s1 =	ssub.s32 s1, s2  }
0x17c: {  	s31 =	sadd.s32 $0xE000, s29;
	s1 =	sshll.u32 s1, $0x7  }
0x17d: {  	s2 =	sand.u32 $0xE000, s31;
	s1 =	sand.u32 $0x1FFFFF80, s1  }
0x17e: {  	s2 =	sor.u32 $0x200, s2;
	s1 =	sadd.s32 s0, s1  }
0x17f: {  	[tilespmem:s2], [sflag:$0x1] =	stream.strided.gather [hbm4b:s1+s9], $0x2000, s10, s9, $0x38;
	[tilespmem:$0x1A200] =	vst v63  }
0x180: {  	v60 =	vld [tilespmem:s30+$0x0];
	_ =	sdelay $0x1  }
0x181: {  	s30 =	sadd.s32 $0x1, s28  }
0x182: {  	s31 =	sand.u32 $0xF, s30  }
0x183: {  	v61 =	vmov s31  }
0x184: {  	vm12 =	veq.s32 v61, v0;
	v33 =	vxor.u32 $0x80000000, v60  }
0x185: {  	v33 =	vnsel vm12, $0x7FFFFFFF, v33  }
0x186: {  	(xrf0) =	vmax.scan.msk.u32 $0xffff, v33;
	_ =	sdelay $0x5  }
0x187: {  	v33, _, _ =	vpop (xrf0)  }
0x188: {  	(v2sf) =	vpush v33, $0xF;
	_ =	sdelay $0xe  }
0x189: {  	v62 =	vmov s30;
	s30 =	spop (v2sf)  }
0x18a: {  	p0 =	sgt.u32 s30, $0x800F41FF  }
0x18b: {  	s1 =	sadd.s32 @p0 $0x7FF0BE00, s30  }
0x18c: {  	v35 =	vadd.s32 @p0 s1, v1;
	_ =	sdelay $0x1  }
0x18d: {  	v63 =	vshll.u32 v62, $0x3  }
0x18e: {  	v34 =	vand.u32 $0xC00, v63;
	v33 =	vand.u32 $0x7F, v62  }
0x18f: {  	v33 =	vor.u32 v33, v34  }
0x190: {  	v34 =	vor.u32 v2, v33;
	v35 =	vld.idx.msk @p0 [tilespmem:v35+s11+$0x0], $0xffff  }
0x191: {  	v36 =	vadd.s32 @p0 s1, v3;
	_ =	sdelay $0x3  }
0x192: {  	[tilespmem:v34+s20+$0x0] =	vst.idx.msk @p0 $0xffff, v35  }
0x193: {  	v35 =	vor.u32 @p0 v4, v33;
	v34 =	vld.idx.msk @p0 [tilespmem:v36+s11+$0x0], $0xffff  }
0x194: {  	v36 =	vadd.s32 @p0 s1, v5;
	_ =	sdelay $0x3  }
0x195: {  	[tilespmem:v35+s20+$0x0] =	vst.idx.msk @p0 $0xffff, v34  }
0x196: {  	v35 =	vor.u32 @p0 v6, v33;
	v34 =	vld.idx.msk @p0 [tilespmem:v36+s11+$0x0], $0xffff;
	_ =	sdelay $0x1  }
0x197: {  	v36 =	vadd.s32 @p0 s1, v7;
	_ =	sdelay $0x1  }
0x198: {  	s1 =	sand.u32 @!p0 $0x7F, s30  }
0x199: {  	[tilespmem:v35+s20+$0x0] =	vst.idx.msk @p0 $0xffff, v34;
	v35 =	vor.u32 @!p0 s1, v1;
	_ =	sdelay $0x1  }
0x19a: {  	s2 =	sadd.s32 @!p0 $0x2000, s29;
	v34 =	vld.idx.msk @p0 [tilespmem:v36+s11+$0x0], $0xffff  }
0x19b: {  	s2 =	sand.u32 @!p0 $0xE000, s2  }
0x19c: {  	s2 =	sor.u32 @!p0 $0x200, s2  }
0x19d: {  	v35 =	vld.idx.msk @!p0 [tilespmem:v35+s2+$0x0], $0xffff  }
0x19e: {  	v36 =	vor.u32 @!p0 s1, v3;
	_ =	sdelay $0x3  }
0x19f: {  	[tilespmem:v34+s20+$0x0] =	vst.idx.msk @!p0 $0xffff, v35  }
0x1a0: {  	v35 =	vor.u32 @!p0 v4, v33;
	v34 =	vld.idx.msk @!p0 [tilespmem:v36+s2+$0x0], $0xffff  }
0x1a1: {  	v36 =	vor.u32 @!p0 s1, v5;
	_ =	sdelay $0x3  }
0x1a2: {  	[tilespmem:v35+s20+$0x0] =	vst.idx.msk @!p0 $0xffff, v34  }
0x1a3: {  	v35 =	vor.u32 @!p0 v6, v33;
	v34 =	vld.idx.msk @!p0 [tilespmem:v36+s2+$0x0], $0xffff  }
0x1a4: {  	v36 =	vor.u32 @!p0 s1, v7;
	_ =	sdelay $0x3  }
0x1a5: {  	s29 =	sadd.s32 $0x4000, s29;
	[tilespmem:v35+s20+$0x0] =	vst.idx.msk @!p0 $0xffff, v34  }
0x1a6: {  	v33 =	vor.u32 v8, v33;
	v34 =	vld.idx.msk @!p0 [tilespmem:v36+s2+$0x0], $0xffff;
	p0 =	sne.s32 s29, $0x3F4000  }
.Ltmp0:
0x1a7: {  	_ = 	snop;
	(pc) =	sbr.rel @p0 .LBB2_2-.Ltmp0, $2  }
0x1a8: {  	_ =	sdelay $0x2  }
0x1a9: {  	s26 =	sadd.s32 $0x8, s26;
	s28 =	sadd.s32 $0x2, s28;
	[tilespmem:v33+s20+$0x0] =	vst.idx.msk $0xffff, v34  }
0x1aa: {  	_ =	swait.ge [sflag:s13], $0x2000  }
0x1ab: {  	[sflag:s13] =	ssyncset.done $0x0  }
0x1ac: {  	[sflag:s13] =	ssyncadd.s32 $0xFFFFE000  }
0x1ad: {  	v33 =	vld [tilespmem:$0x1F0];
	_ =	sdelay $0x4  }
0x1ae: {  	v33 =	vsel vm6, $0xFFFFFFFF, v33  }
0x1af: {  	v33 =	vxor.u32 $0x80000000, v33  }
0x1b0: {  	(xrf0) =	vmax.scan.msk.u32 $0xffff, v33;
	_ =	sdelay $0x5  }
0x1b1: {  	v33, _, _ =	vpop (xrf0)  }
0x1b2: {  	(v2sf) =	vpush v33, $0xF;
	_ =	sdelay $0xe  }
0x1b3: {  	s26 =	spop (v2sf)  }
0x1b4: {  	p0 =	sgt.u32 s26, $0x800F41FF  }
0x1b5: {  	s1 =	sadd.s32 @p0 $0x7FF0BE00, s26  }
0x1b6: {  	v33 =	vadd.s32 @p0 s1, v1;
	_ =	sdelay $0x4  }
0x1b7: {  	v33 =	vld.idx.msk @p0 [tilespmem:v33+s11+$0x0], $0xffff  }
0x1b8: {  	v34 =	vadd.s32 @p0 s1, v3;
	_ =	sdelay $0x3  }
0x1b9: {  	[tilespmem:v9+s20+$0x0] =	vst.idx.msk @p0 $0xffff, v33  }
0x1ba: {  	v33 =	vld.idx.msk @p0 [tilespmem:v34+s11+$0x0], $0xffff  }
0x1bb: {  	v34 =	vadd.s32 @p0 s1, v5;
	_ =	sdelay $0x3  }
0x1bc: {  	[tilespmem:v10+s20+$0x0] =	vst.idx.msk @p0 $0xffff, v33  }
0x1bd: {  	v33 =	vld.idx.msk @p0 [tilespmem:v34+s11+$0x0], $0xffff  }
0x1be: {  	v34 =	vadd.s32 @p0 s1, v7;
	_ =	sdelay $0x3  }
0x1bf: {  	[tilespmem:v11+s20+$0x0] =	vst.idx.msk @p0 $0xffff, v33  }
0x1c0: {  	v33 =	vld.idx.msk @p0 [tilespmem:v34+s11+$0x0], $0xffff;
	_ =	sdelay $0x3  }
0x1c1: {  	s1 =	sand.u32 @!p0 $0x7F, s26  }
0x1c2: {  	v33 =	vor.u32 @!p0 s1, v1;
	_ =	sdelay $0x4  }
0x1c3: {  	v33 =	vld.idx.msk @!p0 [tilespmem:v33+s16+$0x0], $0xffff  }
0x1c4: {  	v34 =	vor.u32 @!p0 s1, v3;
	_ =	sdelay $0x3  }
0x1c5: {  	[tilespmem:v9+s20+$0x0] =	vst.idx.msk @!p0 $0xffff, v33  }
0x1c6: {  	v33 =	vld.idx.msk @!p0 [tilespmem:v34+s16+$0x0], $0xffff  }
0x1c7: {  	v34 =	vor.u32 @!p0 s1, v5;
	_ =	sdelay $0x3  }
0x1c8: {  	[tilespmem:v10+s20+$0x0] =	vst.idx.msk @!p0 $0xffff, v33  }
0x1c9: {  	v33 =	vld.idx.msk @!p0 [tilespmem:v34+s16+$0x0], $0xffff  }
0x1ca: {  	v34 =	vor.u32 @!p0 s1, v7;
	_ =	sdelay $0x3  }
0x1cb: {  	[tilespmem:v11+s20+$0x0] =	vst.idx.msk @!p0 $0xffff, v33  }
0x1cc: {  	v33 =	vld.idx.msk @!p0 [tilespmem:v34+s16+$0x0], $0xffff;
	_ =	sdelay $0x4  }
0x1cd: {  	[tilespmem:v12+s20+$0x0] =	vst.idx.msk $0xffff, v33  }
0x1ce: {  	_ =	swait.ge [sflag:s13], $0x2000  }
0x1cf: {  	[sflag:s13] =	ssyncset.done $0x0  }
0x1d0: {  	[sflag:s13] =	ssyncadd.s32 $0xFFFFE000  }
0x1d1: {  	v59 =	vld [tilespmem:$0x1F0];
	_ =	sdelay $0x4  }
0x1d2: {  	v33 =	vsel vm7, $0xFFFFFFFF, v59  }
0x1d3: {  	v33 =	vxor.u32 $0x80000000, v33  }
0x1d4: {  	(xrf0) =	vmax.scan.msk.u32 $0xffff, v33;
	_ =	sdelay $0x5  }
0x1d5: {  	v33, _, _ =	vpop (xrf0)  }
0x1d6: {  	(v2sf) =	vpush v33, $0xF;
	_ =	sdelay $0xe  }
0x1d7: {  	s26 =	spop (v2sf)  }
0x1d8: {  	p0 =	sgt.u32 s26, $0x800F41FF  }
0x1d9: {  	s1 =	sadd.s32 @p0 $0x7FF0BE00, s26  }
0x1da: {  	v33 =	vadd.s32 @p0 s1, v1;
	_ =	sdelay $0x4  }
0x1db: {  	v33 =	vld.idx.msk @p0 [tilespmem:v33+s11+$0x0], $0xffff  }
0x1dc: {  	v34 =	vadd.s32 @p0 s1, v3;
	_ =	sdelay $0x3  }
0x1dd: {  	[tilespmem:v13+s20+$0x0] =	vst.idx.msk @p0 $0xffff, v33  }
0x1de: {  	v33 =	vld.idx.msk @p0 [tilespmem:v34+s11+$0x0], $0xffff  }
0x1df: {  	v34 =	vadd.s32 @p0 s1, v5;
	_ =	sdelay $0x3  }
0x1e0: {  	[tilespmem:v14+s20+$0x0] =	vst.idx.msk @p0 $0xffff, v33  }
0x1e1: {  	v33 =	vld.idx.msk @p0 [tilespmem:v34+s11+$0x0], $0xffff  }
0x1e2: {  	v34 =	vadd.s32 @p0 s1, v7;
	_ =	sdelay $0x3  }
0x1e3: {  	[tilespmem:v15+s20+$0x0] =	vst.idx.msk @p0 $0xffff, v33  }
0x1e4: {  	v33 =	vld.idx.msk @p0 [tilespmem:v34+s11+$0x0], $0xffff;
	_ =	sdelay $0x3  }
0x1e5: {  	s1 =	sand.u32 @!p0 $0x7F, s26  }
0x1e6: {  	v33 =	vor.u32 @!p0 s1, v1;
	_ =	sdelay $0x4  }
0x1e7: {  	v33 =	vld.idx.msk @!p0 [tilespmem:v33+s17+$0x0], $0xffff  }
0x1e8: {  	v34 =	vor.u32 @!p0 s1, v3;
	_ =	sdelay $0x3  }
0x1e9: {  	[tilespmem:v13+s20+$0x0] =	vst.idx.msk @!p0 $0xffff, v33  }
0x1ea: {  	v33 =	vld.idx.msk @!p0 [tilespmem:v34+s17+$0x0], $0xffff  }
0x1eb: {  	v34 =	vor.u32 @!p0 s1, v5;
	_ =	sdelay $0x3  }
0x1ec: {  	[tilespmem:v14+s20+$0x0] =	vst.idx.msk @!p0 $0xffff, v33  }
0x1ed: {  	v33 =	vld.idx.msk @!p0 [tilespmem:v34+s17+$0x0], $0xffff  }
0x1ee: {  	v34 =	vor.u32 @!p0 s1, v7;
	_ =	sdelay $0x3  }
0x1ef: {  	[tilespmem:v15+s20+$0x0] =	vst.idx.msk @!p0 $0xffff, v33  }
0x1f0: {  	v33 =	vld.idx.msk @!p0 [tilespmem:v34+s17+$0x0], $0xffff;
	_ =	sdelay $0x4  }
0x1f1: {  	[tilespmem:v16+s20+$0x0] =	vst.idx.msk $0xffff, v33  }
0x1f2: {  	_ =	swait.ge [sflag:s13], $0x2000  }
0x1f3: {  	[sflag:s13] =	ssyncset.done $0x0  }
0x1f4: {  	[sflag:s13] =	ssyncadd.s32 $0xFFFFE000  }
0x1f5: {  	v60 =	vld [tilespmem:$0x1F0];
	_ =	sdelay $0x4  }
0x1f6: {  	v33 =	vsel vm8, $0xFFFFFFFF, v60  }
0x1f7: {  	v33 =	vxor.u32 $0x80000000, v33  }
0x1f8: {  	(xrf0) =	vmax.scan.msk.u32 $0xffff, v33;
	_ =	sdelay $0x5  }
0x1f9: {  	v33, _, _ =	vpop (xrf0)  }
0x1fa: {  	(v2sf) =	vpush v33, $0xF;
	_ =	sdelay $0xe  }
0x1fb: {  	s26 =	spop (v2sf)  }
0x1fc: {  	p0 =	sgt.u32 s26, $0x800F41FF  }
0x1fd: {  	s1 =	sadd.s32 @p0 $0x7FF0BE00, s26  }
0x1fe: {  	v33 =	vadd.s32 @p0 s1, v1;
	_ =	sdelay $0x4  }
0x1ff: {  	v33 =	vld.idx.msk @p0 [tilespmem:v33+s11+$0x0], $0xffff  }
0x200: {  	v34 =	vadd.s32 @p0 s1, v3;
	_ =	sdelay $0x3  }
0x201: {  	[tilespmem:v17+s20+$0x0] =	vst.idx.msk @p0 $0xffff, v33  }
0x202: {  	v33 =	vld.idx.msk @p0 [tilespmem:v34+s11+$0x0], $0xffff  }
0x203: {  	v34 =	vadd.s32 @p0 s1, v5;
	_ =	sdelay $0x3  }
0x204: {  	[tilespmem:v18+s20+$0x0] =	vst.idx.msk @p0 $0xffff, v33  }
0x205: {  	v33 =	vld.idx.msk @p0 [tilespmem:v34+s11+$0x0], $0xffff  }
0x206: {  	v34 =	vadd.s32 @p0 s1, v7;
	_ =	sdelay $0x3  }
0x207: {  	[tilespmem:v19+s20+$0x0] =	vst.idx.msk @p0 $0xffff, v33  }
0x208: {  	v33 =	vld.idx.msk @p0 [tilespmem:v34+s11+$0x0], $0xffff;
	_ =	sdelay $0x3  }
0x209: {  	s1 =	sand.u32 @!p0 $0x7F, s26  }
0x20a: {  	v33 =	vor.u32 @!p0 s1, v1;
	_ =	sdelay $0x4  }
0x20b: {  	v33 =	vld.idx.msk @!p0 [tilespmem:v33+s18+$0x0], $0xffff  }
0x20c: {  	v34 =	vor.u32 @!p0 s1, v3;
	_ =	sdelay $0x3  }
0x20d: {  	[tilespmem:v17+s20+$0x0] =	vst.idx.msk @!p0 $0xffff, v33  }
0x20e: {  	v33 =	vld.idx.msk @!p0 [tilespmem:v34+s18+$0x0], $0xffff  }
0x20f: {  	v34 =	vor.u32 @!p0 s1, v5;
	_ =	sdelay $0x3  }
0x210: {  	[tilespmem:v18+s20+$0x0] =	vst.idx.msk @!p0 $0xffff, v33  }
0x211: {  	v33 =	vld.idx.msk @!p0 [tilespmem:v34+s18+$0x0], $0xffff  }
0x212: {  	v34 =	vor.u32 @!p0 s1, v7;
	_ =	sdelay $0x3  }
0x213: {  	[tilespmem:v19+s20+$0x0] =	vst.idx.msk @!p0 $0xffff, v33  }
0x214: {  	v33 =	vld.idx.msk @!p0 [tilespmem:v34+s18+$0x0], $0xffff;
	_ =	sdelay $0x4  }
0x215: {  	[tilespmem:v20+s20+$0x0] =	vst.idx.msk $0xffff, v33  }
0x216: {  	_ =	swait.ge [sflag:s13], $0x2000  }
0x217: {  	[sflag:s13] =	ssyncset.done $0x0  }
0x218: {  	[sflag:s13] =	ssyncadd.s32 $0xFFFFE000  }
0x219: {  	v61 =	vld [tilespmem:$0x1F0];
	_ =	sdelay $0x4  }
0x21a: {  	v33 =	vsel vm9, $0xFFFFFFFF, v61  }
0x21b: {  	v33 =	vxor.u32 $0x80000000, v33  }
0x21c: {  	(xrf0) =	vmax.scan.msk.u32 $0xffff, v33;
	_ =	sdelay $0x5  }
0x21d: {  	v33, _, _ =	vpop (xrf0)  }
0x21e: {  	(v2sf) =	vpush v33, $0xF;
	_ =	sdelay $0xe  }
0x21f: {  	s26 =	spop (v2sf)  }
0x220: {  	p0 =	sgt.u32 s26, $0x800F41FF  }
0x221: {  	s1 =	sadd.s32 @p0 $0x7FF0BE00, s26  }
0x222: {  	v33 =	vadd.s32 @p0 s1, v1;
	_ =	sdelay $0x4  }
0x223: {  	v33 =	vld.idx.msk @p0 [tilespmem:v33+s11+$0x0], $0xffff  }
0x224: {  	v34 =	vadd.s32 @p0 s1, v3;
	_ =	sdelay $0x3  }
0x225: {  	[tilespmem:v21+s20+$0x0] =	vst.idx.msk @p0 $0xffff, v33  }
0x226: {  	v33 =	vld.idx.msk @p0 [tilespmem:v34+s11+$0x0], $0xffff  }
0x227: {  	v34 =	vadd.s32 @p0 s1, v5;
	_ =	sdelay $0x3  }
0x228: {  	[tilespmem:v22+s20+$0x0] =	vst.idx.msk @p0 $0xffff, v33  }
0x229: {  	v33 =	vld.idx.msk @p0 [tilespmem:v34+s11+$0x0], $0xffff  }
0x22a: {  	v34 =	vadd.s32 @p0 s1, v7;
	_ =	sdelay $0x3  }
0x22b: {  	[tilespmem:v23+s20+$0x0] =	vst.idx.msk @p0 $0xffff, v33  }
0x22c: {  	v33 =	vld.idx.msk @p0 [tilespmem:v34+s11+$0x0], $0xffff;
	_ =	sdelay $0x3  }
0x22d: {  	s1 =	sand.u32 @!p0 $0x7F, s26  }
0x22e: {  	v33 =	vor.u32 @!p0 s1, v1;
	_ =	sdelay $0x4  }
0x22f: {  	v33 =	vld.idx.msk @!p0 [tilespmem:v33+s19+$0x0], $0xffff  }
0x230: {  	v34 =	vor.u32 @!p0 s1, v3;
	_ =	sdelay $0x3  }
0x231: {  	[tilespmem:v21+s20+$0x0] =	vst.idx.msk @!p0 $0xffff, v33  }
0x232: {  	v33 =	vld.idx.msk @!p0 [tilespmem:v34+s19+$0x0], $0xffff  }
0x233: {  	v34 =	vor.u32 @!p0 s1, v5;
	_ =	sdelay $0x3  }
0x234: {  	[tilespmem:v22+s20+$0x0] =	vst.idx.msk @!p0 $0xffff, v33  }
0x235: {  	v33 =	vld.idx.msk @!p0 [tilespmem:v34+s19+$0x0], $0xffff  }
0x236: {  	v34 =	vor.u32 @!p0 s1, v7;
	_ =	sdelay $0x3  }
0x237: {  	[tilespmem:v23+s20+$0x0] =	vst.idx.msk @!p0 $0xffff, v33  }
0x238: {  	v33 =	vld.idx.msk @!p0 [tilespmem:v34+s19+$0x0], $0xffff;
	_ =	sdelay $0x4  }
0x239: {  	[tilespmem:v24+s20+$0x0] =	vst.idx.msk $0xffff, v33  }
0x23a: {  	_ =	swait.ge [sflag:s13], $0x2000  }
0x23b: {  	[sflag:s13] =	ssyncset.done $0x0  }
0x23c: {  	[sflag:s13] =	ssyncadd.s32 $0xFFFFE000  }
0x23d: {  	v62 =	vld [tilespmem:$0x1F0];
	_ =	sdelay $0x4  }
0x23e: {  	v33 =	vsel vm10, $0xFFFFFFFF, v62  }
0x23f: {  	v33 =	vxor.u32 $0x80000000, v33  }
0x240: {  	(xrf0) =	vmax.scan.msk.u32 $0xffff, v33;
	_ =	sdelay $0x5  }
0x241: {  	v33, _, _ =	vpop (xrf0)  }
0x242: {  	(v2sf) =	vpush v33, $0xF;
	_ =	sdelay $0xe  }
0x243: {  	s26 =	spop (v2sf)  }
0x244: {  	p0 =	sgt.u32 s26, $0x800F41FF  }
0x245: {  	s1 =	sadd.s32 @p0 $0x7FF0BE00, s26  }
0x246: {  	v33 =	vadd.s32 @p0 s1, v1;
	_ =	sdelay $0x4  }
0x247: {  	v33 =	vld.idx.msk @p0 [tilespmem:v33+s11+$0x0], $0xffff  }
0x248: {  	v34 =	vadd.s32 @p0 s1, v3;
	_ =	sdelay $0x3  }
0x249: {  	[tilespmem:v25+s20+$0x0] =	vst.idx.msk @p0 $0xffff, v33  }
0x24a: {  	v33 =	vld.idx.msk @p0 [tilespmem:v34+s11+$0x0], $0xffff  }
0x24b: {  	v34 =	vadd.s32 @p0 s1, v5;
	_ =	sdelay $0x3  }
0x24c: {  	[tilespmem:v26+s20+$0x0] =	vst.idx.msk @p0 $0xffff, v33  }
0x24d: {  	v33 =	vld.idx.msk @p0 [tilespmem:v34+s11+$0x0], $0xffff  }
0x24e: {  	v34 =	vadd.s32 @p0 s1, v7;
	_ =	sdelay $0x3  }
0x24f: {  	[tilespmem:v27+s20+$0x0] =	vst.idx.msk @p0 $0xffff, v33  }
0x250: {  	v33 =	vld.idx.msk @p0 [tilespmem:v34+s11+$0x0], $0xffff;
	_ =	sdelay $0x3  }
0x251: {  	s1 =	sand.u32 @!p0 $0x7F, s26  }
0x252: {  	v33 =	vor.u32 @!p0 s1, v1;
	_ =	sdelay $0x4  }
0x253: {  	v33 =	vld.idx.msk @!p0 [tilespmem:v33+s21+$0x0], $0xffff  }
0x254: {  	v34 =	vor.u32 @!p0 s1, v3;
	_ =	sdelay $0x3  }
0x255: {  	[tilespmem:v25+s20+$0x0] =	vst.idx.msk @!p0 $0xffff, v33  }
0x256: {  	v33 =	vld.idx.msk @!p0 [tilespmem:v34+s21+$0x0], $0xffff  }
0x257: {  	v34 =	vor.u32 @!p0 s1, v5;
	_ =	sdelay $0x3  }
0x258: {  	[tilespmem:v26+s20+$0x0] =	vst.idx.msk @!p0 $0xffff, v33  }
0x259: {  	v33 =	vld.idx.msk @!p0 [tilespmem:v34+s21+$0x0], $0xffff  }
0x25a: {  	v34 =	vor.u32 @!p0 s1, v7;
	_ =	sdelay $0x3  }
0x25b: {  	[tilespmem:v27+s20+$0x0] =	vst.idx.msk @!p0 $0xffff, v33  }
0x25c: {  	v33 =	vld.idx.msk @!p0 [tilespmem:v34+s21+$0x0], $0xffff;
	_ =	sdelay $0x4  }
0x25d: {  	[tilespmem:v28+s20+$0x0] =	vst.idx.msk $0xffff, v33  }
0x25e: {  	_ =	swait.ge [sflag:s13], $0x2000  }
0x25f: {  	[sflag:s13] =	ssyncset.done $0x0  }
0x260: {  	[sflag:s13] =	ssyncadd.s32 $0xFFFFE000  }
0x261: {  	v63 =	vld [tilespmem:$0x1F0];
	_ =	sdelay $0x4  }
0x262: {  	v33 =	vsel vm11, $0xFFFFFFFF, v63  }
0x263: {  	v33 =	vxor.u32 $0x80000000, v33  }
0x264: {  	(xrf0) =	vmax.scan.msk.u32 $0xffff, v33;
	_ =	sdelay $0x5  }
0x265: {  	v33, _, _ =	vpop (xrf0)  }
0x266: {  	(v2sf) =	vpush v33, $0xF;
	_ =	sdelay $0xe  }
0x267: {  	s26 =	spop (v2sf)  }
0x268: {  	p0 =	sgt.u32 s26, $0x800F41FF  }
0x269: {  	s1 =	sadd.s32 @p0 $0x7FF0BE00, s26  }
0x26a: {  	v33 =	vadd.s32 @p0 s1, v1;
	_ =	sdelay $0x4  }
0x26b: {  	v33 =	vld.idx.msk @p0 [tilespmem:v33+s11+$0x0], $0xffff  }
0x26c: {  	v34 =	vadd.s32 @p0 s1, v3;
	_ =	sdelay $0x3  }
0x26d: {  	[tilespmem:v29+s20+$0x0] =	vst.idx.msk @p0 $0xffff, v33  }
0x26e: {  	v33 =	vld.idx.msk @p0 [tilespmem:v34+s11+$0x0], $0xffff  }
0x26f: {  	v34 =	vadd.s32 @p0 s1, v5;
	_ =	sdelay $0x3  }
0x270: {  	[tilespmem:v30+s20+$0x0] =	vst.idx.msk @p0 $0xffff, v33  }
0x271: {  	v33 =	vld.idx.msk @p0 [tilespmem:v34+s11+$0x0], $0xffff  }
0x272: {  	v34 =	vadd.s32 @p0 s1, v7;
	_ =	sdelay $0x3  }
0x273: {  	[tilespmem:v31+s20+$0x0] =	vst.idx.msk @p0 $0xffff, v33  }
0x274: {  	v33 =	vld.idx.msk @p0 [tilespmem:v34+s11+$0x0], $0xffff;
	_ =	sdelay $0x3  }
0x275: {  	s1 =	sand.u32 @!p0 $0x7F, s26  }
0x276: {  	v33 =	vor.u32 @!p0 s1, v1;
	_ =	sdelay $0x4  }
0x277: {  	v33 =	vld.idx.msk @!p0 [tilespmem:v33+s22+$0x0], $0xffff  }
0x278: {  	v34 =	vor.u32 @!p0 s1, v3;
	_ =	sdelay $0x3  }
0x279: {  	[tilespmem:v29+s20+$0x0] =	vst.idx.msk @!p0 $0xffff, v33  }
0x27a: {  	v33 =	vld.idx.msk @!p0 [tilespmem:v34+s22+$0x0], $0xffff  }
0x27b: {  	v34 =	vor.u32 @!p0 s1, v5;
	_ =	sdelay $0x3  }
0x27c: {  	[tilespmem:v30+s20+$0x0] =	vst.idx.msk @!p0 $0xffff, v33  }
0x27d: {  	v33 =	vld.idx.msk @!p0 [tilespmem:v34+s22+$0x0], $0xffff  }
0x27e: {  	v34 =	vor.u32 @!p0 s1, v7;
	_ =	sdelay $0x3  }
0x27f: {  	[tilespmem:v31+s20+$0x0] =	vst.idx.msk @!p0 $0xffff, v33  }
0x280: {  	v33 =	vld.idx.msk @!p0 [tilespmem:v34+s22+$0x0], $0xffff;
	_ =	sdelay $0x2  }
0x281: {  	s25 =	sadd.s32 $0x1, s25  }
0x282: {  	p0 =	sne.s32 s25, s7  }
.Ltmp1:
0x283: {  	[tilespmem:v32+s20+$0x0] =	vst.idx.msk $0xffff, v33;
	(pc) =	sbr.rel @p0 .LBB2_1-.Ltmp1, $4  }
0x284: {  	[hbm4b:s6+s23] =	stream.strided.scatter [tilespmem:s20], [sflag:$0x3], $0x8000, s24, s23, $0x38;
	[tilespmem:$0x1A200] =	vst v63  }
0x285: {  	_ =	swait.ge [sflag:s8], $0x8000  }
0x286: {  	[sflag:s8] =	ssyncset.done $0x0  }
0x287: {  	[sflag:s8] =	ssyncadd.s32 $0xFFFF8000  }
0x288: {  	_ =	sfence.sel $0x180000  }
0x289: {  	[bflag:$0x0] =	sbarrier.arrive $0xFFFF  }
0x28a: {  	_ =	strace $0x90000047  }
0x28b: {  	s0 =	stileid.u32;
	[bflag:$0x2] =	sbarrier.arrive $0xFFFF  }
0x28c: {  	p0 =	sne.s32 s0, $0x0;
	s0 =	rddreg [dreg:$0x3]  }
0x28d: {  	s0 =	sadd.s32 @!p0 $0x100000, s0  }
0x28e: {  	[sflag:s0] =	ssyncadd.tile.s32 @!p0 $0x1;
	_ =	shalt  }
.Lfunc_end2:
_tile_overlayer_lowered:
.L_overlay_start_2:
0x28f: {  	(tag) =	ssettag $0x2  }
0x290: {  	s0 =	rddreg [dreg:$0x0];
	s2 =	stileid.u32  }
0x291: {  	s1 =	rddreg [dreg:$0x1];
	p0 =	sne.s32 s2, $0x0  }
0x292: {  	s3 =	rddreg [dreg:$0x2];
	[bflag:$0x3] =	sbarrier.arrive $0xFFFF;
	s2 =	simm.s32 @!p0 $0x1C03  }
0x293: {  	[timem:s3], [sflag:s2] =	dma.local @!p0 [hbm:s0], s1  }
0x294: {  	s0 =	simm.s32 @!p0 $0x3  }
0x295: {  	_ =	swait.ge @!p0 [sflag:s0], s1  }
0x296: {  	s1 =	ssub.s32 @!p0 $0x0, s1;
	[sflag:s0] =	ssyncset.done @!p0 $0x0  }
0x297: {  	[sflag:s0] =	ssyncadd.s32 @!p0 s1  }
0x298: {  	[bflag:$0x3] =	sbarrier.arrive $0xFFFF  }
0x299: {  	_ =	shalt  }

</sc_bundles>
